<compile_context>
chip_gen: v7x
topology: tpu7x:2x2x1
jax: 0.10.2.dev20260603
libtpu: 0.0.44.dev20260713+nightly
codegen_flags: <defaults>
</compile_context>

<pallas_src>
import functools

import jax
import jax.numpy as jnp
from jax import lax
from jax.experimental import pallas as pl
from jax.experimental.pallas import tpu as pltpu
from jax.experimental.pallas import tpu_sc as plsc

IN = 128
OUT = 128
BERT = 768
N_SRL = 10000
N_TOK = 10000
E_REL = 160000
E_S2T = 160000
T = 512
NSTART = 500
NLEN = 8
NSPAN = NLEN * NSTART

NC = 2
NS = 16
NW = NC * NS
CH = 128
E_PAD = 163840
EPW = E_PAD // NW
NCH = EPW // CH
EPT = E_PAD // NS
NCH2 = EPT // CH
ACC_N = 10240
ZPT = ACC_N // NS
CPA = 632
CPL = N_SRL - 15 * CPA

NCHT = E_PAD // CH
K0 = 56
K1 = (NCHT // NS) - K0
CB1 = NS * K0
NCHPT = NCHT // NS
GP = 512
HHALF = N_TOK // NC
HZERO = HHALF
HTAB = HHALF + 8
HSA = 312
HSL = HHALF - 15 * HSA

_f32 = jnp.float32


def _leaky(x):
    return jnp.where(x >= 0, x, 0.01 * x)



def _prep_body(bert_ref, fs_ref, ft_ref, rwa_ref, rwb_ref, rb_ref,
               w1_ref, b1_ref, w2_ref, b2_ref, aw2_ref, ab_ref,
               a_ref, r_ref, batt_ref, htok_ref):
    r_ref[...] = jnp.dot(bert_ref[...], rwb_ref[...],
                         preferred_element_type=_f32)

    def ntrans(x):
        u = jnp.dot(x, w1_ref[...], preferred_element_type=_f32) + b1_ref[...]
        u = _leaky(u)
        return jnp.dot(u, w2_ref[...], preferred_element_type=_f32) + b2_ref[...]

    fs = fs_ref[...]
    a_ref[...] = jnp.dot(fs, rwa_ref[...], preferred_element_type=_f32) + rb_ref[...]
    t = ntrans(fs)
    batt_ref[...] = jnp.dot(t, aw2_ref[...], preferred_element_type=_f32) + ab_ref[...]
    htok_ref[...] = ntrans(ft_ref[...])


def _tc_prep(bert, fs, ft, rwa, rwb, rb, w1, b1, w2, b2, aw2, ab):
    return pl.pallas_call(
        _prep_body,
        out_shape=(
            jax.ShapeDtypeStruct((N_SRL, IN), _f32),
            jax.ShapeDtypeStruct((GP, OUT), _f32),
            jax.ShapeDtypeStruct((N_SRL, OUT), _f32),
            jax.ShapeDtypeStruct((N_TOK, OUT), _f32),
        ),
    )(bert, fs, ft, rwa, rwb, rb, w1, b1, w2, b2, aw2, ab)



_MESH = plsc.VectorSubcoreMesh(core_axis_name="c", subcore_axis_name="s",
                               num_cores=NC, num_subcores=NS)


def _sc_gather(a_tab, b_tab, src_g, dst_g):
    @functools.partial(
        pl.kernel,
        out_type=(
            jax.ShapeDtypeStruct((E_PAD, OUT), _f32),
            jax.ShapeDtypeStruct((E_PAD, OUT), _f32),
        ),
        mesh=_MESH,
        scratch_types=[
            pltpu.VMEM((NCHPT, CH), jnp.int32),
            pltpu.VMEM((CH, OUT), _f32),
            pltpu.VMEM((CH, OUT), _f32),
            pltpu.VMEM_SHARED((N_SRL, OUT), _f32),
            pltpu.SemaphoreType.DMA,
            pltpu.SemaphoreType.DMA,
        ],
    )
    def k(a_h, b_h, src_h, dst_h, oa, ob, idx_v, r0, r1, tab, g0, g1):
        c = lax.axis_index("c")
        s = lax.axis_index("s")

        def stage(tab_h):
            @pl.when(s < NS - 1)
            def _():
                pltpu.sync_copy(tab_h.at[pl.ds(s * CPA, CPA)],
                                tab.at[pl.ds(s * CPA, CPA)])

            @pl.when(s == NS - 1)
            def _():
                pltpu.sync_copy(tab_h.at[pl.ds((NS - 1) * CPA, CPL)],
                                tab.at[pl.ds((NS - 1) * CPA, CPL)])

        def pipe(idx_h, out_h):
            gbase = s * NCHPT
            pltpu.sync_copy(idx_h.at[pl.ds(gbase, NCHPT)], idx_v)

            def gat(j, buf, sem):
                pltpu.async_copy(tab.at[idx_v.at[j]], buf, sem)

            def drain(buf, sem):
                pltpu.make_async_copy(a_h.at[pl.ds(0, CH)], buf, sem).wait()

            def write(j, buf):
                pltpu.sync_copy(buf, out_h.at[pl.ds((gbase + j) * CH, CH)])

            gat(0, r0, g0)

            def body(k_, carry):
                j0 = 2 * k_
                j1 = j0 + 1
                drain(r0, g0)
                gat(j1, r1, g1)
                write(j0, r0)
                drain(r1, g1)
                gat(jnp.minimum(j0 + 2, NCHPT - 1), r0, g0)
                write(j1, r1)
                return carry

            lax.fori_loop(0, NCHPT // 2, body, 0)
            drain(r0, g0)

        @pl.when(c == 0)
        def _():
            stage(a_h)

        @pl.when(c == 1)
        def _():
            stage(b_h)

        plsc.subcore_barrier()

        @pl.when(c == 0)
        def _():
            pipe(src_h, oa)

        @pl.when(c == 1)
        def _():
            pipe(dst_h, ob)

    return k(a_tab, b_tab, src_g, dst_g)



_BE = 2048


def _edge_body(a_ref, b_ref, st_ref, ln_ref, g_ref,
               w1_ref, b1_ref, w2_ref, b2_ref, aw1_ref, ex_ref, p_ref):
    st = st_ref[...]
    ln = ln_ref[...]
    yy = st + ln + 1
    inv = _f32(1.0) / (ln.astype(_f32) + _f32(1.0))
    tt = lax.broadcasted_iota(jnp.int32, (GP, _BE), 0)
    mt = jnp.where((tt >= st) & (tt < yy), inv, _f32(0.0))
    rel = lax.dot_general(mt, g_ref[...], (((0,), (0,)), ((), ())),
                          preferred_element_type=_f32)
    pre = a_ref[...] + rel
    u = jnp.dot(pre, w1_ref[...], preferred_element_type=_f32) + b1_ref[...]
    u = _leaky(u)
    m = jnp.dot(u, w2_ref[...], preferred_element_type=_f32) + b2_ref[...]
    e = jnp.dot(m, aw1_ref[...], preferred_element_type=_f32) + b_ref[...]
    e = _leaky(e)
    ex = jnp.exp(e)
    ex_ref[...] = ex
    p_ref[...] = ex * m


def _tc_edge(a_src, b_dst, st_row, ln_row, g_tab, w1, b1, w2, b2, aw1):
    nblk = E_PAD // _BE
    edge_spec = pl.BlockSpec((_BE, OUT), lambda i: (i, 0))
    row_spec = pl.BlockSpec((1, _BE), lambda i: (0, i))
    g_spec = pl.BlockSpec((GP, OUT), lambda i: (0, 0))
    w_spec = pl.BlockSpec((IN, OUT), lambda i: (0, 0))
    bias_spec = pl.BlockSpec((1, OUT), lambda i: (0, 0))
    return pl.pallas_call(
        _edge_body,
        grid=(nblk,),
        in_specs=[edge_spec, edge_spec, row_spec, row_spec, g_spec,
                  w_spec, bias_spec, w_spec, bias_spec, w_spec],
        out_specs=[edge_spec, edge_spec],
        out_shape=(
            jax.ShapeDtypeStruct((E_PAD, OUT), _f32),
            jax.ShapeDtypeStruct((E_PAD, OUT), _f32),
        ),
    )(a_src, b_dst, st_row, ln_row, g_tab, w1, b1, w2, b2, aw1)



def _sc_scatter(ex, p, dst_s, zrows):
    @functools.partial(
        pl.kernel,
        out_type=(
            jax.ShapeDtypeStruct((N_SRL, OUT), _f32),
            jax.ShapeDtypeStruct((N_SRL, OUT), _f32),
        ),
        mesh=_MESH,
        scratch_types=[
            pltpu.VMEM((NCH2, CH), jnp.int32),
            pltpu.VMEM((CH, OUT), _f32),
            pltpu.VMEM((CH, OUT), _f32),
            pltpu.VMEM_SHARED((ACC_N, OUT), _f32),
            pltpu.SemaphoreType.DMA,
            pltpu.SemaphoreType.DMA,
        ],
    )
    def k(ex_h, p_h, dst_h, z_h, den_o, num_o, idx_v, rows0, rows1, acc,
          r0, r1):
        c = lax.axis_index("c")
        s = lax.axis_index("s")
        pltpu.sync_copy(z_h, acc.at[pl.ds(s * ZPT, ZPT)])
        pltpu.sync_copy(dst_h.at[s], idx_v)
        plsc.subcore_barrier()

        def run(src_h):
            def read(j, buf, sem):
                pltpu.async_copy(src_h.at[pl.ds(s * EPT + j * CH, CH)],
                                 buf, sem)

            def drain(buf, sem):
                pltpu.make_async_copy(src_h.at[pl.ds(0, CH)], buf, sem).wait()

            def scat(j, buf):
                pltpu.sync_copy(buf, acc.at[idx_v.at[j]], add=True)

            read(0, rows0, r0)

            def body(k_, carry):
                j0 = 2 * k_
                j1 = j0 + 1
                drain(rows0, r0)
                read(j1, rows1, r1)
                scat(j0, rows0)
                drain(rows1, r1)
                read(jnp.minimum(j0 + 2, NCH2 - 1), rows0, r0)
                scat(j1, rows1)
                return carry

            lax.fori_loop(0, NCH2 // 2, body, 0)
            drain(rows0, r0)

        @pl.when(c == 0)
        def _():
            run(ex_h)

        @pl.when(c == 1)
        def _():
            run(p_h)

        plsc.subcore_barrier()

        @pl.when((c == 0) & (s < NS - 1))
        def _():
            pltpu.sync_copy(acc.at[pl.ds(s * CPA, CPA)],
                            den_o.at[pl.ds(s * CPA, CPA)])

        @pl.when((c == 0) & (s == NS - 1))
        def _():
            pltpu.sync_copy(acc.at[pl.ds((NS - 1) * CPA, CPL)],
                            den_o.at[pl.ds((NS - 1) * CPA, CPL)])

        @pl.when((c == 1) & (s < NS - 1))
        def _():
            pltpu.sync_copy(acc.at[pl.ds(s * CPA, CPA)],
                            num_o.at[pl.ds(s * CPA, CPA)])

        @pl.when((c == 1) & (s == NS - 1))
        def _():
            pltpu.sync_copy(acc.at[pl.ds((NS - 1) * CPA, CPL)],
                            num_o.at[pl.ds((NS - 1) * CPA, CPL)])

    return k(ex, p, dst_s, zrows)



def _fin_body(den_ref, num_ref, fs_ref, out_ref):
    den = den_ref[...]
    keep = den > 0
    safe = jnp.where(keep, den, _f32(1.0))
    out_ref[...] = jnp.where(keep, num_ref[...] / safe, fs_ref[...])


def _tc_fin(denom, numer, fs):
    return pl.pallas_call(
        _fin_body,
        out_shape=jax.ShapeDtypeStruct((N_SRL, IN), _f32),
    )(denom, numer, fs)



def _sc_gather2(h_srl, s2_g):
    @functools.partial(
        pl.kernel,
        out_type=jax.ShapeDtypeStruct((E_PAD, OUT), _f32),
        mesh=_MESH,
        scratch_types=[
            pltpu.VMEM((NCH, CH), jnp.int32),
            pltpu.VMEM((CH, OUT), _f32),
            pltpu.VMEM((CH, OUT), _f32),
            pltpu.VMEM_SHARED((N_TOK, OUT), _f32),
            pltpu.SemaphoreType.DMA,
            pltpu.SemaphoreType.DMA,
        ],
    )
    def k(h_h, s2_h, out_h, idx_v, r0, r1, tab, g0, g1):
        c = lax.axis_index("c")
        s = lax.axis_index("s")
        wid = s * NC + c

        @pl.when(s < NS - 1)
        def _():
            pltpu.sync_copy(h_h.at[pl.ds(s * CPA, CPA)],
                            tab.at[pl.ds(s * CPA, CPA)])

        @pl.when(s == NS - 1)
        def _():
            pltpu.sync_copy(h_h.at[pl.ds((NS - 1) * CPA, CPL)],
                            tab.at[pl.ds((NS - 1) * CPA, CPL)])

        gbase = wid * NCH
        pltpu.sync_copy(s2_h.at[pl.ds(gbase, NCH)], idx_v)
        plsc.subcore_barrier()

        def gat(j, buf, sem):
            pltpu.async_copy(tab.at[idx_v.at[j]], buf, sem)

        def drain(buf, sem):
            pltpu.make_async_copy(h_h.at[pl.ds(0, CH)], buf, sem).wait()

        def write(j, buf):
            pltpu.sync_copy(buf, out_h.at[pl.ds((gbase + j) * CH, CH)])

        gat(0, r0, g0)

        def body(k_, carry):
            j0 = 2 * k_
            j1 = j0 + 1
            drain(r0, g0)
            gat(j1, r1, g1)
            write(j0, r0)
            drain(r1, g1)
            gat(jnp.minimum(j0 + 2, NCH - 1), r0, g0)
            write(j1, r1)
            return carry

        lax.fori_loop(0, NCH // 2, body, 0)
        drain(r0, g0)

    return k(h_srl, s2_g)


def _sc_scatter2(hs2, d2_g, zrows):
    @functools.partial(
        pl.kernel,
        out_type=jax.ShapeDtypeStruct((NC, N_TOK, OUT), _f32),
        mesh=_MESH,
        scratch_types=[
            pltpu.VMEM((NCH, CH), jnp.int32),
            pltpu.VMEM((CH, OUT), _f32),
            pltpu.VMEM((CH, OUT), _f32),
            pltpu.VMEM_SHARED((ACC_N, OUT), _f32),
            pltpu.SemaphoreType.DMA,
            pltpu.SemaphoreType.DMA,
        ],
    )
    def k(v_h, d2_h, z_h, out_o, idx_v, r0, r1, acc, g0, g1):
        c = lax.axis_index("c")
        s = lax.axis_index("s")
        wid = s * NC + c
        pltpu.sync_copy(z_h, acc.at[pl.ds(s * ZPT, ZPT)])
        gbase = wid * NCH
        pltpu.sync_copy(d2_h.at[pl.ds(gbase, NCH)], idx_v)
        plsc.subcore_barrier()

        def read(j, buf, sem):
            pltpu.async_copy(v_h.at[pl.ds((gbase + j) * CH, CH)], buf, sem)

        def drain(buf, sem):
            pltpu.make_async_copy(v_h.at[pl.ds(0, CH)], buf, sem).wait()

        def scat(j, buf):
            pltpu.sync_copy(buf, acc.at[idx_v.at[j]], add=True)

        read(0, r0, g0)

        def body(k_, carry):
            j0 = 2 * k_
            j1 = j0 + 1
            drain(r0, g0)
            read(j1, r1, g1)
            scat(j0, r0)
            drain(r1, g1)
            read(jnp.minimum(j0 + 2, NCH - 1), r0, g0)
            scat(j1, r1)
            return carry

        lax.fori_loop(0, NCH // 2, body, 0)
        drain(r0, g0)
        plsc.subcore_barrier()

        @pl.when(s < NS - 1)
        def _():
            pltpu.sync_copy(acc.at[pl.ds(s * CPA, CPA)],
                            out_o.at[c, pl.ds(s * CPA, CPA)])

        @pl.when(s == NS - 1)
        def _():
            pltpu.sync_copy(acc.at[pl.ds((NS - 1) * CPA, CPL)],
                            out_o.at[c, pl.ds((NS - 1) * CPA, CPL)])

    return k(hs2, d2_g, zrows)



def _gru_body(p0_ref, p1_ref, htok_ref, wih_ref, whh_ref, bih_ref, bhh_ref,
              out_ref):
    x1 = p0_ref[...] + p1_ref[...]
    h = jnp.zeros((N_TOK, OUT), _f32)
    for x in (x1, htok_ref[...]):
        gi = jnp.dot(x, wih_ref[...], preferred_element_type=_f32) + bih_ref[...]
        gh = jnp.dot(h, whh_ref[...], preferred_element_type=_f32) + bhh_ref[...]
        ir, iz, inn = gi[:, :OUT], gi[:, OUT:2 * OUT], gi[:, 2 * OUT:]
        hr, hz, hn = gh[:, :OUT], gh[:, OUT:2 * OUT], gh[:, 2 * OUT:]
        r = jax.nn.sigmoid(ir + hr)
        z = jax.nn.sigmoid(iz + hz)
        n = jnp.tanh(inn + r * hn)
        h = (1.0 - z) * n + z * h
    out_ref[...] = h


def _tc_gru(p0, p1, htok, wih, whh, bih, bhh):
    return pl.pallas_call(
        _gru_body,
        out_shape=jax.ShapeDtypeStruct((N_TOK, OUT), _f32),
    )(p0, p1, htok, wih, whh, bih, bhh)



def kernel(feat_srl, feat_tok, bert_token_emb, edge_index_rel, span_start,
           span_len, edge_index_s2t, rel_W, rel_b, nt_W1, nt_b1, nt_W2, nt_b2,
           att_W, att_b, gru_Wih, gru_Whh, gru_bih, gru_bhh):
    rwa = rel_W[:IN]
    rwb = rel_W[IN:]
    aw1 = att_W[:OUT]
    aw2 = att_W[OUT:]
    rb = rel_b.reshape(1, IN)
    b1 = nt_b1.reshape(1, IN)
    b2 = nt_b2.reshape(1, OUT)
    ab = att_b.reshape(1, OUT)
    bih = gru_bih.reshape(1, 3 * OUT)
    bhh = gru_bhh.reshape(1, 3 * OUT)

    a_tab, g_tab, b_tab, h_tok = _tc_prep(
        bert_token_emb, feat_srl, feat_tok, rwa, rwb, rb,
        nt_W1, b1, nt_W2, b2, aw2, ab)

    npad = E_PAD - E_REL
    zpad = jnp.zeros((npad,), jnp.int32)
    trash = jnp.full((npad,), N_SRL, jnp.int32)
    src = jnp.concatenate([edge_index_rel[0].astype(jnp.int32), zpad])
    dst = jnp.concatenate([edge_index_rel[1].astype(jnp.int32), trash])
    src_g = src.reshape(NCHT, CH)
    dst_g = jnp.where(dst >= N_SRL, 0, dst).reshape(NCHT, CH)
    st_row = jnp.concatenate(
        [span_start.astype(jnp.int32), zpad]).reshape(1, E_PAD)
    ln_row = jnp.concatenate(
        [span_len.astype(jnp.int32), zpad]).reshape(1, E_PAD)

    a_src, b_dst = _sc_gather(a_tab, b_tab, src_g, dst_g)

    ex, p = _tc_edge(a_src, b_dst, st_row, ln_row, g_tab,
                     nt_W1, b1, nt_W2, b2, aw1)

    zrows = jnp.zeros((ZPT, OUT), _f32)
    dst_s = dst.reshape(NS, NCH2, CH)
    denom, numer = _sc_scatter(ex, p, dst_s, zrows)

    h_srl = _tc_fin(denom, numer, feat_srl)

    s2_g = jnp.concatenate(
        [edge_index_s2t[0].astype(jnp.int32), zpad]).reshape(NCHT, CH)
    d2_g = jnp.concatenate(
        [edge_index_s2t[1].astype(jnp.int32), trash]).reshape(NCHT, CH)
    hs2 = _sc_gather2(h_srl, s2_g)
    partials = _sc_scatter2(hs2, d2_g, zrows)

    h_out = _tc_gru(partials[0], partials[1], h_tok, gru_Wih, gru_Whh, bih, bhh)
    return (h_srl, h_out)

# --- scband reference (transcript-rebuilt; emitter-appended) ---
"""Pipeline reference for scband-hetero-rgcnlayer-50010599194657 (READ-ONLY COPY).

The authoritative reference and input builder live on the scoring server;
editing this copy changes nothing except your own understanding.
"""

import jax, jax.numpy as jnp
import numpy as np

IN = 128
OUT = 128
BERT = 768
N_SRL = 10000
N_TOK = 10000
E_REL = 160000
E_S2T = 160000
T = 512


def _leaky(x, slope=0.01):
    return jnp.where(x >= 0, x, slope * x)


def setup_inputs(seed: int = 0):
    key = jax.random.key(seed)
    ks = jax.random.split(key, 16)
    s = 0.05
    inp = {}
    inp['feat_srl'] = jax.random.normal(ks[0], (N_SRL, IN), dtype=jnp.float32)
    inp['feat_tok'] = jax.random.normal(ks[1], (N_TOK, IN), dtype=jnp.float32)
    inp['bert_token_emb'] = jax.random.normal(ks[2], (T, BERT), dtype=jnp.float32)
    inp['edge_index_rel'] = jax.random.randint(ks[3], (2, E_REL), 0, N_SRL)
    inp['span_start'] = jax.random.randint(ks[4], (E_REL,), 0, 500)
    inp['span_len'] = jax.random.randint(ks[5], (E_REL,), 0, 8)
    inp['edge_index_s2t'] = jax.random.randint(ks[6], (2, E_S2T), 0, N_TOK)
    # learned parameters (rel_trans, node_trans MLP, node_att, GRU)
    inp['rel_W'] = jax.random.normal(ks[7], (IN + BERT, IN), dtype=jnp.float32) * s
    inp['rel_b'] = jnp.zeros((IN,), dtype=jnp.float32)
    inp['nt_W1'] = jax.random.normal(ks[8], (IN, IN), dtype=jnp.float32) * s
    inp['nt_b1'] = jnp.zeros((IN,), dtype=jnp.float32)
    inp['nt_W2'] = jax.random.normal(ks[9], (IN, OUT), dtype=jnp.float32) * s
    inp['nt_b2'] = jnp.zeros((OUT,), dtype=jnp.float32)
    inp['att_W'] = jax.random.normal(ks[10], (2 * OUT, OUT), dtype=jnp.float32) * s
    inp['att_b'] = jnp.zeros((OUT,), dtype=jnp.float32)
    inp['gru_Wih'] = jax.random.normal(ks[11], (OUT, 3 * OUT), dtype=jnp.float32) * s
    inp['gru_Whh'] = jax.random.normal(ks[12], (OUT, 3 * OUT), dtype=jnp.float32) * s
    inp['gru_bih'] = jnp.zeros((3 * OUT,), dtype=jnp.float32)
    inp['gru_bhh'] = jnp.zeros((3 * OUT,), dtype=jnp.float32)
    return inp


def reference(feat_srl, feat_tok, bert_token_emb, edge_index_rel, span_start, span_len,
              edge_index_s2t, rel_W, rel_b, nt_W1, nt_b1, nt_W2, nt_b2, att_W, att_b,
              gru_Wih, gru_Whh, gru_bih, gru_bhh):
    def node_trans(x):
        return _leaky(x @ nt_W1 + nt_b1) @ nt_W2 + nt_b2

    # --- srl2srl relation edges: message_func_rel + attention reduce_func ---
    src = edge_index_rel[0]
    dst = edge_index_rel[1]
    # mean-pool bert span embeddings, vectorized via prefix sums (faithful to per-edge mean(bert[x:y]))
    csum = jnp.concatenate([jnp.zeros((1, BERT), dtype=bert_token_emb.dtype),
                            jnp.cumsum(bert_token_emb, axis=0)], axis=0)
    yidx = span_start + span_len + 1  # span length in [1, 8]
    length = (yidx - span_start).astype(jnp.float32)
    rel_emb = (csum[yidx] - csum[span_start]) / length[:, None]
    src_h = feat_srl[src]
    m = node_trans(jnp.concatenate([src_h, rel_emb], axis=1) @ rel_W + rel_b)
    dst_t = node_trans(feat_srl[dst])
    e = _leaky(jnp.concatenate([m, dst_t], axis=1) @ att_W + att_b)
    # softmax over incoming edges per dst node, per channel (mailbox dim=1 softmax)
    emax = jax.lax.stop_gradient(jax.ops.segment_max(e, dst, num_segments=N_SRL))
    ex = jnp.exp(e - emax[dst])
    denom = jax.ops.segment_sum(ex, dst, num_segments=N_SRL)
    alpha = ex / denom[dst]
    h_new = jax.ops.segment_sum(alpha * m, dst, num_segments=N_SRL)
    deg = jax.ops.segment_sum(jnp.ones((E_REL,), jnp.float32), dst, num_segments=N_SRL)
    h_srl = jnp.where((deg > 0)[:, None], h_new, feat_srl)  # zero in-degree nodes keep old 'h'

    # --- srl2tok: message = src['h'], fn.sum -> tok 'h_srl' ---
    s2 = edge_index_s2t[0]
    d2 = edge_index_s2t[1]
    h_srl_on_tok = jax.ops.segment_sum(h_srl[s2], d2, num_segments=N_TOK)

    # --- GRU fusion over [h_srl, h_tok] sequence (PyTorch GRU equations) ---
    h_tok = node_trans(feat_tok)
    h = jnp.zeros((N_TOK, OUT), dtype=jnp.float32)
    for x in (h_srl_on_tok, h_tok):
        gi = x @ gru_Wih + gru_bih
        gh = h @ gru_Whh + gru_bhh
        ir, iz, inn = jnp.split(gi, 3, axis=1)
        hr, hz, hn = jnp.split(gh, 3, axis=1)
        r = jax.nn.sigmoid(ir + hr)
        z = jax.nn.sigmoid(iz + hz)
        n = jnp.tanh(inn + r * hn)
        h = (1.0 - z) * n + z * h
    return (h_srl, h)

if __name__ == "__main__":
    import jax
    _d = setup_inputs()
    print(jax.jit(kernel)(*tuple(_d.values())))

</pallas_src>

<mosaic_0001>
#map = affine_map<(d0, d1) -> (0, 0)>
module attributes {stable_mosaic.version = 14 : i64} {
  func.func @k(%arg0: i32, %arg1: i32, %arg2: memref<10000x128xf32, #tpu.memory_space<hbm>>, %arg3: memref<1280x128xi32, #tpu.memory_space<hbm>>, %arg4: memref<163840x128xf32, #tpu.memory_space<hbm>>, %arg5: memref<40x128xi32, #tpu.memory_space<vmem>>, %arg6: memref<128x128xf32, #tpu.memory_space<vmem>>, %arg7: memref<128x128xf32, #tpu.memory_space<vmem>>, %arg8: memref<10000x128xf32, #tpu.memory_space<vmem_shared>>, %arg9: memref<!tpu.dma_semaphore, #tpu.memory_space<semaphore_mem>>, %arg10: memref<!tpu.dma_semaphore, #tpu.memory_space<semaphore_mem>>) attributes {dimension_semantics = [#tpu.dimension_semantics<core_parallel>, #tpu.dimension_semantics<subcore_parallel>], iteration_bounds = array<i64: 2, 16>, scalar_prefetch = 0 : i64, scratch_operands = 6 : i64, tpu.core_type = #tpu.core_type<sc_vector_subcore>, window_params = [{transform_indices = #map}, {transform_indices = #map}, {transform_indices = #map}]} {
    %mul3A = arith.constant 2 : i32
    %mul3A_0 = arith.muli %arg1, %mul3A : i32
    %add3A = arith.addi %mul3A_0, %arg0 : i32
    %lt3A = arith.constant 15 : i32
    %lt3A_1 = arith.cmpi slt, %arg1, %lt3A : i32
    %convert_element_type3A = arith.extui %lt3A_1 : i1 to i32
    %cond3A = arith.constant 0 : i32
    %cond3A_2 = arith.cmpi ne, %convert_element_type3A, %cond3A : i32
    scf.if %cond3A_2 {
      %mul3A_25 = arith.constant 632 : i32
      %mul3A_26 = arith.muli %arg1, %mul3A_25 : i32
      %mul3A_27 = arith.constant 632 : i32
      %mul3A_28 = arith.muli %arg1, %mul3A_27 : i32
      "tpu.region"() ({
        %run_scoped3A = tpu.sem_alloc : memref<!tpu.dma_semaphore, #tpu.memory_space<semaphore_mem>>
        %dma_start3A_29 = arith.constant 0 : i32
        %dma_start3A_30 = tpu.memref_slice %arg8[%mul3A_28, %dma_start3A_29] : memref<10000x128xf32, #tpu.memory_space<vmem_shared>> -> memref<632x128xf32, #tpu.memory_space<vmem_shared>>
        %dma_start3A_31 = arith.constant 0 : i32
        %dma_start3A_32 = tpu.memref_slice %arg2[%mul3A_26, %dma_start3A_31] : memref<10000x128xf32, #tpu.memory_space<hbm>> -> memref<632x128xf32, #tpu.memory_space<hbm>>
        tpu.enqueue_dma source(%dma_start3A_32 : memref<632x128xf32, #tpu.memory_space<hbm>>) target(%dma_start3A_30 : memref<632x128xf32, #tpu.memory_space<vmem_shared>>) target_semaphore(%run_scoped3A : memref<!tpu.dma_semaphore, #tpu.memory_space<semaphore_mem>>)
        %dma_wait3A_33 = arith.constant 0 : i32
        %dma_wait3A_34 = tpu.memref_slice %arg8[%mul3A_28, %dma_wait3A_33] : memref<10000x128xf32, #tpu.memory_space<vmem_shared>> -> memref<632x128xf32, #tpu.memory_space<vmem_shared>>
        %dma_wait3A_35 = arith.constant 0 : i32
        %dma_wait3A_36 = tpu.memref_slice %arg2[%mul3A_26, %dma_wait3A_35] : memref<10000x128xf32, #tpu.memory_space<hbm>> -> memref<632x128xf32, #tpu.memory_space<hbm>>
        tpu.wait_dma2 semaphore(%run_scoped3A : memref<!tpu.dma_semaphore, #tpu.memory_space<semaphore_mem>>) src(%dma_wait3A_36 : memref<632x128xf32, #tpu.memory_space<hbm>>) dst(%dma_wait3A_34 : memref<632x128xf32, #tpu.memory_space<vmem_shared>>)
        tpu.yield
      }) : () -> ()
    } else {
    }
    %eq3A = arith.constant 15 : i32
    %eq3A_3 = arith.cmpi eq, %arg1, %eq3A : i32
    %convert_element_type3A_4 = arith.extui %eq3A_3 : i1 to i32
    %cond3A_5 = arith.constant 0 : i32
    %cond3A_6 = arith.cmpi ne, %convert_element_type3A_4, %cond3A_5 : i32
    scf.if %cond3A_6 {
      "tpu.region"() ({
        %run_scoped3A = tpu.sem_alloc : memref<!tpu.dma_semaphore, #tpu.memory_space<semaphore_mem>>
        %dma_start3A_25 = arith.constant 9480 : i32
        %dma_start3A_26 = arith.constant 0 : i32
        %dma_start3A_27 = tpu.memref_slice %arg8[%dma_start3A_25, %dma_start3A_26] : memref<10000x128xf32, #tpu.memory_space<vmem_shared>> -> memref<520x128xf32, #tpu.memory_space<vmem_shared>>
        %dma_start3A_28 = arith.constant 9480 : i32
        %dma_start3A_29 = arith.constant 0 : i32
        %dma_start3A_30 = tpu.memref_slice %arg2[%dma_start3A_28, %dma_start3A_29] : memref<10000x128xf32, #tpu.memory_space<hbm>> -> memref<520x128xf32, #tpu.memory_space<hbm>>
        tpu.enqueue_dma source(%dma_start3A_30 : memref<520x128xf32, #tpu.memory_space<hbm>>) target(%dma_start3A_27 : memref<520x128xf32, #tpu.memory_space<vmem_shared>>) target_semaphore(%run_scoped3A : memref<!tpu.dma_semaphore, #tpu.memory_space<semaphore_mem>>)
        %dma_wait3A_31 = arith.constant 9480 : i32
        %dma_wait3A_32 = arith.constant 0 : i32
        %dma_wait3A_33 = tpu.memref_slice %arg8[%dma_wait3A_31, %dma_wait3A_32] : memref<10000x128xf32, #tpu.memory_space<vmem_shared>> -> memref<520x128xf32, #tpu.memory_space<vmem_shared>>
        %dma_wait3A_34 = arith.constant 9480 : i32
        %dma_wait3A_35 = arith.constant 0 : i32
        %dma_wait3A_36 = tpu.memref_slice %arg2[%dma_wait3A_34, %dma_wait3A_35] : memref<10000x128xf32, #tpu.memory_space<hbm>> -> memref<520x128xf32, #tpu.memory_space<hbm>>
        tpu.wait_dma2 semaphore(%run_scoped3A : memref<!tpu.dma_semaphore, #tpu.memory_space<semaphore_mem>>) src(%dma_wait3A_36 : memref<520x128xf32, #tpu.memory_space<hbm>>) dst(%dma_wait3A_33 : memref<520x128xf32, #tpu.memory_space<vmem_shared>>)
        tpu.yield
      }) : () -> ()
    } else {
    }
    %mul3A_7 = arith.constant 40 : i32
    %mul3A_8 = arith.muli %add3A, %mul3A_7 : i32
    "tpu.region"() ({
      %run_scoped3A = tpu.sem_alloc : memref<!tpu.dma_semaphore, #tpu.memory_space<semaphore_mem>>
      %dma_start3A_25 = arith.constant 0 : i32
      %dma_start3A_26 = tpu.memref_slice %arg3[%mul3A_8, %dma_start3A_25] : memref<1280x128xi32, #tpu.memory_space<hbm>> -> memref<40x128xi32, #tpu.memory_space<hbm>>
      %dma_start3A_27 = arith.constant 0 : i32
      %dma_start3A_28 = tpu.memref_slice %arg3[%mul3A_8, %dma_start3A_27] : memref<1280x128xi32, #tpu.memory_space<hbm>> -> memref<40x128xi32, #tpu.memory_space<hbm>>
      tpu.enqueue_dma source(%dma_start3A_28 : memref<40x128xi32, #tpu.memory_space<hbm>>) target(%arg5 : memref<40x128xi32, #tpu.memory_space<vmem>>) target_semaphore(%run_scoped3A : memref<!tpu.dma_semaphore, #tpu.memory_space<semaphore_mem>>)
      %dma_wait3A_29 = arith.constant 0 : i32
      %dma_wait3A_30 = tpu.memref_slice %arg3[%mul3A_8, %dma_wait3A_29] : memref<1280x128xi32, #tpu.memory_space<hbm>> -> memref<40x128xi32, #tpu.memory_space<hbm>>
      %dma_wait3A_31 = arith.constant 0 : i32
      %dma_wait3A_32 = tpu.memref_slice %arg3[%mul3A_8, %dma_wait3A_31] : memref<1280x128xi32, #tpu.memory_space<hbm>> -> memref<40x128xi32, #tpu.memory_space<hbm>>
      tpu.wait_dma2 semaphore(%run_scoped3A : memref<!tpu.dma_semaphore, #tpu.memory_space<semaphore_mem>>) src(%dma_wait3A_32 : memref<40x128xi32, #tpu.memory_space<hbm>>) dst(%arg5 : memref<40x128xi32, #tpu.memory_space<vmem>>)
      tpu.yield
    }) : () -> ()
    %barrier3A = arith.constant 0 : index
    tpu.barrier barrier_id(%barrier3A)
    %dma_start3A = arith.constant 0 : i32
    %dma_start3A_9 = arith.constant 0 : i32
    %dma_start3A_10 = tpu.memref_slice %arg5[%dma_start3A, %dma_start3A_9] : memref<40x128xi32, #tpu.memory_space<vmem>> -> memref<1x128xi32, #tpu.memory_space<vmem>>
    %dma_start3A_11 = tpu.memref_squeeze %dma_start3A_10 : memref<1x128xi32, #tpu.memory_space<vmem>> -> memref<128xi32, #tpu.memory_space<vmem>>
    %dma_start3A_12 = arith.constant 0 : i32
    %dma_start3A_13 = arith.constant 0 : i32
    %dma_start3A_14 = tpu.memref_slice %arg8[%dma_start3A_12, %dma_start3A_13] : memref<10000x128xf32, #tpu.memory_space<vmem_shared>> -> memref<10000x128xf32, #tpu.memory_space<vmem_shared>>
    tpu.enqueue_indirect_dma source(%dma_start3A_14 : memref<10000x128xf32, #tpu.memory_space<vmem_shared>>) target(%arg6 : memref<128x128xf32, #tpu.memory_space<vmem>>) offsets(%dma_start3A_11 : memref<128xi32, #tpu.memory_space<vmem>>) semaphore(%arg9 : memref<!tpu.dma_semaphore, #tpu.memory_space<semaphore_mem>>)
    %scan3A = arith.constant 0 : i32
    %scan3A_15 = arith.constant 0 : i32
    %scan3A_16 = arith.constant 20 : i32
    %scan3A_17 = arith.addi %scan3A_15, %scan3A_16 : i32
    %scan3A_18 = arith.constant 1 : i32
    scf.for %scan3A_25 = %scan3A_15 to %scan3A_17 step %scan3A_18  : i32 {
      %mul3A_26 = arith.constant 2 : i32
      %mul3A_27 = arith.muli %mul3A_26, %scan3A_25 : i32
      %add3A_28 = arith.constant 1 : i32
      %add3A_29 = arith.addi %mul3A_27, %add3A_28 : i32
      %dma_wait3A_30 = arith.constant 0 : i32
      %dma_wait3A_31 = arith.constant 0 : i32
      %dma_wait3A_32 = tpu.memref_slice %arg2[%dma_wait3A_30, %dma_wait3A_31] : memref<10000x128xf32, #tpu.memory_space<hbm>> -> memref<128x128xf32, #tpu.memory_space<hbm>>
      %dma_wait3A_33 = arith.constant 0 : i32
      %dma_wait3A_34 = arith.constant 0 : i32
      %dma_wait3A_35 = tpu.memref_slice %arg2[%dma_wait3A_33, %dma_wait3A_34] : memref<10000x128xf32, #tpu.memory_space<hbm>> -> memref<128x128xf32, #tpu.memory_space<hbm>>
      tpu.wait_dma2 semaphore(%arg9 : memref<!tpu.dma_semaphore, #tpu.memory_space<semaphore_mem>>) src(%dma_wait3A_35 : memref<128x128xf32, #tpu.memory_space<hbm>>) dst(%arg6 : memref<128x128xf32, #tpu.memory_space<vmem>>)
      %dma_start3A_36 = arith.constant 0 : i32
      %dma_start3A_37 = tpu.memref_slice %arg5[%add3A_29, %dma_start3A_36] : memref<40x128xi32, #tpu.memory_space<vmem>> -> memref<1x128xi32, #tpu.memory_space<vmem>>
      %dma_start3A_38 = tpu.memref_squeeze %dma_start3A_37 : memref<1x128xi32, #tpu.memory_space<vmem>> -> memref<128xi32, #tpu.memory_space<vmem>>
      %dma_start3A_39 = arith.constant 0 : i32
      %dma_start3A_40 = arith.constant 0 : i32
      %dma_start3A_41 = tpu.memref_slice %arg8[%dma_start3A_39, %dma_start3A_40] : memref<10000x128xf32, #tpu.memory_space<vmem_shared>> -> memref<10000x128xf32, #tpu.memory_space<vmem_shared>>
      tpu.enqueue_indirect_dma source(%dma_start3A_41 : memref<10000x128xf32, #tpu.memory_space<vmem_shared>>) target(%arg7 : memref<128x128xf32, #tpu.memory_space<vmem>>) offsets(%dma_start3A_38 : memref<128xi32, #tpu.memory_space<vmem>>) semaphore(%arg10 : memref<!tpu.dma_semaphore, #tpu.memory_space<semaphore_mem>>)
      %add3A_42 = arith.addi %mul3A_8, %mul3A_27 : i32
      %mul3A_43 = arith.constant 128 : i32
      %mul3A_44 = arith.muli %add3A_42, %mul3A_43 : i32
      "tpu.region"() ({
        %run_scoped3A = tpu.sem_alloc : memref<!tpu.dma_semaphore, #tpu.memory_space<semaphore_mem>>
        %dma_start3A_63 = arith.constant 0 : i32
        %dma_start3A_64 = tpu.memref_slice %arg4[%mul3A_44, %dma_start3A_63] : memref<163840x128xf32, #tpu.memory_space<hbm>> -> memref<128x128xf32, #tpu.memory_space<hbm>>
        %dma_start3A_65 = arith.constant 0 : i32
        %dma_start3A_66 = tpu.memref_slice %arg4[%mul3A_44, %dma_start3A_65] : memref<163840x128xf32, #tpu.memory_space<hbm>> -> memref<128x128xf32, #tpu.memory_space<hbm>>
        tpu.enqueue_dma source(%arg6 : memref<128x128xf32, #tpu.memory_space<vmem>>) target(%dma_start3A_66 : memref<128x128xf32, #tpu.memory_space<hbm>>) target_semaphore(%run_scoped3A : memref<!tpu.dma_semaphore, #tpu.memory_space<semaphore_mem>>)
        %dma_wait3A_67 = arith.constant 0 : i32
        %dma_wait3A_68 = tpu.memref_slice %arg4[%mul3A_44, %dma_wait3A_67] : memref<163840x128xf32, #tpu.memory_space<hbm>> -> memref<128x128xf32, #tpu.memory_space<hbm>>
        %dma_wait3A_69 = arith.constant 0 : i32
        %dma_wait3A_70 = tpu.memref_slice %arg4[%mul3A_44, %dma_wait3A_69] : memref<163840x128xf32, #tpu.memory_space<hbm>> -> memref<128x128xf32, #tpu.memory_space<hbm>>
        tpu.wait_dma2 semaphore(%run_scoped3A : memref<!tpu.dma_semaphore, #tpu.memory_space<semaphore_mem>>) src(%arg6 : memref<128x128xf32, #tpu.memory_space<vmem>>) dst(%dma_wait3A_70 : memref<128x128xf32, #tpu.memory_space<hbm>>)
        tpu.yield
      }) : () -> ()
      %dma_wait3A_45 = arith.constant 0 : i32
      %dma_wait3A_46 = arith.constant 0 : i32
      %dma_wait3A_47 = tpu.memref_slice %arg2[%dma_wait3A_45, %dma_wait3A_46] : memref<10000x128xf32, #tpu.memory_space<hbm>> -> memref<128x128xf32, #tpu.memory_space<hbm>>
      %dma_wait3A_48 = arith.constant 0 : i32
      %dma_wait3A_49 = arith.constant 0 : i32
      %dma_wait3A_50 = tpu.memref_slice %arg2[%dma_wait3A_48, %dma_wait3A_49] : memref<10000x128xf32, #tpu.memory_space<hbm>> -> memref<128x128xf32, #tpu.memory_space<hbm>>
      tpu.wait_dma2 semaphore(%arg10 : memref<!tpu.dma_semaphore, #tpu.memory_space<semaphore_mem>>) src(%dma_wait3A_50 : memref<128x128xf32, #tpu.memory_space<hbm>>) dst(%arg7 : memref<128x128xf32, #tpu.memory_space<vmem>>)
      %add3A_51 = arith.constant 2 : i32
      %add3A_52 = arith.addi %mul3A_27, %add3A_51 : i32
      %min3A = arith.constant 39 : i32
      %min3A_53 = arith.minsi %add3A_52, %min3A : i32
      %dma_start3A_54 = arith.constant 0 : i32
      %dma_start3A_55 = tpu.memref_slice %arg5[%min3A_53, %dma_start3A_54] : memref<40x128xi32, #tpu.memory_space<vmem>> -> memref<1x128xi32, #tpu.memory_space<vmem>>
      %dma_start3A_56 = tpu.memref_squeeze %dma_start3A_55 : memref<1x128xi32, #tpu.memory_space<vmem>> -> memref<128xi32, #tpu.memory_space<vmem>>
      %dma_start3A_57 = arith.constant 0 : i32
      %dma_start3A_58 = arith.constant 0 : i32
      %dma_start3A_59 = tpu.memref_slice %arg8[%dma_start3A_57, %dma_start3A_58] : memref<10000x128xf32, #tpu.memory_space<vmem_shared>> -> memref<10000x128xf32, #tpu.memory_space<vmem_shared>>
      tpu.enqueue_indirect_dma source(%dma_start3A_59 : memref<10000x128xf32, #tpu.memory_space<vmem_shared>>) target(%arg6 : memref<128x128xf32, #tpu.memory_space<vmem>>) offsets(%dma_start3A_56 : memref<128xi32, #tpu.memory_space<vmem>>) semaphore(%arg9 : memref<!tpu.dma_semaphore, #tpu.memory_space<semaphore_mem>>)
      %add3A_60 = arith.addi %mul3A_8, %add3A_29 : i32
      %mul3A_61 = arith.constant 128 : i32
      %mul3A_62 = arith.muli %add3A_60, %mul3A_61 : i32
      "tpu.region"() ({
        %run_scoped3A = tpu.sem_alloc : memref<!tpu.dma_semaphore, #tpu.memory_space<semaphore_mem>>
        %dma_start3A_63 = arith.constant 0 : i32
        %dma_start3A_64 = tpu.memref_slice %arg4[%mul3A_62, %dma_start3A_63] : memref<163840x128xf32, #tpu.memory_space<hbm>> -> memref<128x128xf32, #tpu.memory_space<hbm>>
        %dma_start3A_65 = arith.constant 0 : i32
        %dma_start3A_66 = tpu.memref_slice %arg4[%mul3A_62, %dma_start3A_65] : memref<163840x128xf32, #tpu.memory_space<hbm>> -> memref<128x128xf32, #tpu.memory_space<hbm>>
        tpu.enqueue_dma source(%arg7 : memref<128x128xf32, #tpu.memory_space<vmem>>) target(%dma_start3A_66 : memref<128x128xf32, #tpu.memory_space<hbm>>) target_semaphore(%run_scoped3A : memref<!tpu.dma_semaphore, #tpu.memory_space<semaphore_mem>>)
        %dma_wait3A_67 = arith.constant 0 : i32
        %dma_wait3A_68 = tpu.memref_slice %arg4[%mul3A_62, %dma_wait3A_67] : memref<163840x128xf32, #tpu.memory_space<hbm>> -> memref<128x128xf32, #tpu.memory_space<hbm>>
        %dma_wait3A_69 = arith.constant 0 : i32
        %dma_wait3A_70 = tpu.memref_slice %arg4[%mul3A_62, %dma_wait3A_69] : memref<163840x128xf32, #tpu.memory_space<hbm>> -> memref<128x128xf32, #tpu.memory_space<hbm>>
        tpu.wait_dma2 semaphore(%run_scoped3A : memref<!tpu.dma_semaphore, #tpu.memory_space<semaphore_mem>>) src(%arg7 : memref<128x128xf32, #tpu.memory_space<vmem>>) dst(%dma_wait3A_70 : memref<128x128xf32, #tpu.memory_space<hbm>>)
        tpu.yield
      }) : () -> ()
    }
    %scan3A_19 = arith.constant 20 : i32
    %dma_wait3A = arith.constant 0 : i32
    %dma_wait3A_20 = arith.constant 0 : i32
    %dma_wait3A_21 = tpu.memref_slice %arg2[%dma_wait3A, %dma_wait3A_20] : memref<10000x128xf32, #tpu.memory_space<hbm>> -> memref<128x128xf32, #tpu.memory_space<hbm>>
    %dma_wait3A_22 = arith.constant 0 : i32
    %dma_wait3A_23 = arith.constant 0 : i32
    %dma_wait3A_24 = tpu.memref_slice %arg2[%dma_wait3A_22, %dma_wait3A_23] : memref<10000x128xf32, #tpu.memory_space<hbm>> -> memref<128x128xf32, #tpu.memory_space<hbm>>
    tpu.wait_dma2 semaphore(%arg9 : memref<!tpu.dma_semaphore, #tpu.memory_space<semaphore_mem>>) src(%dma_wait3A_24 : memref<128x128xf32, #tpu.memory_space<hbm>>) dst(%arg6 : memref<128x128xf32, #tpu.memory_space<vmem>>)
    return
  }
}

#map = affine_map<(d0, d1) -> (0, 0)>
module attributes {stable_mosaic.version = 14 : i64} {
  func.func @k(%arg0: i32, %arg1: i32, %arg2: memref<10000x128xf32, #tpu.memory_space<hbm>>, %arg3: memref<10000x128xf32, #tpu.memory_space<hbm>>, %arg4: memref<1280x128xi32, #tpu.memory_space<hbm>>, %arg5: memref<1280x128xi32, #tpu.memory_space<hbm>>, %arg6: memref<163840x128xf32, #tpu.memory_space<hbm>>, %arg7: memref<163840x128xf32, #tpu.memory_space<hbm>>, %arg8: memref<80x128xi32, #tpu.memory_space<vmem>>, %arg9: memref<128x128xf32, #tpu.memory_space<vmem>>, %arg10: memref<128x128xf32, #tpu.memory_space<vmem>>, %arg11: memref<10000x128xf32, #tpu.memory_space<vmem_shared>>, %arg12: memref<!tpu.dma_semaphore, #tpu.memory_space<semaphore_mem>>, %arg13: memref<!tpu.dma_semaphore, #tpu.memory_space<semaphore_mem>>) attributes {dimension_semantics = [#tpu.dimension_semantics<core_parallel>, #tpu.dimension_semantics<subcore_parallel>], iteration_bounds = array<i64: 2, 16>, scalar_prefetch = 0 : i64, scratch_operands = 6 : i64, tpu.core_type = #tpu.core_type<sc_vector_subcore>, window_params = [{transform_indices = #map}, {transform_indices = #map}, {transform_indices = #map}, {transform_indices = #map}, {transform_indices = #map}, {transform_indices = #map}]} {
    %eq3A = arith.constant 0 : i32
    %eq3A_0 = arith.cmpi eq, %arg0, %eq3A : i32
    %convert_element_type3A = arith.extui %eq3A_0 : i1 to i32
    %cond3A = arith.constant 0 : i32
    %cond3A_1 = arith.cmpi ne, %convert_element_type3A, %cond3A : i32
    scf.if %cond3A_1 {
      %lt3A = arith.constant 15 : i32
      %lt3A_17 = arith.cmpi slt, %arg1, %lt3A : i32
      %convert_element_type3A_18 = arith.extui %lt3A_17 : i1 to i32
      %cond3A_19 = arith.constant 0 : i32
      %cond3A_20 = arith.cmpi ne, %convert_element_type3A_18, %cond3A_19 : i32
      scf.if %cond3A_20 {
        %mul3A = arith.constant 632 : i32
        %mul3A_26 = arith.muli %arg1, %mul3A : i32
        %mul3A_27 = arith.constant 632 : i32
        %mul3A_28 = arith.muli %arg1, %mul3A_27 : i32
        "tpu.region"() ({
          %run_scoped3A = tpu.sem_alloc : memref<!tpu.dma_semaphore, #tpu.memory_space<semaphore_mem>>
          %dma_start3A = arith.constant 0 : i32
          %dma_start3A_29 = tpu.memref_slice %arg11[%mul3A_28, %dma_start3A] : memref<10000x128xf32, #tpu.memory_space<vmem_shared>> -> memref<632x128xf32, #tpu.memory_space<vmem_shared>>
          %dma_start3A_30 = arith.constant 0 : i32
          %dma_start3A_31 = tpu.memref_slice %arg2[%mul3A_26, %dma_start3A_30] : memref<10000x128xf32, #tpu.memory_space<hbm>> -> memref<632x128xf32, #tpu.memory_space<hbm>>
          tpu.enqueue_dma source(%dma_start3A_31 : memref<632x128xf32, #tpu.memory_space<hbm>>) target(%dma_start3A_29 : memref<632x128xf32, #tpu.memory_space<vmem_shared>>) target_semaphore(%run_scoped3A : memref<!tpu.dma_semaphore, #tpu.memory_space<semaphore_mem>>)
          %dma_wait3A = arith.constant 0 : i32
          %dma_wait3A_32 = tpu.memref_slice %arg11[%mul3A_28, %dma_wait3A] : memref<10000x128xf32, #tpu.memory_space<vmem_shared>> -> memref<632x128xf32, #tpu.memory_space<vmem_shared>>
          %dma_wait3A_33 = arith.constant 0 : i32
          %dma_wait3A_34 = tpu.memref_slice %arg2[%mul3A_26, %dma_wait3A_33] : memref<10000x128xf32, #tpu.memory_space<hbm>> -> memref<632x128xf32, #tpu.memory_space<hbm>>
          tpu.wait_dma2 semaphore(%run_scoped3A : memref<!tpu.dma_semaphore, #tpu.memory_space<semaphore_mem>>) src(%dma_wait3A_34 : memref<632x128xf32, #tpu.memory_space<hbm>>) dst(%dma_wait3A_32 : memref<632x128xf32, #tpu.memory_space<vmem_shared>>)
          tpu.yield
        }) : () -> ()
      } else {
      }
      %eq3A_21 = arith.constant 15 : i32
      %eq3A_22 = arith.cmpi eq, %arg1, %eq3A_21 : i32
      %convert_element_type3A_23 = arith.extui %eq3A_22 : i1 to i32
      %cond3A_24 = arith.constant 0 : i32
      %cond3A_25 = arith.cmpi ne, %convert_element_type3A_23, %cond3A_24 : i32
      scf.if %cond3A_25 {
        "tpu.region"() ({
          %run_scoped3A = tpu.sem_alloc : memref<!tpu.dma_semaphore, #tpu.memory_space<semaphore_mem>>
          %dma_start3A = arith.constant 9480 : i32
          %dma_start3A_26 = arith.constant 0 : i32
          %dma_start3A_27 = tpu.memref_slice %arg11[%dma_start3A, %dma_start3A_26] : memref<10000x128xf32, #tpu.memory_space<vmem_shared>> -> memref<520x128xf32, #tpu.memory_space<vmem_shared>>
          %dma_start3A_28 = arith.constant 9480 : i32
          %dma_start3A_29 = arith.constant 0 : i32
          %dma_start3A_30 = tpu.memref_slice %arg2[%dma_start3A_28, %dma_start3A_29] : memref<10000x128xf32, #tpu.memory_space<hbm>> -> memref<520x128xf32, #tpu.memory_space<hbm>>
          tpu.enqueue_dma source(%dma_start3A_30 : memref<520x128xf32, #tpu.memory_space<hbm>>) target(%dma_start3A_27 : memref<520x128xf32, #tpu.memory_space<vmem_shared>>) target_semaphore(%run_scoped3A : memref<!tpu.dma_semaphore, #tpu.memory_space<semaphore_mem>>)
          %dma_wait3A = arith.constant 9480 : i32
          %dma_wait3A_31 = arith.constant 0 : i32
          %dma_wait3A_32 = tpu.memref_slice %arg11[%dma_wait3A, %dma_wait3A_31] : memref<10000x128xf32, #tpu.memory_space<vmem_shared>> -> memref<520x128xf32, #tpu.memory_space<vmem_shared>>
          %dma_wait3A_33 = arith.constant 9480 : i32
          %dma_wait3A_34 = arith.constant 0 : i32
          %dma_wait3A_35 = tpu.memref_slice %arg2[%dma_wait3A_33, %dma_wait3A_34] : memref<10000x128xf32, #tpu.memory_space<hbm>> -> memref<520x128xf32, #tpu.memory_space<hbm>>
          tpu.wait_dma2 semaphore(%run_scoped3A : memref<!tpu.dma_semaphore, #tpu.memory_space<semaphore_mem>>) src(%dma_wait3A_35 : memref<520x128xf32, #tpu.memory_space<hbm>>) dst(%dma_wait3A_32 : memref<520x128xf32, #tpu.memory_space<vmem_shared>>)
          tpu.yield
        }) : () -> ()
      } else {
      }
    } else {
    }
    %eq3A_2 = arith.constant 1 : i32
    %eq3A_3 = arith.cmpi eq, %arg0, %eq3A_2 : i32
    %convert_element_type3A_4 = arith.extui %eq3A_3 : i1 to i32
    %cond3A_5 = arith.constant 0 : i32
    %cond3A_6 = arith.cmpi ne, %convert_element_type3A_4, %cond3A_5 : i32
    scf.if %cond3A_6 {
      %lt3A = arith.constant 15 : i32
      %lt3A_17 = arith.cmpi slt, %arg1, %lt3A : i32
      %convert_element_type3A_18 = arith.extui %lt3A_17 : i1 to i32
      %cond3A_19 = arith.constant 0 : i32
      %cond3A_20 = arith.cmpi ne, %convert_element_type3A_18, %cond3A_19 : i32
      scf.if %cond3A_20 {
        %mul3A = arith.constant 632 : i32
        %mul3A_26 = arith.muli %arg1, %mul3A : i32
        %mul3A_27 = arith.constant 632 : i32
        %mul3A_28 = arith.muli %arg1, %mul3A_27 : i32
        "tpu.region"() ({
          %run_scoped3A = tpu.sem_alloc : memref<!tpu.dma_semaphore, #tpu.memory_space<semaphore_mem>>
          %dma_start3A = arith.constant 0 : i32
          %dma_start3A_29 = tpu.memref_slice %arg11[%mul3A_28, %dma_start3A] : memref<10000x128xf32, #tpu.memory_space<vmem_shared>> -> memref<632x128xf32, #tpu.memory_space<vmem_shared>>
          %dma_start3A_30 = arith.constant 0 : i32
          %dma_start3A_31 = tpu.memref_slice %arg3[%mul3A_26, %dma_start3A_30] : memref<10000x128xf32, #tpu.memory_space<hbm>> -> memref<632x128xf32, #tpu.memory_space<hbm>>
          tpu.enqueue_dma source(%dma_start3A_31 : memref<632x128xf32, #tpu.memory_space<hbm>>) target(%dma_start3A_29 : memref<632x128xf32, #tpu.memory_space<vmem_shared>>) target_semaphore(%run_scoped3A : memref<!tpu.dma_semaphore, #tpu.memory_space<semaphore_mem>>)
          %dma_wait3A = arith.constant 0 : i32
          %dma_wait3A_32 = tpu.memref_slice %arg11[%mul3A_28, %dma_wait3A] : memref<10000x128xf32, #tpu.memory_space<vmem_shared>> -> memref<632x128xf32, #tpu.memory_space<vmem_shared>>
          %dma_wait3A_33 = arith.constant 0 : i32
          %dma_wait3A_34 = tpu.memref_slice %arg3[%mul3A_26, %dma_wait3A_33] : memref<10000x128xf32, #tpu.memory_space<hbm>> -> memref<632x128xf32, #tpu.memory_space<hbm>>
          tpu.wait_dma2 semaphore(%run_scoped3A : memref<!tpu.dma_semaphore, #tpu.memory_space<semaphore_mem>>) src(%dma_wait3A_34 : memref<632x128xf32, #tpu.memory_space<hbm>>) dst(%dma_wait3A_32 : memref<632x128xf32, #tpu.memory_space<vmem_shared>>)
          tpu.yield
        }) : () -> ()
      } else {
      }
      %eq3A_21 = arith.constant 15 : i32
      %eq3A_22 = arith.cmpi eq, %arg1, %eq3A_21 : i32
      %convert_element_type3A_23 = arith.extui %eq3A_22 : i1 to i32
      %cond3A_24 = arith.constant 0 : i32
      %cond3A_25 = arith.cmpi ne, %convert_element_type3A_23, %cond3A_24 : i32
      scf.if %cond3A_25 {
        "tpu.region"() ({
          %run_scoped3A = tpu.sem_alloc : memref<!tpu.dma_semaphore, #tpu.memory_space<semaphore_mem>>
          %dma_start3A = arith.constant 9480 : i32
          %dma_start3A_26 = arith.constant 0 : i32
          %dma_start3A_27 = tpu.memref_slice %arg11[%dma_start3A, %dma_start3A_26] : memref<10000x128xf32, #tpu.memory_space<vmem_shared>> -> memref<520x128xf32, #tpu.memory_space<vmem_shared>>
          %dma_start3A_28 = arith.constant 9480 : i32
          %dma_start3A_29 = arith.constant 0 : i32
          %dma_start3A_30 = tpu.memref_slice %arg3[%dma_start3A_28, %dma_start3A_29] : memref<10000x128xf32, #tpu.memory_space<hbm>> -> memref<520x128xf32, #tpu.memory_space<hbm>>
          tpu.enqueue_dma source(%dma_start3A_30 : memref<520x128xf32, #tpu.memory_space<hbm>>) target(%dma_start3A_27 : memref<520x128xf32, #tpu.memory_space<vmem_shared>>) target_semaphore(%run_scoped3A : memref<!tpu.dma_semaphore, #tpu.memory_space<semaphore_mem>>)
          %dma_wait3A = arith.constant 9480 : i32
          %dma_wait3A_31 = arith.constant 0 : i32
          %dma_wait3A_32 = tpu.memref_slice %arg11[%dma_wait3A, %dma_wait3A_31] : memref<10000x128xf32, #tpu.memory_space<vmem_shared>> -> memref<520x128xf32, #tpu.memory_space<vmem_shared>>
          %dma_wait3A_33 = arith.constant 9480 : i32
          %dma_wait3A_34 = arith.constant 0 : i32
          %dma_wait3A_35 = tpu.memref_slice %arg3[%dma_wait3A_33, %dma_wait3A_34] : memref<10000x128xf32, #tpu.memory_space<hbm>> -> memref<520x128xf32, #tpu.memory_space<hbm>>
          tpu.wait_dma2 semaphore(%run_scoped3A : memref<!tpu.dma_semaphore, #tpu.memory_space<semaphore_mem>>) src(%dma_wait3A_35 : memref<520x128xf32, #tpu.memory_space<hbm>>) dst(%dma_wait3A_32 : memref<520x128xf32, #tpu.memory_space<vmem_shared>>)
          tpu.yield
        }) : () -> ()
      } else {
      }
    } else {
    }
    %barrier3A = arith.constant 0 : index
    tpu.barrier barrier_id(%barrier3A)
    %eq3A_7 = arith.constant 0 : i32
    %eq3A_8 = arith.cmpi eq, %arg0, %eq3A_7 : i32
    %convert_element_type3A_9 = arith.extui %eq3A_8 : i1 to i32
    %cond3A_10 = arith.constant 0 : i32
    %cond3A_11 = arith.cmpi ne, %convert_element_type3A_9, %cond3A_10 : i32
    scf.if %cond3A_11 {
      %mul3A = arith.constant 80 : i32
      %mul3A_17 = arith.muli %arg1, %mul3A : i32
      "tpu.region"() ({
        %run_scoped3A = tpu.sem_alloc : memref<!tpu.dma_semaphore, #tpu.memory_space<semaphore_mem>>
        %dma_start3A_34 = arith.constant 0 : i32
        %dma_start3A_35 = tpu.memref_slice %arg4[%mul3A_17, %dma_start3A_34] : memref<1280x128xi32, #tpu.memory_space<hbm>> -> memref<80x128xi32, #tpu.memory_space<hbm>>
        %dma_start3A_36 = arith.constant 0 : i32
        %dma_start3A_37 = tpu.memref_slice %arg4[%mul3A_17, %dma_start3A_36] : memref<1280x128xi32, #tpu.memory_space<hbm>> -> memref<80x128xi32, #tpu.memory_space<hbm>>
        tpu.enqueue_dma source(%dma_start3A_37 : memref<80x128xi32, #tpu.memory_space<hbm>>) target(%arg8 : memref<80x128xi32, #tpu.memory_space<vmem>>) target_semaphore(%run_scoped3A : memref<!tpu.dma_semaphore, #tpu.memory_space<semaphore_mem>>)
        %dma_wait3A_38 = arith.constant 0 : i32
        %dma_wait3A_39 = tpu.memref_slice %arg4[%mul3A_17, %dma_wait3A_38] : memref<1280x128xi32, #tpu.memory_space<hbm>> -> memref<80x128xi32, #tpu.memory_space<hbm>>
        %dma_wait3A_40 = arith.constant 0 : i32
        %dma_wait3A_41 = tpu.memref_slice %arg4[%mul3A_17, %dma_wait3A_40] : memref<1280x128xi32, #tpu.memory_space<hbm>> -> memref<80x128xi32, #tpu.memory_space<hbm>>
        tpu.wait_dma2 semaphore(%run_scoped3A : memref<!tpu.dma_semaphore, #tpu.memory_space<semaphore_mem>>) src(%dma_wait3A_41 : memref<80x128xi32, #tpu.memory_space<hbm>>) dst(%arg8 : memref<80x128xi32, #tpu.memory_space<vmem>>)
        tpu.yield
      }) : () -> ()
      %dma_start3A = arith.constant 0 : i32
      %dma_start3A_18 = arith.constant 0 : i32
      %dma_start3A_19 = tpu.memref_slice %arg8[%dma_start3A, %dma_start3A_18] : memref<80x128xi32, #tpu.memory_space<vmem>> -> memref<1x128xi32, #tpu.memory_space<vmem>>
      %dma_start3A_20 = tpu.memref_squeeze %dma_start3A_19 : memref<1x128xi32, #tpu.memory_space<vmem>> -> memref<128xi32, #tpu.memory_space<vmem>>
      %dma_start3A_21 = arith.constant 0 : i32
      %dma_start3A_22 = arith.constant 0 : i32
      %dma_start3A_23 = tpu.memref_slice %arg11[%dma_start3A_21, %dma_start3A_22] : memref<10000x128xf32, #tpu.memory_space<vmem_shared>> -> memref<10000x128xf32, #tpu.memory_space<vmem_shared>>
      tpu.enqueue_indirect_dma source(%dma_start3A_23 : memref<10000x128xf32, #tpu.memory_space<vmem_shared>>) target(%arg9 : memref<128x128xf32, #tpu.memory_space<vmem>>) offsets(%dma_start3A_20 : memref<128xi32, #tpu.memory_space<vmem>>) semaphore(%arg12 : memref<!tpu.dma_semaphore, #tpu.memory_space<semaphore_mem>>)
      %scan3A = arith.constant 0 : i32
      %scan3A_24 = arith.constant 0 : i32
      %scan3A_25 = arith.constant 40 : i32
      %scan3A_26 = arith.addi %scan3A_24, %scan3A_25 : i32
      %scan3A_27 = arith.constant 1 : i32
      scf.for %scan3A_34 = %scan3A_24 to %scan3A_26 step %scan3A_27  : i32 {
        %mul3A_35 = arith.constant 2 : i32
        %mul3A_36 = arith.muli %mul3A_35, %scan3A_34 : i32
        %add3A = arith.constant 1 : i32
        %add3A_37 = arith.addi %mul3A_36, %add3A : i32
        %dma_wait3A_38 = arith.constant 0 : i32
        %dma_wait3A_39 = arith.constant 0 : i32
        %dma_wait3A_40 = tpu.memref_slice %arg2[%dma_wait3A_38, %dma_wait3A_39] : memref<10000x128xf32, #tpu.memory_space<hbm>> -> memref<128x128xf32, #tpu.memory_space<hbm>>
        %dma_wait3A_41 = arith.constant 0 : i32
        %dma_wait3A_42 = arith.constant 0 : i32
        %dma_wait3A_43 = tpu.memref_slice %arg2[%dma_wait3A_41, %dma_wait3A_42] : memref<10000x128xf32, #tpu.memory_space<hbm>> -> memref<128x128xf32, #tpu.memory_space<hbm>>
        tpu.wait_dma2 semaphore(%arg12 : memref<!tpu.dma_semaphore, #tpu.memory_space<semaphore_mem>>) src(%dma_wait3A_43 : memref<128x128xf32, #tpu.memory_space<hbm>>) dst(%arg9 : memref<128x128xf32, #tpu.memory_space<vmem>>)
        %dma_start3A_44 = arith.constant 0 : i32
        %dma_start3A_45 = tpu.memref_slice %arg8[%add3A_37, %dma_start3A_44] : memref<80x128xi32, #tpu.memory_space<vmem>> -> memref<1x128xi32, #tpu.memory_space<vmem>>
        %dma_start3A_46 = tpu.memref_squeeze %dma_start3A_45 : memref<1x128xi32, #tpu.memory_space<vmem>> -> memref<128xi32, #tpu.memory_space<vmem>>
        %dma_start3A_47 = arith.constant 0 : i32
        %dma_start3A_48 = arith.constant 0 : i32
        %dma_start3A_49 = tpu.memref_slice %arg11[%dma_start3A_47, %dma_start3A_48] : memref<10000x128xf32, #tpu.memory_space<vmem_shared>> -> memref<10000x128xf32, #tpu.memory_space<vmem_shared>>
        tpu.enqueue_indirect_dma source(%dma_start3A_49 : memref<10000x128xf32, #tpu.memory_space<vmem_shared>>) target(%arg10 : memref<128x128xf32, #tpu.memory_space<vmem>>) offsets(%dma_start3A_46 : memref<128xi32, #tpu.memory_space<vmem>>) semaphore(%arg13 : memref<!tpu.dma_semaphore, #tpu.memory_space<semaphore_mem>>)
        %add3A_50 = arith.addi %mul3A_17, %mul3A_36 : i32
        %mul3A_51 = arith.constant 128 : i32
        %mul3A_52 = arith.muli %add3A_50, %mul3A_51 : i32
        "tpu.region"() ({
          %run_scoped3A = tpu.sem_alloc : memref<!tpu.dma_semaphore, #tpu.memory_space<semaphore_mem>>
          %dma_start3A_71 = arith.constant 0 : i32
          %dma_start3A_72 = tpu.memref_slice %arg6[%mul3A_52, %dma_start3A_71] : memref<163840x128xf32, #tpu.memory_space<hbm>> -> memref<128x128xf32, #tpu.memory_space<hbm>>
          %dma_start3A_73 = arith.constant 0 : i32
          %dma_start3A_74 = tpu.memref_slice %arg6[%mul3A_52, %dma_start3A_73] : memref<163840x128xf32, #tpu.memory_space<hbm>> -> memref<128x128xf32, #tpu.memory_space<hbm>>
          tpu.enqueue_dma source(%arg9 : memref<128x128xf32, #tpu.memory_space<vmem>>) target(%dma_start3A_74 : memref<128x128xf32, #tpu.memory_space<hbm>>) target_semaphore(%run_scoped3A : memref<!tpu.dma_semaphore, #tpu.memory_space<semaphore_mem>>)
          %dma_wait3A_75 = arith.constant 0 : i32
          %dma_wait3A_76 = tpu.memref_slice %arg6[%mul3A_52, %dma_wait3A_75] : memref<163840x128xf32, #tpu.memory_space<hbm>> -> memref<128x128xf32, #tpu.memory_space<hbm>>
          %dma_wait3A_77 = arith.constant 0 : i32
          %dma_wait3A_78 = tpu.memref_slice %arg6[%mul3A_52, %dma_wait3A_77] : memref<163840x128xf32, #tpu.memory_space<hbm>> -> memref<128x128xf32, #tpu.memory_space<hbm>>
          tpu.wait_dma2 semaphore(%run_scoped3A : memref<!tpu.dma_semaphore, #tpu.memory_space<semaphore_mem>>) src(%arg9 : memref<128x128xf32, #tpu.memory_space<vmem>>) dst(%dma_wait3A_78 : memref<128x128xf32, #tpu.memory_space<hbm>>)
          tpu.yield
        }) : () -> ()
        %dma_wait3A_53 = arith.constant 0 : i32
        %dma_wait3A_54 = arith.constant 0 : i32
        %dma_wait3A_55 = tpu.memref_slice %arg2[%dma_wait3A_53, %dma_wait3A_54] : memref<10000x128xf32, #tpu.memory_space<hbm>> -> memref<128x128xf32, #tpu.memory_space<hbm>>
        %dma_wait3A_56 = arith.constant 0 : i32
        %dma_wait3A_57 = arith.constant 0 : i32
        %dma_wait3A_58 = tpu.memref_slice %arg2[%dma_wait3A_56, %dma_wait3A_57] : memref<10000x128xf32, #tpu.memory_space<hbm>> -> memref<128x128xf32, #tpu.memory_space<hbm>>
        tpu.wait_dma2 semaphore(%arg13 : memref<!tpu.dma_semaphore, #tpu.memory_space<semaphore_mem>>) src(%dma_wait3A_58 : memref<128x128xf32, #tpu.memory_space<hbm>>) dst(%arg10 : memref<128x128xf32, #tpu.memory_space<vmem>>)
        %add3A_59 = arith.constant 2 : i32
        %add3A_60 = arith.addi %mul3A_36, %add3A_59 : i32
        %min3A = arith.constant 79 : i32
        %min3A_61 = arith.minsi %add3A_60, %min3A : i32
        %dma_start3A_62 = arith.constant 0 : i32
        %dma_start3A_63 = tpu.memref_slice %arg8[%min3A_61, %dma_start3A_62] : memref<80x128xi32, #tpu.memory_space<vmem>> -> memref<1x128xi32, #tpu.memory_space<vmem>>
        %dma_start3A_64 = tpu.memref_squeeze %dma_start3A_63 : memref<1x128xi32, #tpu.memory_space<vmem>> -> memref<128xi32, #tpu.memory_space<vmem>>
        %dma_start3A_65 = arith.constant 0 : i32
        %dma_start3A_66 = arith.constant 0 : i32
        %dma_start3A_67 = tpu.memref_slice %arg11[%dma_start3A_65, %dma_start3A_66] : memref<10000x128xf32, #tpu.memory_space<vmem_shared>> -> memref<10000x128xf32, #tpu.memory_space<vmem_shared>>
        tpu.enqueue_indirect_dma source(%dma_start3A_67 : memref<10000x128xf32, #tpu.memory_space<vmem_shared>>) target(%arg9 : memref<128x128xf32, #tpu.memory_space<vmem>>) offsets(%dma_start3A_64 : memref<128xi32, #tpu.memory_space<vmem>>) semaphore(%arg12 : memref<!tpu.dma_semaphore, #tpu.memory_space<semaphore_mem>>)
        %add3A_68 = arith.addi %mul3A_17, %add3A_37 : i32
        %mul3A_69 = arith.constant 128 : i32
        %mul3A_70 = arith.muli %add3A_68, %mul3A_69 : i32
        "tpu.region"() ({
          %run_scoped3A = tpu.sem_alloc : memref<!tpu.dma_semaphore, #tpu.memory_space<semaphore_mem>>
          %dma_start3A_71 = arith.constant 0 : i32
          %dma_start3A_72 = tpu.memref_slice %arg6[%mul3A_70, %dma_start3A_71] : memref<163840x128xf32, #tpu.memory_space<hbm>> -> memref<128x128xf32, #tpu.memory_space<hbm>>
          %dma_start3A_73 = arith.constant 0 : i32
          %dma_start3A_74 = tpu.memref_slice %arg6[%mul3A_70, %dma_start3A_73] : memref<163840x128xf32, #tpu.memory_space<hbm>> -> memref<128x128xf32, #tpu.memory_space<hbm>>
          tpu.enqueue_dma source(%arg10 : memref<128x128xf32, #tpu.memory_space<vmem>>) target(%dma_start3A_74 : memref<128x128xf32, #tpu.memory_space<hbm>>) target_semaphore(%run_scoped3A : memref<!tpu.dma_semaphore, #tpu.memory_space<semaphore_mem>>)
          %dma_wait3A_75 = arith.constant 0 : i32
          %dma_wait3A_76 = tpu.memref_slice %arg6[%mul3A_70, %dma_wait3A_75] : memref<163840x128xf32, #tpu.memory_space<hbm>> -> memref<128x128xf32, #tpu.memory_space<hbm>>
          %dma_wait3A_77 = arith.constant 0 : i32
          %dma_wait3A_78 = tpu.memref_slice %arg6[%mul3A_70, %dma_wait3A_77] : memref<163840x128xf32, #tpu.memory_space<hbm>> -> memref<128x128xf32, #tpu.memory_space<hbm>>
          tpu.wait_dma2 semaphore(%run_scoped3A : memref<!tpu.dma_semaphore, #tpu.memory_space<semaphore_mem>>) src(%arg10 : memref<128x128xf32, #tpu.memory_space<vmem>>) dst(%dma_wait3A_78 : memref<128x128xf32, #tpu.memory_space<hbm>>)
          tpu.yield
        }) : () -> ()
      }
      %scan3A_28 = arith.constant 40 : i32
      %dma_wait3A = arith.constant 0 : i32
      %dma_wait3A_29 = arith.constant 0 : i32
      %dma_wait3A_30 = tpu.memref_slice %arg2[%dma_wait3A, %dma_wait3A_29] : memref<10000x128xf32, #tpu.memory_space<hbm>> -> memref<128x128xf32, #tpu.memory_space<hbm>>
      %dma_wait3A_31 = arith.constant 0 : i32
      %dma_wait3A_32 = arith.constant 0 : i32
      %dma_wait3A_33 = tpu.memref_slice %arg2[%dma_wait3A_31, %dma_wait3A_32] : memref<10000x128xf32, #tpu.memory_space<hbm>> -> memref<128x128xf32, #tpu.memory_space<hbm>>
      tpu.wait_dma2 semaphore(%arg12 : memref<!tpu.dma_semaphore, #tpu.memory_space<semaphore_mem>>) src(%dma_wait3A_33 : memref<128x128xf32, #tpu.memory_space<hbm>>) dst(%arg9 : memref<128x128xf32, #tpu.memory_space<vmem>>)
    } else {
    }
    %eq3A_12 = arith.constant 1 : i32
    %eq3A_13 = arith.cmpi eq, %arg0, %eq3A_12 : i32
    %convert_element_type3A_14 = arith.extui %eq3A_13 : i1 to i32
    %cond3A_15 = arith.constant 0 : i32
    %cond3A_16 = arith.cmpi ne, %convert_element_type3A_14, %cond3A_15 : i32
    scf.if %cond3A_16 {
      %mul3A = arith.constant 80 : i32
      %mul3A_17 = arith.muli %arg1, %mul3A : i32
      "tpu.region"() ({
        %run_scoped3A = tpu.sem_alloc : memref<!tpu.dma_semaphore, #tpu.memory_space<semaphore_mem>>
        %dma_start3A_34 = arith.constant 0 : i32
        %dma_start3A_35 = tpu.memref_slice %arg5[%mul3A_17, %dma_start3A_34] : memref<1280x128xi32, #tpu.memory_space<hbm>> -> memref<80x128xi32, #tpu.memory_space<hbm>>
        %dma_start3A_36 = arith.constant 0 : i32
        %dma_start3A_37 = tpu.memref_slice %arg5[%mul3A_17, %dma_start3A_36] : memref<1280x128xi32, #tpu.memory_space<hbm>> -> memref<80x128xi32, #tpu.memory_space<hbm>>
        tpu.enqueue_dma source(%dma_start3A_37 : memref<80x128xi32, #tpu.memory_space<hbm>>) target(%arg8 : memref<80x128xi32, #tpu.memory_space<vmem>>) target_semaphore(%run_scoped3A : memref<!tpu.dma_semaphore, #tpu.memory_space<semaphore_mem>>)
        %dma_wait3A_38 = arith.constant 0 : i32
        %dma_wait3A_39 = tpu.memref_slice %arg5[%mul3A_17, %dma_wait3A_38] : memref<1280x128xi32, #tpu.memory_space<hbm>> -> memref<80x128xi32, #tpu.memory_space<hbm>>
        %dma_wait3A_40 = arith.constant 0 : i32
        %dma_wait3A_41 = tpu.memref_slice %arg5[%mul3A_17, %dma_wait3A_40] : memref<1280x128xi32, #tpu.memory_space<hbm>> -> memref<80x128xi32, #tpu.memory_space<hbm>>
        tpu.wait_dma2 semaphore(%run_scoped3A : memref<!tpu.dma_semaphore, #tpu.memory_space<semaphore_mem>>) src(%dma_wait3A_41 : memref<80x128xi32, #tpu.memory_space<hbm>>) dst(%arg8 : memref<80x128xi32, #tpu.memory_space<vmem>>)
        tpu.yield
      }) : () -> ()
      %dma_start3A = arith.constant 0 : i32
      %dma_start3A_18 = arith.constant 0 : i32
      %dma_start3A_19 = tpu.memref_slice %arg8[%dma_start3A, %dma_start3A_18] : memref<80x128xi32, #tpu.memory_space<vmem>> -> memref<1x128xi32, #tpu.memory_space<vmem>>
      %dma_start3A_20 = tpu.memref_squeeze %dma_start3A_19 : memref<1x128xi32, #tpu.memory_space<vmem>> -> memref<128xi32, #tpu.memory_space<vmem>>
      %dma_start3A_21 = arith.constant 0 : i32
      %dma_start3A_22 = arith.constant 0 : i32
      %dma_start3A_23 = tpu.memref_slice %arg11[%dma_start3A_21, %dma_start3A_22] : memref<10000x128xf32, #tpu.memory_space<vmem_shared>> -> memref<10000x128xf32, #tpu.memory_space<vmem_shared>>
      tpu.enqueue_indirect_dma source(%dma_start3A_23 : memref<10000x128xf32, #tpu.memory_space<vmem_shared>>) target(%arg9 : memref<128x128xf32, #tpu.memory_space<vmem>>) offsets(%dma_start3A_20 : memref<128xi32, #tpu.memory_space<vmem>>) semaphore(%arg12 : memref<!tpu.dma_semaphore, #tpu.memory_space<semaphore_mem>>)
      %scan3A = arith.constant 0 : i32
      %scan3A_24 = arith.constant 0 : i32
      %scan3A_25 = arith.constant 40 : i32
      %scan3A_26 = arith.addi %scan3A_24, %scan3A_25 : i32
      %scan3A_27 = arith.constant 1 : i32
      scf.for %scan3A_34 = %scan3A_24 to %scan3A_26 step %scan3A_27  : i32 {
        %mul3A_35 = arith.constant 2 : i32
        %mul3A_36 = arith.muli %mul3A_35, %scan3A_34 : i32
        %add3A = arith.constant 1 : i32
        %add3A_37 = arith.addi %mul3A_36, %add3A : i32
        %dma_wait3A_38 = arith.constant 0 : i32
        %dma_wait3A_39 = arith.constant 0 : i32
        %dma_wait3A_40 = tpu.memref_slice %arg2[%dma_wait3A_38, %dma_wait3A_39] : memref<10000x128xf32, #tpu.memory_space<hbm>> -> memref<128x128xf32, #tpu.memory_space<hbm>>
        %dma_wait3A_41 = arith.constant 0 : i32
        %dma_wait3A_42 = arith.constant 0 : i32
        %dma_wait3A_43 = tpu.memref_slice %arg2[%dma_wait3A_41, %dma_wait3A_42] : memref<10000x128xf32, #tpu.memory_space<hbm>> -> memref<128x128xf32, #tpu.memory_space<hbm>>
        tpu.wait_dma2 semaphore(%arg12 : memref<!tpu.dma_semaphore, #tpu.memory_space<semaphore_mem>>) src(%dma_wait3A_43 : memref<128x128xf32, #tpu.memory_space<hbm>>) dst(%arg9 : memref<128x128xf32, #tpu.memory_space<vmem>>)
        %dma_start3A_44 = arith.constant 0 : i32
        %dma_start3A_45 = tpu.memref_slice %arg8[%add3A_37, %dma_start3A_44] : memref<80x128xi32, #tpu.memory_space<vmem>> -> memref<1x128xi32, #tpu.memory_space<vmem>>
        %dma_start3A_46 = tpu.memref_squeeze %dma_start3A_45 : memref<1x128xi32, #tpu.memory_space<vmem>> -> memref<128xi32, #tpu.memory_space<vmem>>
        %dma_start3A_47 = arith.constant 0 : i32
        %dma_start3A_48 = arith.constant 0 : i32
        %dma_start3A_49 = tpu.memref_slice %arg11[%dma_start3A_47, %dma_start3A_48] : memref<10000x128xf32, #tpu.memory_space<vmem_shared>> -> memref<10000x128xf32, #tpu.memory_space<vmem_shared>>
        tpu.enqueue_indirect_dma source(%dma_start3A_49 : memref<10000x128xf32, #tpu.memory_space<vmem_shared>>) target(%arg10 : memref<128x128xf32, #tpu.memory_space<vmem>>) offsets(%dma_start3A_46 : memref<128xi32, #tpu.memory_space<vmem>>) semaphore(%arg13 : memref<!tpu.dma_semaphore, #tpu.memory_space<semaphore_mem>>)
        %add3A_50 = arith.addi %mul3A_17, %mul3A_36 : i32
        %mul3A_51 = arith.constant 128 : i32
        %mul3A_52 = arith.muli %add3A_50, %mul3A_51 : i32
        "tpu.region"() ({
          %run_scoped3A = tpu.sem_alloc : memref<!tpu.dma_semaphore, #tpu.memory_space<semaphore_mem>>
          %dma_start3A_71 = arith.constant 0 : i32
          %dma_start3A_72 = tpu.memref_slice %arg7[%mul3A_52, %dma_start3A_71] : memref<163840x128xf32, #tpu.memory_space<hbm>> -> memref<128x128xf32, #tpu.memory_space<hbm>>
          %dma_start3A_73 = arith.constant 0 : i32
          %dma_start3A_74 = tpu.memref_slice %arg7[%mul3A_52, %dma_start3A_73] : memref<163840x128xf32, #tpu.memory_space<hbm>> -> memref<128x128xf32, #tpu.memory_space<hbm>>
          tpu.enqueue_dma source(%arg9 : memref<128x128xf32, #tpu.memory_space<vmem>>) target(%dma_start3A_74 : memref<128x128xf32, #tpu.memory_space<hbm>>) target_semaphore(%run_scoped3A : memref<!tpu.dma_semaphore, #tpu.memory_space<semaphore_mem>>)
          %dma_wait3A_75 = arith.constant 0 : i32
          %dma_wait3A_76 = tpu.memref_slice %arg7[%mul3A_52, %dma_wait3A_75] : memref<163840x128xf32, #tpu.memory_space<hbm>> -> memref<128x128xf32, #tpu.memory_space<hbm>>
          %dma_wait3A_77 = arith.constant 0 : i32
          %dma_wait3A_78 = tpu.memref_slice %arg7[%mul3A_52, %dma_wait3A_77] : memref<163840x128xf32, #tpu.memory_space<hbm>> -> memref<128x128xf32, #tpu.memory_space<hbm>>
          tpu.wait_dma2 semaphore(%run_scoped3A : memref<!tpu.dma_semaphore, #tpu.memory_space<semaphore_mem>>) src(%arg9 : memref<128x128xf32, #tpu.memory_space<vmem>>) dst(%dma_wait3A_78 : memref<128x128xf32, #tpu.memory_space<hbm>>)
          tpu.yield
        }) : () -> ()
        %dma_wait3A_53 = arith.constant 0 : i32
        %dma_wait3A_54 = arith.constant 0 : i32
        %dma_wait3A_55 = tpu.memref_slice %arg2[%dma_wait3A_53, %dma_wait3A_54] : memref<10000x128xf32, #tpu.memory_space<hbm>> -> memref<128x128xf32, #tpu.memory_space<hbm>>
        %dma_wait3A_56 = arith.constant 0 : i32
        %dma_wait3A_57 = arith.constant 0 : i32
        %dma_wait3A_58 = tpu.memref_slice %arg2[%dma_wait3A_56, %dma_wait3A_57] : memref<10000x128xf32, #tpu.memory_space<hbm>> -> memref<128x128xf32, #tpu.memory_space<hbm>>
        tpu.wait_dma2 semaphore(%arg13 : memref<!tpu.dma_semaphore, #tpu.memory_space<semaphore_mem>>) src(%dma_wait3A_58 : memref<128x128xf32, #tpu.memory_space<hbm>>) dst(%arg10 : memref<128x128xf32, #tpu.memory_space<vmem>>)
        %add3A_59 = arith.constant 2 : i32
        %add3A_60 = arith.addi %mul3A_36, %add3A_59 : i32
        %min3A = arith.constant 79 : i32
        %min3A_61 = arith.minsi %add3A_60, %min3A : i32
        %dma_start3A_62 = arith.constant 0 : i32
        %dma_start3A_63 = tpu.memref_slice %arg8[%min3A_61, %dma_start3A_62] : memref<80x128xi32, #tpu.memory_space<vmem>> -> memref<1x128xi32, #tpu.memory_space<vmem>>
        %dma_start3A_64 = tpu.memref_squeeze %dma_start3A_63 : memref<1x128xi32, #tpu.memory_space<vmem>> -> memref<128xi32, #tpu.memory_space<vmem>>
        %dma_start3A_65 = arith.constant 0 : i32
        %dma_start3A_66 = arith.constant 0 : i32
        %dma_start3A_67 = tpu.memref_slice %arg11[%dma_start3A_65, %dma_start3A_66] : memref<10000x128xf32, #tpu.memory_space<vmem_shared>> -> memref<10000x128xf32, #tpu.memory_space<vmem_shared>>
        tpu.enqueue_indirect_dma source(%dma_start3A_67 : memref<10000x128xf32, #tpu.memory_space<vmem_shared>>) target(%arg9 : memref<128x128xf32, #tpu.memory_space<vmem>>) offsets(%dma_start3A_64 : memref<128xi32, #tpu.memory_space<vmem>>) semaphore(%arg12 : memref<!tpu.dma_semaphore, #tpu.memory_space<semaphore_mem>>)
        %add3A_68 = arith.addi %mul3A_17, %add3A_37 : i32
        %mul3A_69 = arith.constant 128 : i32
        %mul3A_70 = arith.muli %add3A_68, %mul3A_69 : i32
        "tpu.region"() ({
          %run_scoped3A = tpu.sem_alloc : memref<!tpu.dma_semaphore, #tpu.memory_space<semaphore_mem>>
          %dma_start3A_71 = arith.constant 0 : i32
          %dma_start3A_72 = tpu.memref_slice %arg7[%mul3A_70, %dma_start3A_71] : memref<163840x128xf32, #tpu.memory_space<hbm>> -> memref<128x128xf32, #tpu.memory_space<hbm>>
          %dma_start3A_73 = arith.constant 0 : i32
          %dma_start3A_74 = tpu.memref_slice %arg7[%mul3A_70, %dma_start3A_73] : memref<163840x128xf32, #tpu.memory_space<hbm>> -> memref<128x128xf32, #tpu.memory_space<hbm>>
          tpu.enqueue_dma source(%arg10 : memref<128x128xf32, #tpu.memory_space<vmem>>) target(%dma_start3A_74 : memref<128x128xf32, #tpu.memory_space<hbm>>) target_semaphore(%run_scoped3A : memref<!tpu.dma_semaphore, #tpu.memory_space<semaphore_mem>>)
          %dma_wait3A_75 = arith.constant 0 : i32
          %dma_wait3A_76 = tpu.memref_slice %arg7[%mul3A_70, %dma_wait3A_75] : memref<163840x128xf32, #tpu.memory_space<hbm>> -> memref<128x128xf32, #tpu.memory_space<hbm>>
          %dma_wait3A_77 = arith.constant 0 : i32
          %dma_wait3A_78 = tpu.memref_slice %arg7[%mul3A_70, %dma_wait3A_77] : memref<163840x128xf32, #tpu.memory_space<hbm>> -> memref<128x128xf32, #tpu.memory_space<hbm>>
          tpu.wait_dma2 semaphore(%run_scoped3A : memref<!tpu.dma_semaphore, #tpu.memory_space<semaphore_mem>>) src(%arg10 : memref<128x128xf32, #tpu.memory_space<vmem>>) dst(%dma_wait3A_78 : memref<128x128xf32, #tpu.memory_space<hbm>>)
          tpu.yield
        }) : () -> ()
      }
      %scan3A_28 = arith.constant 40 : i32
      %dma_wait3A = arith.constant 0 : i32
      %dma_wait3A_29 = arith.constant 0 : i32
      %dma_wait3A_30 = tpu.memref_slice %arg2[%dma_wait3A, %dma_wait3A_29] : memref<10000x128xf32, #tpu.memory_space<hbm>> -> memref<128x128xf32, #tpu.memory_space<hbm>>
      %dma_wait3A_31 = arith.constant 0 : i32
      %dma_wait3A_32 = arith.constant 0 : i32
      %dma_wait3A_33 = tpu.memref_slice %arg2[%dma_wait3A_31, %dma_wait3A_32] : memref<10000x128xf32, #tpu.memory_space<hbm>> -> memref<128x128xf32, #tpu.memory_space<hbm>>
      tpu.wait_dma2 semaphore(%arg12 : memref<!tpu.dma_semaphore, #tpu.memory_space<semaphore_mem>>) src(%dma_wait3A_33 : memref<128x128xf32, #tpu.memory_space<hbm>>) dst(%arg9 : memref<128x128xf32, #tpu.memory_space<vmem>>)
    } else {
    }
    return
  }
}

#map = affine_map<(d0, d1) -> (0, 0)>
#map1 = affine_map<(d0, d1) -> (0, 0, 0)>
module attributes {stable_mosaic.version = 14 : i64} {
  func.func @k(%arg0: i32, %arg1: i32, %arg2: memref<163840x128xf32, #tpu.memory_space<hbm>>, %arg3: memref<163840x128xf32, #tpu.memory_space<hbm>>, %arg4: memref<16x80x128xi32, #tpu.memory_space<hbm>>, %arg5: memref<640x128xf32, #tpu.memory_space<hbm>>, %arg6: memref<10000x128xf32, #tpu.memory_space<hbm>>, %arg7: memref<10000x128xf32, #tpu.memory_space<hbm>>, %arg8: memref<80x128xi32, #tpu.memory_space<vmem>>, %arg9: memref<128x128xf32, #tpu.memory_space<vmem>>, %arg10: memref<128x128xf32, #tpu.memory_space<vmem>>, %arg11: memref<10240x128xf32, #tpu.memory_space<vmem_shared>>, %arg12: memref<!tpu.dma_semaphore, #tpu.memory_space<semaphore_mem>>, %arg13: memref<!tpu.dma_semaphore, #tpu.memory_space<semaphore_mem>>) attributes {dimension_semantics = [#tpu.dimension_semantics<core_parallel>, #tpu.dimension_semantics<subcore_parallel>], iteration_bounds = array<i64: 2, 16>, scalar_prefetch = 0 : i64, scratch_operands = 6 : i64, tpu.core_type = #tpu.core_type<sc_vector_subcore>, window_params = [{transform_indices = #map}, {transform_indices = #map}, {transform_indices = #map1}, {transform_indices = #map}, {transform_indices = #map}, {transform_indices = #map}]} {
    %mul3A = arith.constant 640 : i32
    %mul3A_0 = arith.muli %arg1, %mul3A : i32
    "tpu.region"() ({
      %run_scoped3A = tpu.sem_alloc : memref<!tpu.dma_semaphore, #tpu.memory_space<semaphore_mem>>
      %dma_start3A = arith.constant 0 : i32
      %dma_start3A_39 = tpu.memref_slice %arg11[%mul3A_0, %dma_start3A] : memref<10240x128xf32, #tpu.memory_space<vmem_shared>> -> memref<640x128xf32, #tpu.memory_space<vmem_shared>>
      tpu.enqueue_dma source(%arg5 : memref<640x128xf32, #tpu.memory_space<hbm>>) target(%dma_start3A_39 : memref<640x128xf32, #tpu.memory_space<vmem_shared>>) target_semaphore(%run_scoped3A : memref<!tpu.dma_semaphore, #tpu.memory_space<semaphore_mem>>)
      %dma_wait3A = arith.constant 0 : i32
      %dma_wait3A_40 = tpu.memref_slice %arg11[%mul3A_0, %dma_wait3A] : memref<10240x128xf32, #tpu.memory_space<vmem_shared>> -> memref<640x128xf32, #tpu.memory_space<vmem_shared>>
      tpu.wait_dma2 semaphore(%run_scoped3A : memref<!tpu.dma_semaphore, #tpu.memory_space<semaphore_mem>>) src(%arg5 : memref<640x128xf32, #tpu.memory_space<hbm>>) dst(%dma_wait3A_40 : memref<640x128xf32, #tpu.memory_space<vmem_shared>>)
      tpu.yield
    }) : () -> ()
    "tpu.region"() ({
      %run_scoped3A = tpu.sem_alloc : memref<!tpu.dma_semaphore, #tpu.memory_space<semaphore_mem>>
      %dma_start3A = arith.constant 0 : i32
      %dma_start3A_39 = arith.constant 0 : i32
      %dma_start3A_40 = tpu.memref_slice %arg4[%arg1, %dma_start3A, %dma_start3A_39] : memref<16x80x128xi32, #tpu.memory_space<hbm>> -> memref<1x80x128xi32, #tpu.memory_space<hbm>>
      %dma_start3A_41 = tpu.memref_squeeze %dma_start3A_40 : memref<1x80x128xi32, #tpu.memory_space<hbm>> -> memref<80x128xi32, #tpu.memory_space<hbm>>
      %dma_start3A_42 = arith.constant 0 : i32
      %dma_start3A_43 = arith.constant 0 : i32
      %dma_start3A_44 = tpu.memref_slice %arg4[%arg1, %dma_start3A_42, %dma_start3A_43] : memref<16x80x128xi32, #tpu.memory_space<hbm>> -> memref<1x80x128xi32, #tpu.memory_space<hbm>>
      %dma_start3A_45 = tpu.memref_squeeze %dma_start3A_44 : memref<1x80x128xi32, #tpu.memory_space<hbm>> -> memref<80x128xi32, #tpu.memory_space<hbm>>
      tpu.enqueue_dma source(%dma_start3A_45 : memref<80x128xi32, #tpu.memory_space<hbm>>) target(%arg8 : memref<80x128xi32, #tpu.memory_space<vmem>>) target_semaphore(%run_scoped3A : memref<!tpu.dma_semaphore, #tpu.memory_space<semaphore_mem>>)
      %dma_wait3A = arith.constant 0 : i32
      %dma_wait3A_46 = arith.constant 0 : i32
      %dma_wait3A_47 = tpu.memref_slice %arg4[%arg1, %dma_wait3A, %dma_wait3A_46] : memref<16x80x128xi32, #tpu.memory_space<hbm>> -> memref<1x80x128xi32, #tpu.memory_space<hbm>>
      %dma_wait3A_48 = tpu.memref_squeeze %dma_wait3A_47 : memref<1x80x128xi32, #tpu.memory_space<hbm>> -> memref<80x128xi32, #tpu.memory_space<hbm>>
      %dma_wait3A_49 = arith.constant 0 : i32
      %dma_wait3A_50 = arith.constant 0 : i32
      %dma_wait3A_51 = tpu.memref_slice %arg4[%arg1, %dma_wait3A_49, %dma_wait3A_50] : memref<16x80x128xi32, #tpu.memory_space<hbm>> -> memref<1x80x128xi32, #tpu.memory_space<hbm>>
      %dma_wait3A_52 = tpu.memref_squeeze %dma_wait3A_51 : memref<1x80x128xi32, #tpu.memory_space<hbm>> -> memref<80x128xi32, #tpu.memory_space<hbm>>
      tpu.wait_dma2 semaphore(%run_scoped3A : memref<!tpu.dma_semaphore, #tpu.memory_space<semaphore_mem>>) src(%dma_wait3A_52 : memref<80x128xi32, #tpu.memory_space<hbm>>) dst(%arg8 : memref<80x128xi32, #tpu.memory_space<vmem>>)
      tpu.yield
    }) : () -> ()
    %barrier3A = arith.constant 0 : index
    tpu.barrier barrier_id(%barrier3A)
    %eq3A = arith.constant 0 : i32
    %eq3A_1 = arith.cmpi eq, %arg0, %eq3A : i32
    %convert_element_type3A = arith.extui %eq3A_1 : i1 to i32
    %cond3A = arith.constant 0 : i32
    %cond3A_2 = arith.cmpi ne, %convert_element_type3A, %cond3A : i32
    scf.if %cond3A_2 {
      %mul3A_39 = arith.constant 10240 : i32
      %mul3A_40 = arith.muli %arg1, %mul3A_39 : i32
      %add3A = arith.constant 0 : i32
      %add3A_41 = arith.addi %mul3A_40, %add3A : i32
      %dma_start3A = arith.constant 0 : i32
      %dma_start3A_42 = tpu.memref_slice %arg2[%add3A_41, %dma_start3A] : memref<163840x128xf32, #tpu.memory_space<hbm>> -> memref<128x128xf32, #tpu.memory_space<hbm>>
      %dma_start3A_43 = arith.constant 0 : i32
      %dma_start3A_44 = tpu.memref_slice %arg2[%add3A_41, %dma_start3A_43] : memref<163840x128xf32, #tpu.memory_space<hbm>> -> memref<128x128xf32, #tpu.memory_space<hbm>>
      tpu.enqueue_dma source(%dma_start3A_44 : memref<128x128xf32, #tpu.memory_space<hbm>>) target(%arg9 : memref<128x128xf32, #tpu.memory_space<vmem>>) target_semaphore(%arg12 : memref<!tpu.dma_semaphore, #tpu.memory_space<semaphore_mem>>)
      %scan3A = arith.constant 0 : i32
      %scan3A_45 = arith.constant 0 : i32
      %scan3A_46 = arith.constant 40 : i32
      %scan3A_47 = arith.addi %scan3A_45, %scan3A_46 : i32
      %scan3A_48 = arith.constant 1 : i32
      scf.for %scan3A_55 = %scan3A_45 to %scan3A_47 step %scan3A_48  : i32 {
        %mul3A_56 = arith.constant 2 : i32
        %mul3A_57 = arith.muli %mul3A_56, %scan3A_55 : i32
        %add3A_58 = arith.constant 1 : i32
        %add3A_59 = arith.addi %mul3A_57, %add3A_58 : i32
        %dma_wait3A_60 = arith.constant 0 : i32
        %dma_wait3A_61 = arith.constant 0 : i32
        %dma_wait3A_62 = tpu.memref_slice %arg2[%dma_wait3A_60, %dma_wait3A_61] : memref<163840x128xf32, #tpu.memory_space<hbm>> -> memref<128x128xf32, #tpu.memory_space<hbm>>
        %dma_wait3A_63 = arith.constant 0 : i32
        %dma_wait3A_64 = arith.constant 0 : i32
        %dma_wait3A_65 = tpu.memref_slice %arg2[%dma_wait3A_63, %dma_wait3A_64] : memref<163840x128xf32, #tpu.memory_space<hbm>> -> memref<128x128xf32, #tpu.memory_space<hbm>>
        tpu.wait_dma2 semaphore(%arg12 : memref<!tpu.dma_semaphore, #tpu.memory_space<semaphore_mem>>) src(%dma_wait3A_65 : memref<128x128xf32, #tpu.memory_space<hbm>>) dst(%arg9 : memref<128x128xf32, #tpu.memory_space<vmem>>)
        %mul3A_66 = arith.constant 10240 : i32
        %mul3A_67 = arith.muli %arg1, %mul3A_66 : i32
        %mul3A_68 = arith.constant 128 : i32
        %mul3A_69 = arith.muli %add3A_59, %mul3A_68 : i32
        %add3A_70 = arith.addi %mul3A_67, %mul3A_69 : i32
        %dma_start3A_71 = arith.constant 0 : i32
        %dma_start3A_72 = tpu.memref_slice %arg2[%add3A_70, %dma_start3A_71] : memref<163840x128xf32, #tpu.memory_space<hbm>> -> memref<128x128xf32, #tpu.memory_space<hbm>>
        %dma_start3A_73 = arith.constant 0 : i32
        %dma_start3A_74 = tpu.memref_slice %arg2[%add3A_70, %dma_start3A_73] : memref<163840x128xf32, #tpu.memory_space<hbm>> -> memref<128x128xf32, #tpu.memory_space<hbm>>
        tpu.enqueue_dma source(%dma_start3A_74 : memref<128x128xf32, #tpu.memory_space<hbm>>) target(%arg10 : memref<128x128xf32, #tpu.memory_space<vmem>>) target_semaphore(%arg13 : memref<!tpu.dma_semaphore, #tpu.memory_space<semaphore_mem>>)
        "tpu.region"() ({
          %run_scoped3A = tpu.sem_alloc : memref<!tpu.dma_semaphore, #tpu.memory_space<semaphore_mem>>
          %dma_start3A_93 = arith.constant 0 : i32
          %dma_start3A_94 = tpu.memref_slice %arg8[%mul3A_57, %dma_start3A_93] : memref<80x128xi32, #tpu.memory_space<vmem>> -> memref<1x128xi32, #tpu.memory_space<vmem>>
          %dma_start3A_95 = tpu.memref_squeeze %dma_start3A_94 : memref<1x128xi32, #tpu.memory_space<vmem>> -> memref<128xi32, #tpu.memory_space<vmem>>
          %dma_start3A_96 = arith.constant 0 : i32
          %dma_start3A_97 = arith.constant 0 : i32
          %dma_start3A_98 = tpu.memref_slice %arg11[%dma_start3A_96, %dma_start3A_97] : memref<10240x128xf32, #tpu.memory_space<vmem_shared>> -> memref<10240x128xf32, #tpu.memory_space<vmem_shared>>
          tpu.enqueue_indirect_dma source(%arg9 : memref<128x128xf32, #tpu.memory_space<vmem>>) target(%dma_start3A_98 : memref<10240x128xf32, #tpu.memory_space<vmem_shared>>) offsets(%dma_start3A_95 : memref<128xi32, #tpu.memory_space<vmem>>) semaphore(%run_scoped3A : memref<!tpu.dma_semaphore, #tpu.memory_space<semaphore_mem>>) {add = true}
          %dma_wait3A_99 = arith.constant 0 : i32
          %dma_wait3A_100 = tpu.memref_slice %arg8[%mul3A_57, %dma_wait3A_99] : memref<80x128xi32, #tpu.memory_space<vmem>> -> memref<1x128xi32, #tpu.memory_space<vmem>>
          %dma_wait3A_101 = tpu.memref_squeeze %dma_wait3A_100 : memref<1x128xi32, #tpu.memory_space<vmem>> -> memref<128xi32, #tpu.memory_space<vmem>>
          %dma_wait3A_102 = arith.constant 0 : i32
          %dma_wait3A_103 = arith.constant 0 : i32
          %dma_wait3A_104 = tpu.memref_slice %arg11[%dma_wait3A_102, %dma_wait3A_103] : memref<10240x128xf32, #tpu.memory_space<vmem_shared>> -> memref<10240x128xf32, #tpu.memory_space<vmem_shared>>
          tpu.wait_indirect_dma semaphore(%run_scoped3A : memref<!tpu.dma_semaphore, #tpu.memory_space<semaphore_mem>>) src(%arg9 : memref<128x128xf32, #tpu.memory_space<vmem>>) dst(%dma_wait3A_104 : memref<10240x128xf32, #tpu.memory_space<vmem_shared>>)
          tpu.yield
        }) : () -> ()
        %dma_wait3A_75 = arith.constant 0 : i32
        %dma_wait3A_76 = arith.constant 0 : i32
        %dma_wait3A_77 = tpu.memref_slice %arg2[%dma_wait3A_75, %dma_wait3A_76] : memref<163840x128xf32, #tpu.memory_space<hbm>> -> memref<128x128xf32, #tpu.memory_space<hbm>>
        %dma_wait3A_78 = arith.constant 0 : i32
        %dma_wait3A_79 = arith.constant 0 : i32
        %dma_wait3A_80 = tpu.memref_slice %arg2[%dma_wait3A_78, %dma_wait3A_79] : memref<163840x128xf32, #tpu.memory_space<hbm>> -> memref<128x128xf32, #tpu.memory_space<hbm>>
        tpu.wait_dma2 semaphore(%arg13 : memref<!tpu.dma_semaphore, #tpu.memory_space<semaphore_mem>>) src(%dma_wait3A_80 : memref<128x128xf32, #tpu.memory_space<hbm>>) dst(%arg10 : memref<128x128xf32, #tpu.memory_space<vmem>>)
        %add3A_81 = arith.constant 2 : i32
        %add3A_82 = arith.addi %mul3A_57, %add3A_81 : i32
        %min3A = arith.constant 79 : i32
        %min3A_83 = arith.minsi %add3A_82, %min3A : i32
        %mul3A_84 = arith.constant 10240 : i32
        %mul3A_85 = arith.muli %arg1, %mul3A_84 : i32
        %mul3A_86 = arith.constant 128 : i32
        %mul3A_87 = arith.muli %min3A_83, %mul3A_86 : i32
        %add3A_88 = arith.addi %mul3A_85, %mul3A_87 : i32
        %dma_start3A_89 = arith.constant 0 : i32
        %dma_start3A_90 = tpu.memref_slice %arg2[%add3A_88, %dma_start3A_89] : memref<163840x128xf32, #tpu.memory_space<hbm>> -> memref<128x128xf32, #tpu.memory_space<hbm>>
        %dma_start3A_91 = arith.constant 0 : i32
        %dma_start3A_92 = tpu.memref_slice %arg2[%add3A_88, %dma_start3A_91] : memref<163840x128xf32, #tpu.memory_space<hbm>> -> memref<128x128xf32, #tpu.memory_space<hbm>>
        tpu.enqueue_dma source(%dma_start3A_92 : memref<128x128xf32, #tpu.memory_space<hbm>>) target(%arg9 : memref<128x128xf32, #tpu.memory_space<vmem>>) target_semaphore(%arg12 : memref<!tpu.dma_semaphore, #tpu.memory_space<semaphore_mem>>)
        "tpu.region"() ({
          %run_scoped3A = tpu.sem_alloc : memref<!tpu.dma_semaphore, #tpu.memory_space<semaphore_mem>>
          %dma_start3A_93 = arith.constant 0 : i32
          %dma_start3A_94 = tpu.memref_slice %arg8[%add3A_59, %dma_start3A_93] : memref<80x128xi32, #tpu.memory_space<vmem>> -> memref<1x128xi32, #tpu.memory_space<vmem>>
          %dma_start3A_95 = tpu.memref_squeeze %dma_start3A_94 : memref<1x128xi32, #tpu.memory_space<vmem>> -> memref<128xi32, #tpu.memory_space<vmem>>
          %dma_start3A_96 = arith.constant 0 : i32
          %dma_start3A_97 = arith.constant 0 : i32
          %dma_start3A_98 = tpu.memref_slice %arg11[%dma_start3A_96, %dma_start3A_97] : memref<10240x128xf32, #tpu.memory_space<vmem_shared>> -> memref<10240x128xf32, #tpu.memory_space<vmem_shared>>
          tpu.enqueue_indirect_dma source(%arg10 : memref<128x128xf32, #tpu.memory_space<vmem>>) target(%dma_start3A_98 : memref<10240x128xf32, #tpu.memory_space<vmem_shared>>) offsets(%dma_start3A_95 : memref<128xi32, #tpu.memory_space<vmem>>) semaphore(%run_scoped3A : memref<!tpu.dma_semaphore, #tpu.memory_space<semaphore_mem>>) {add = true}
          %dma_wait3A_99 = arith.constant 0 : i32
          %dma_wait3A_100 = tpu.memref_slice %arg8[%add3A_59, %dma_wait3A_99] : memref<80x128xi32, #tpu.memory_space<vmem>> -> memref<1x128xi32, #tpu.memory_space<vmem>>
          %dma_wait3A_101 = tpu.memref_squeeze %dma_wait3A_100 : memref<1x128xi32, #tpu.memory_space<vmem>> -> memref<128xi32, #tpu.memory_space<vmem>>
          %dma_wait3A_102 = arith.constant 0 : i32
          %dma_wait3A_103 = arith.constant 0 : i32
          %dma_wait3A_104 = tpu.memref_slice %arg11[%dma_wait3A_102, %dma_wait3A_103] : memref<10240x128xf32, #tpu.memory_space<vmem_shared>> -> memref<10240x128xf32, #tpu.memory_space<vmem_shared>>
          tpu.wait_indirect_dma semaphore(%run_scoped3A : memref<!tpu.dma_semaphore, #tpu.memory_space<semaphore_mem>>) src(%arg10 : memref<128x128xf32, #tpu.memory_space<vmem>>) dst(%dma_wait3A_104 : memref<10240x128xf32, #tpu.memory_space<vmem_shared>>)
          tpu.yield
        }) : () -> ()
      }
      %scan3A_49 = arith.constant 40 : i32
      %dma_wait3A = arith.constant 0 : i32
      %dma_wait3A_50 = arith.constant 0 : i32
      %dma_wait3A_51 = tpu.memref_slice %arg2[%dma_wait3A, %dma_wait3A_50] : memref<163840x128xf32, #tpu.memory_space<hbm>> -> memref<128x128xf32, #tpu.memory_space<hbm>>
      %dma_wait3A_52 = arith.constant 0 : i32
      %dma_wait3A_53 = arith.constant 0 : i32
      %dma_wait3A_54 = tpu.memref_slice %arg2[%dma_wait3A_52, %dma_wait3A_53] : memref<163840x128xf32, #tpu.memory_space<hbm>> -> memref<128x128xf32, #tpu.memory_space<hbm>>
      tpu.wait_dma2 semaphore(%arg12 : memref<!tpu.dma_semaphore, #tpu.memory_space<semaphore_mem>>) src(%dma_wait3A_54 : memref<128x128xf32, #tpu.memory_space<hbm>>) dst(%arg9 : memref<128x128xf32, #tpu.memory_space<vmem>>)
    } else {
    }
    %eq3A_3 = arith.constant 1 : i32
    %eq3A_4 = arith.cmpi eq, %arg0, %eq3A_3 : i32
    %convert_element_type3A_5 = arith.extui %eq3A_4 : i1 to i32
    %cond3A_6 = arith.constant 0 : i32
    %cond3A_7 = arith.cmpi ne, %convert_element_type3A_5, %cond3A_6 : i32
    scf.if %cond3A_7 {
      %mul3A_39 = arith.constant 10240 : i32
      %mul3A_40 = arith.muli %arg1, %mul3A_39 : i32
      %add3A = arith.constant 0 : i32
      %add3A_41 = arith.addi %mul3A_40, %add3A : i32
      %dma_start3A = arith.constant 0 : i32
      %dma_start3A_42 = tpu.memref_slice %arg3[%add3A_41, %dma_start3A] : memref<163840x128xf32, #tpu.memory_space<hbm>> -> memref<128x128xf32, #tpu.memory_space<hbm>>
      %dma_start3A_43 = arith.constant 0 : i32
      %dma_start3A_44 = tpu.memref_slice %arg3[%add3A_41, %dma_start3A_43] : memref<163840x128xf32, #tpu.memory_space<hbm>> -> memref<128x128xf32, #tpu.memory_space<hbm>>
      tpu.enqueue_dma source(%dma_start3A_44 : memref<128x128xf32, #tpu.memory_space<hbm>>) target(%arg9 : memref<128x128xf32, #tpu.memory_space<vmem>>) target_semaphore(%arg12 : memref<!tpu.dma_semaphore, #tpu.memory_space<semaphore_mem>>)
      %scan3A = arith.constant 0 : i32
      %scan3A_45 = arith.constant 0 : i32
      %scan3A_46 = arith.constant 40 : i32
      %scan3A_47 = arith.addi %scan3A_45, %scan3A_46 : i32
      %scan3A_48 = arith.constant 1 : i32
      scf.for %scan3A_55 = %scan3A_45 to %scan3A_47 step %scan3A_48  : i32 {
        %mul3A_56 = arith.constant 2 : i32
        %mul3A_57 = arith.muli %mul3A_56, %scan3A_55 : i32
        %add3A_58 = arith.constant 1 : i32
        %add3A_59 = arith.addi %mul3A_57, %add3A_58 : i32
        %dma_wait3A_60 = arith.constant 0 : i32
        %dma_wait3A_61 = arith.constant 0 : i32
        %dma_wait3A_62 = tpu.memref_slice %arg3[%dma_wait3A_60, %dma_wait3A_61] : memref<163840x128xf32, #tpu.memory_space<hbm>> -> memref<128x128xf32, #tpu.memory_space<hbm>>
        %dma_wait3A_63 = arith.constant 0 : i32
        %dma_wait3A_64 = arith.constant 0 : i32
        %dma_wait3A_65 = tpu.memref_slice %arg3[%dma_wait3A_63, %dma_wait3A_64] : memref<163840x128xf32, #tpu.memory_space<hbm>> -> memref<128x128xf32, #tpu.memory_space<hbm>>
        tpu.wait_dma2 semaphore(%arg12 : memref<!tpu.dma_semaphore, #tpu.memory_space<semaphore_mem>>) src(%dma_wait3A_65 : memref<128x128xf32, #tpu.memory_space<hbm>>) dst(%arg9 : memref<128x128xf32, #tpu.memory_space<vmem>>)
        %mul3A_66 = arith.constant 10240 : i32
        %mul3A_67 = arith.muli %arg1, %mul3A_66 : i32
        %mul3A_68 = arith.constant 128 : i32
        %mul3A_69 = arith.muli %add3A_59, %mul3A_68 : i32
        %add3A_70 = arith.addi %mul3A_67, %mul3A_69 : i32
        %dma_start3A_71 = arith.constant 0 : i32
        %dma_start3A_72 = tpu.memref_slice %arg3[%add3A_70, %dma_start3A_71] : memref<163840x128xf32, #tpu.memory_space<hbm>> -> memref<128x128xf32, #tpu.memory_space<hbm>>
        %dma_start3A_73 = arith.constant 0 : i32
        %dma_start3A_74 = tpu.memref_slice %arg3[%add3A_70, %dma_start3A_73] : memref<163840x128xf32, #tpu.memory_space<hbm>> -> memref<128x128xf32, #tpu.memory_space<hbm>>
        tpu.enqueue_dma source(%dma_start3A_74 : memref<128x128xf32, #tpu.memory_space<hbm>>) target(%arg10 : memref<128x128xf32, #tpu.memory_space<vmem>>) target_semaphore(%arg13 : memref<!tpu.dma_semaphore, #tpu.memory_space<semaphore_mem>>)
        "tpu.region"() ({
          %run_scoped3A = tpu.sem_alloc : memref<!tpu.dma_semaphore, #tpu.memory_space<semaphore_mem>>
          %dma_start3A_93 = arith.constant 0 : i32
          %dma_start3A_94 = tpu.memref_slice %arg8[%mul3A_57, %dma_start3A_93] : memref<80x128xi32, #tpu.memory_space<vmem>> -> memref<1x128xi32, #tpu.memory_space<vmem>>
          %dma_start3A_95 = tpu.memref_squeeze %dma_start3A_94 : memref<1x128xi32, #tpu.memory_space<vmem>> -> memref<128xi32, #tpu.memory_space<vmem>>
          %dma_start3A_96 = arith.constant 0 : i32
          %dma_start3A_97 = arith.constant 0 : i32
          %dma_start3A_98 = tpu.memref_slice %arg11[%dma_start3A_96, %dma_start3A_97] : memref<10240x128xf32, #tpu.memory_space<vmem_shared>> -> memref<10240x128xf32, #tpu.memory_space<vmem_shared>>
          tpu.enqueue_indirect_dma source(%arg9 : memref<128x128xf32, #tpu.memory_space<vmem>>) target(%dma_start3A_98 : memref<10240x128xf32, #tpu.memory_space<vmem_shared>>) offsets(%dma_start3A_95 : memref<128xi32, #tpu.memory_space<vmem>>) semaphore(%run_scoped3A : memref<!tpu.dma_semaphore, #tpu.memory_space<semaphore_mem>>) {add = true}
          %dma_wait3A_99 = arith.constant 0 : i32
          %dma_wait3A_100 = tpu.memref_slice %arg8[%mul3A_57, %dma_wait3A_99] : memref<80x128xi32, #tpu.memory_space<vmem>> -> memref<1x128xi32, #tpu.memory_space<vmem>>
          %dma_wait3A_101 = tpu.memref_squeeze %dma_wait3A_100 : memref<1x128xi32, #tpu.memory_space<vmem>> -> memref<128xi32, #tpu.memory_space<vmem>>
          %dma_wait3A_102 = arith.constant 0 : i32
          %dma_wait3A_103 = arith.constant 0 : i32
          %dma_wait3A_104 = tpu.memref_slice %arg11[%dma_wait3A_102, %dma_wait3A_103] : memref<10240x128xf32, #tpu.memory_space<vmem_shared>> -> memref<10240x128xf32, #tpu.memory_space<vmem_shared>>
          tpu.wait_indirect_dma semaphore(%run_scoped3A : memref<!tpu.dma_semaphore, #tpu.memory_space<semaphore_mem>>) src(%arg9 : memref<128x128xf32, #tpu.memory_space<vmem>>) dst(%dma_wait3A_104 : memref<10240x128xf32, #tpu.memory_space<vmem_shared>>)
          tpu.yield
        }) : () -> ()
        %dma_wait3A_75 = arith.constant 0 : i32
        %dma_wait3A_76 = arith.constant 0 : i32
        %dma_wait3A_77 = tpu.memref_slice %arg3[%dma_wait3A_75, %dma_wait3A_76] : memref<163840x128xf32, #tpu.memory_space<hbm>> -> memref<128x128xf32, #tpu.memory_space<hbm>>
        %dma_wait3A_78 = arith.constant 0 : i32
        %dma_wait3A_79 = arith.constant 0 : i32
        %dma_wait3A_80 = tpu.memref_slice %arg3[%dma_wait3A_78, %dma_wait3A_79] : memref<163840x128xf32, #tpu.memory_space<hbm>> -> memref<128x128xf32, #tpu.memory_space<hbm>>
        tpu.wait_dma2 semaphore(%arg13 : memref<!tpu.dma_semaphore, #tpu.memory_space<semaphore_mem>>) src(%dma_wait3A_80 : memref<128x128xf32, #tpu.memory_space<hbm>>) dst(%arg10 : memref<128x128xf32, #tpu.memory_space<vmem>>)
        %add3A_81 = arith.constant 2 : i32
        %add3A_82 = arith.addi %mul3A_57, %add3A_81 : i32
        %min3A = arith.constant 79 : i32
        %min3A_83 = arith.minsi %add3A_82, %min3A : i32
        %mul3A_84 = arith.constant 10240 : i32
        %mul3A_85 = arith.muli %arg1, %mul3A_84 : i32
        %mul3A_86 = arith.constant 128 : i32
        %mul3A_87 = arith.muli %min3A_83, %mul3A_86 : i32
        %add3A_88 = arith.addi %mul3A_85, %mul3A_87 : i32
        %dma_start3A_89 = arith.constant 0 : i32
        %dma_start3A_90 = tpu.memref_slice %arg3[%add3A_88, %dma_start3A_89] : memref<163840x128xf32, #tpu.memory_space<hbm>> -> memref<128x128xf32, #tpu.memory_space<hbm>>
        %dma_start3A_91 = arith.constant 0 : i32
        %dma_start3A_92 = tpu.memref_slice %arg3[%add3A_88, %dma_start3A_91] : memref<163840x128xf32, #tpu.memory_space<hbm>> -> memref<128x128xf32, #tpu.memory_space<hbm>>
        tpu.enqueue_dma source(%dma_start3A_92 : memref<128x128xf32, #tpu.memory_space<hbm>>) target(%arg9 : memref<128x128xf32, #tpu.memory_space<vmem>>) target_semaphore(%arg12 : memref<!tpu.dma_semaphore, #tpu.memory_space<semaphore_mem>>)
        "tpu.region"() ({
          %run_scoped3A = tpu.sem_alloc : memref<!tpu.dma_semaphore, #tpu.memory_space<semaphore_mem>>
          %dma_start3A_93 = arith.constant 0 : i32
          %dma_start3A_94 = tpu.memref_slice %arg8[%add3A_59, %dma_start3A_93] : memref<80x128xi32, #tpu.memory_space<vmem>> -> memref<1x128xi32, #tpu.memory_space<vmem>>
          %dma_start3A_95 = tpu.memref_squeeze %dma_start3A_94 : memref<1x128xi32, #tpu.memory_space<vmem>> -> memref<128xi32, #tpu.memory_space<vmem>>
          %dma_start3A_96 = arith.constant 0 : i32
          %dma_start3A_97 = arith.constant 0 : i32
          %dma_start3A_98 = tpu.memref_slice %arg11[%dma_start3A_96, %dma_start3A_97] : memref<10240x128xf32, #tpu.memory_space<vmem_shared>> -> memref<10240x128xf32, #tpu.memory_space<vmem_shared>>
          tpu.enqueue_indirect_dma source(%arg10 : memref<128x128xf32, #tpu.memory_space<vmem>>) target(%dma_start3A_98 : memref<10240x128xf32, #tpu.memory_space<vmem_shared>>) offsets(%dma_start3A_95 : memref<128xi32, #tpu.memory_space<vmem>>) semaphore(%run_scoped3A : memref<!tpu.dma_semaphore, #tpu.memory_space<semaphore_mem>>) {add = true}
          %dma_wait3A_99 = arith.constant 0 : i32
          %dma_wait3A_100 = tpu.memref_slice %arg8[%add3A_59, %dma_wait3A_99] : memref<80x128xi32, #tpu.memory_space<vmem>> -> memref<1x128xi32, #tpu.memory_space<vmem>>
          %dma_wait3A_101 = tpu.memref_squeeze %dma_wait3A_100 : memref<1x128xi32, #tpu.memory_space<vmem>> -> memref<128xi32, #tpu.memory_space<vmem>>
          %dma_wait3A_102 = arith.constant 0 : i32
          %dma_wait3A_103 = arith.constant 0 : i32
          %dma_wait3A_104 = tpu.memref_slice %arg11[%dma_wait3A_102, %dma_wait3A_103] : memref<10240x128xf32, #tpu.memory_space<vmem_shared>> -> memref<10240x128xf32, #tpu.memory_space<vmem_shared>>
          tpu.wait_indirect_dma semaphore(%run_scoped3A : memref<!tpu.dma_semaphore, #tpu.memory_space<semaphore_mem>>) src(%arg10 : memref<128x128xf32, #tpu.memory_space<vmem>>) dst(%dma_wait3A_104 : memref<10240x128xf32, #tpu.memory_space<vmem_shared>>)
          tpu.yield
        }) : () -> ()
      }
      %scan3A_49 = arith.constant 40 : i32
      %dma_wait3A = arith.constant 0 : i32
      %dma_wait3A_50 = arith.constant 0 : i32
      %dma_wait3A_51 = tpu.memref_slice %arg3[%dma_wait3A, %dma_wait3A_50] : memref<163840x128xf32, #tpu.memory_space<hbm>> -> memref<128x128xf32, #tpu.memory_space<hbm>>
      %dma_wait3A_52 = arith.constant 0 : i32
      %dma_wait3A_53 = arith.constant 0 : i32
      %dma_wait3A_54 = tpu.memref_slice %arg3[%dma_wait3A_52, %dma_wait3A_53] : memref<163840x128xf32, #tpu.memory_space<hbm>> -> memref<128x128xf32, #tpu.memory_space<hbm>>
      tpu.wait_dma2 semaphore(%arg12 : memref<!tpu.dma_semaphore, #tpu.memory_space<semaphore_mem>>) src(%dma_wait3A_54 : memref<128x128xf32, #tpu.memory_space<hbm>>) dst(%arg9 : memref<128x128xf32, #tpu.memory_space<vmem>>)
    } else {
    }
    %barrier3A_8 = arith.constant 0 : index
    tpu.barrier barrier_id(%barrier3A_8)
    %eq3A_9 = arith.constant 0 : i32
    %eq3A_10 = arith.cmpi eq, %arg0, %eq3A_9 : i32
    %lt3A = arith.constant 15 : i32
    %lt3A_11 = arith.cmpi slt, %arg1, %lt3A : i32
    %and3A = arith.andi %eq3A_10, %lt3A_11 : i1
    %convert_element_type3A_12 = arith.extui %and3A : i1 to i32
    %cond3A_13 = arith.constant 0 : i32
    %cond3A_14 = arith.cmpi ne, %convert_element_type3A_12, %cond3A_13 : i32
    scf.if %cond3A_14 {
      %mul3A_39 = arith.constant 632 : i32
      %mul3A_40 = arith.muli %arg1, %mul3A_39 : i32
      %mul3A_41 = arith.constant 632 : i32
      %mul3A_42 = arith.muli %arg1, %mul3A_41 : i32
      "tpu.region"() ({
        %run_scoped3A = tpu.sem_alloc : memref<!tpu.dma_semaphore, #tpu.memory_space<semaphore_mem>>
        %dma_start3A = arith.constant 0 : i32
        %dma_start3A_43 = tpu.memref_slice %arg6[%mul3A_42, %dma_start3A] : memref<10000x128xf32, #tpu.memory_space<hbm>> -> memref<632x128xf32, #tpu.memory_space<hbm>>
        %dma_start3A_44 = arith.constant 0 : i32
        %dma_start3A_45 = tpu.memref_slice %arg11[%mul3A_40, %dma_start3A_44] : memref<10240x128xf32, #tpu.memory_space<vmem_shared>> -> memref<632x128xf32, #tpu.memory_space<vmem_shared>>
        tpu.enqueue_dma source(%dma_start3A_45 : memref<632x128xf32, #tpu.memory_space<vmem_shared>>) target(%dma_start3A_43 : memref<632x128xf32, #tpu.memory_space<hbm>>) target_semaphore(%run_scoped3A : memref<!tpu.dma_semaphore, #tpu.memory_space<semaphore_mem>>)
        %dma_wait3A = arith.constant 0 : i32
        %dma_wait3A_46 = tpu.memref_slice %arg6[%mul3A_42, %dma_wait3A] : memref<10000x128xf32, #tpu.memory_space<hbm>> -> memref<632x128xf32, #tpu.memory_space<hbm>>
        %dma_wait3A_47 = arith.constant 0 : i32
        %dma_wait3A_48 = tpu.memref_slice %arg11[%mul3A_40, %dma_wait3A_47] : memref<10240x128xf32, #tpu.memory_space<vmem_shared>> -> memref<632x128xf32, #tpu.memory_space<vmem_shared>>
        tpu.wait_dma2 semaphore(%run_scoped3A : memref<!tpu.dma_semaphore, #tpu.memory_space<semaphore_mem>>) src(%dma_wait3A_48 : memref<632x128xf32, #tpu.memory_space<vmem_shared>>) dst(%dma_wait3A_46 : memref<632x128xf32, #tpu.memory_space<hbm>>)
        tpu.yield
      }) : () -> ()
    } else {
    }
    %eq3A_15 = arith.constant 0 : i32
    %eq3A_16 = arith.cmpi eq, %arg0, %eq3A_15 : i32
    %eq3A_17 = arith.constant 15 : i32
    %eq3A_18 = arith.cmpi eq, %arg1, %eq3A_17 : i32
    %and3A_19 = arith.andi %eq3A_16, %eq3A_18 : i1
    %convert_element_type3A_20 = arith.extui %and3A_19 : i1 to i32
    %cond3A_21 = arith.constant 0 : i32
    %cond3A_22 = arith.cmpi ne, %convert_element_type3A_20, %cond3A_21 : i32
    scf.if %cond3A_22 {
      "tpu.region"() ({
        %run_scoped3A = tpu.sem_alloc : memref<!tpu.dma_semaphore, #tpu.memory_space<semaphore_mem>>
        %dma_start3A = arith.constant 9480 : i32
        %dma_start3A_39 = arith.constant 0 : i32
        %dma_start3A_40 = tpu.memref_slice %arg6[%dma_start3A, %dma_start3A_39] : memref<10000x128xf32, #tpu.memory_space<hbm>> -> memref<520x128xf32, #tpu.memory_space<hbm>>
        %dma_start3A_41 = arith.constant 9480 : i32
        %dma_start3A_42 = arith.constant 0 : i32
        %dma_start3A_43 = tpu.memref_slice %arg11[%dma_start3A_41, %dma_start3A_42] : memref<10240x128xf32, #tpu.memory_space<vmem_shared>> -> memref<520x128xf32, #tpu.memory_space<vmem_shared>>
        tpu.enqueue_dma source(%dma_start3A_43 : memref<520x128xf32, #tpu.memory_space<vmem_shared>>) target(%dma_start3A_40 : memref<520x128xf32, #tpu.memory_space<hbm>>) target_semaphore(%run_scoped3A : memref<!tpu.dma_semaphore, #tpu.memory_space<semaphore_mem>>)
        %dma_wait3A = arith.constant 9480 : i32
        %dma_wait3A_44 = arith.constant 0 : i32
        %dma_wait3A_45 = tpu.memref_slice %arg6[%dma_wait3A, %dma_wait3A_44] : memref<10000x128xf32, #tpu.memory_space<hbm>> -> memref<520x128xf32, #tpu.memory_space<hbm>>
        %dma_wait3A_46 = arith.constant 9480 : i32
        %dma_wait3A_47 = arith.constant 0 : i32
        %dma_wait3A_48 = tpu.memref_slice %arg11[%dma_wait3A_46, %dma_wait3A_47] : memref<10240x128xf32, #tpu.memory_space<vmem_shared>> -> memref<520x128xf32, #tpu.memory_space<vmem_shared>>
        tpu.wait_dma2 semaphore(%run_scoped3A : memref<!tpu.dma_semaphore, #tpu.memory_space<semaphore_mem>>) src(%dma_wait3A_48 : memref<520x128xf32, #tpu.memory_space<vmem_shared>>) dst(%dma_wait3A_45 : memref<520x128xf32, #tpu.memory_space<hbm>>)
        tpu.yield
      }) : () -> ()
    } else {
    }
    %eq3A_23 = arith.constant 1 : i32
    %eq3A_24 = arith.cmpi eq, %arg0, %eq3A_23 : i32
    %lt3A_25 = arith.constant 15 : i32
    %lt3A_26 = arith.cmpi slt, %arg1, %lt3A_25 : i32
    %and3A_27 = arith.andi %eq3A_24, %lt3A_26 : i1
    %convert_element_type3A_28 = arith.extui %and3A_27 : i1 to i32
    %cond3A_29 = arith.constant 0 : i32
    %cond3A_30 = arith.cmpi ne, %convert_element_type3A_28, %cond3A_29 : i32
    scf.if %cond3A_30 {
      %mul3A_39 = arith.constant 632 : i32
      %mul3A_40 = arith.muli %arg1, %mul3A_39 : i32
      %mul3A_41 = arith.constant 632 : i32
      %mul3A_42 = arith.muli %arg1, %mul3A_41 : i32
      "tpu.region"() ({
        %run_scoped3A = tpu.sem_alloc : memref<!tpu.dma_semaphore, #tpu.memory_space<semaphore_mem>>
        %dma_start3A = arith.constant 0 : i32
        %dma_start3A_43 = tpu.memref_slice %arg7[%mul3A_42, %dma_start3A] : memref<10000x128xf32, #tpu.memory_space<hbm>> -> memref<632x128xf32, #tpu.memory_space<hbm>>
        %dma_start3A_44 = arith.constant 0 : i32
        %dma_start3A_45 = tpu.memref_slice %arg11[%mul3A_40, %dma_start3A_44] : memref<10240x128xf32, #tpu.memory_space<vmem_shared>> -> memref<632x128xf32, #tpu.memory_space<vmem_shared>>
        tpu.enqueue_dma source(%dma_start3A_45 : memref<632x128xf32, #tpu.memory_space<vmem_shared>>) target(%dma_start3A_43 : memref<632x128xf32, #tpu.memory_space<hbm>>) target_semaphore(%run_scoped3A : memref<!tpu.dma_semaphore, #tpu.memory_space<semaphore_mem>>)
        %dma_wait3A = arith.constant 0 : i32
        %dma_wait3A_46 = tpu.memref_slice %arg7[%mul3A_42, %dma_wait3A] : memref<10000x128xf32, #tpu.memory_space<hbm>> -> memref<632x128xf32, #tpu.memory_space<hbm>>
        %dma_wait3A_47 = arith.constant 0 : i32
        %dma_wait3A_48 = tpu.memref_slice %arg11[%mul3A_40, %dma_wait3A_47] : memref<10240x128xf32, #tpu.memory_space<vmem_shared>> -> memref<632x128xf32, #tpu.memory_space<vmem_shared>>
        tpu.wait_dma2 semaphore(%run_scoped3A : memref<!tpu.dma_semaphore, #tpu.memory_space<semaphore_mem>>) src(%dma_wait3A_48 : memref<632x128xf32, #tpu.memory_space<vmem_shared>>) dst(%dma_wait3A_46 : memref<632x128xf32, #tpu.memory_space<hbm>>)
        tpu.yield
      }) : () -> ()
    } else {
    }
    %eq3A_31 = arith.constant 1 : i32
    %eq3A_32 = arith.cmpi eq, %arg0, %eq3A_31 : i32
    %eq3A_33 = arith.constant 15 : i32
    %eq3A_34 = arith.cmpi eq, %arg1, %eq3A_33 : i32
    %and3A_35 = arith.andi %eq3A_32, %eq3A_34 : i1
    %convert_element_type3A_36 = arith.extui %and3A_35 : i1 to i32
    %cond3A_37 = arith.constant 0 : i32
    %cond3A_38 = arith.cmpi ne, %convert_element_type3A_36, %cond3A_37 : i32
    scf.if %cond3A_38 {
      "tpu.region"() ({
        %run_scoped3A = tpu.sem_alloc : memref<!tpu.dma_semaphore, #tpu.memory_space<semaphore_mem>>
        %dma_start3A = arith.constant 9480 : i32
        %dma_start3A_39 = arith.constant 0 : i32
        %dma_start3A_40 = tpu.memref_slice %arg7[%dma_start3A, %dma_start3A_39] : memref<10000x128xf32, #tpu.memory_space<hbm>> -> memref<520x128xf32, #tpu.memory_space<hbm>>
        %dma_start3A_41 = arith.constant 9480 : i32
        %dma_start3A_42 = arith.constant 0 : i32
        %dma_start3A_43 = tpu.memref_slice %arg11[%dma_start3A_41, %dma_start3A_42] : memref<10240x128xf32, #tpu.memory_space<vmem_shared>> -> memref<520x128xf32, #tpu.memory_space<vmem_shared>>
        tpu.enqueue_dma source(%dma_start3A_43 : memref<520x128xf32, #tpu.memory_space<vmem_shared>>) target(%dma_start3A_40 : memref<520x128xf32, #tpu.memory_space<hbm>>) target_semaphore(%run_scoped3A : memref<!tpu.dma_semaphore, #tpu.memory_space<semaphore_mem>>)
        %dma_wait3A = arith.constant 9480 : i32
        %dma_wait3A_44 = arith.constant 0 : i32
        %dma_wait3A_45 = tpu.memref_slice %arg7[%dma_wait3A, %dma_wait3A_44] : memref<10000x128xf32, #tpu.memory_space<hbm>> -> memref<520x128xf32, #tpu.memory_space<hbm>>
        %dma_wait3A_46 = arith.constant 9480 : i32
        %dma_wait3A_47 = arith.constant 0 : i32
        %dma_wait3A_48 = tpu.memref_slice %arg11[%dma_wait3A_46, %dma_wait3A_47] : memref<10240x128xf32, #tpu.memory_space<vmem_shared>> -> memref<520x128xf32, #tpu.memory_space<vmem_shared>>
        tpu.wait_dma2 semaphore(%run_scoped3A : memref<!tpu.dma_semaphore, #tpu.memory_space<semaphore_mem>>) src(%dma_wait3A_48 : memref<520x128xf32, #tpu.memory_space<vmem_shared>>) dst(%dma_wait3A_45 : memref<520x128xf32, #tpu.memory_space<hbm>>)
        tpu.yield
      }) : () -> ()
    } else {
    }
    return
  }
}

#map = affine_map<(d0, d1) -> (0, 0)>
#map1 = affine_map<(d0, d1) -> (0, 0, 0)>
module attributes {stable_mosaic.version = 14 : i64} {
  func.func @k(%arg0: i32, %arg1: i32, %arg2: memref<163840x128xf32, #tpu.memory_space<hbm>>, %arg3: memref<1280x128xi32, #tpu.memory_space<hbm>>, %arg4: memref<640x128xf32, #tpu.memory_space<hbm>>, %arg5: memref<2x10000x128xf32, #tpu.memory_space<hbm>>, %arg6: memref<40x128xi32, #tpu.memory_space<vmem>>, %arg7: memref<128x128xf32, #tpu.memory_space<vmem>>, %arg8: memref<128x128xf32, #tpu.memory_space<vmem>>, %arg9: memref<10240x128xf32, #tpu.memory_space<vmem_shared>>, %arg10: memref<!tpu.dma_semaphore, #tpu.memory_space<semaphore_mem>>, %arg11: memref<!tpu.dma_semaphore, #tpu.memory_space<semaphore_mem>>) attributes {dimension_semantics = [#tpu.dimension_semantics<core_parallel>, #tpu.dimension_semantics<subcore_parallel>], iteration_bounds = array<i64: 2, 16>, scalar_prefetch = 0 : i64, scratch_operands = 6 : i64, tpu.core_type = #tpu.core_type<sc_vector_subcore>, window_params = [{transform_indices = #map}, {transform_indices = #map}, {transform_indices = #map}, {transform_indices = #map1}]} {
    %mul3A = arith.constant 2 : i32
    %mul3A_0 = arith.muli %arg1, %mul3A : i32
    %add3A = arith.addi %mul3A_0, %arg0 : i32
    %mul3A_1 = arith.constant 640 : i32
    %mul3A_2 = arith.muli %arg1, %mul3A_1 : i32
    "tpu.region"() ({
      %run_scoped3A = tpu.sem_alloc : memref<!tpu.dma_semaphore, #tpu.memory_space<semaphore_mem>>
      %dma_start3A_29 = arith.constant 0 : i32
      %dma_start3A_30 = tpu.memref_slice %arg9[%mul3A_2, %dma_start3A_29] : memref<10240x128xf32, #tpu.memory_space<vmem_shared>> -> memref<640x128xf32, #tpu.memory_space<vmem_shared>>
      tpu.enqueue_dma source(%arg4 : memref<640x128xf32, #tpu.memory_space<hbm>>) target(%dma_start3A_30 : memref<640x128xf32, #tpu.memory_space<vmem_shared>>) target_semaphore(%run_scoped3A : memref<!tpu.dma_semaphore, #tpu.memory_space<semaphore_mem>>)
      %dma_wait3A_31 = arith.constant 0 : i32
      %dma_wait3A_32 = tpu.memref_slice %arg9[%mul3A_2, %dma_wait3A_31] : memref<10240x128xf32, #tpu.memory_space<vmem_shared>> -> memref<640x128xf32, #tpu.memory_space<vmem_shared>>
      tpu.wait_dma2 semaphore(%run_scoped3A : memref<!tpu.dma_semaphore, #tpu.memory_space<semaphore_mem>>) src(%arg4 : memref<640x128xf32, #tpu.memory_space<hbm>>) dst(%dma_wait3A_32 : memref<640x128xf32, #tpu.memory_space<vmem_shared>>)
      tpu.yield
    }) : () -> ()
    %mul3A_3 = arith.constant 40 : i32
    %mul3A_4 = arith.muli %add3A, %mul3A_3 : i32
    "tpu.region"() ({
      %run_scoped3A = tpu.sem_alloc : memref<!tpu.dma_semaphore, #tpu.memory_space<semaphore_mem>>
      %dma_start3A_29 = arith.constant 0 : i32
      %dma_start3A_30 = tpu.memref_slice %arg3[%mul3A_4, %dma_start3A_29] : memref<1280x128xi32, #tpu.memory_space<hbm>> -> memref<40x128xi32, #tpu.memory_space<hbm>>
      %dma_start3A_31 = arith.constant 0 : i32
      %dma_start3A_32 = tpu.memref_slice %arg3[%mul3A_4, %dma_start3A_31] : memref<1280x128xi32, #tpu.memory_space<hbm>> -> memref<40x128xi32, #tpu.memory_space<hbm>>
      tpu.enqueue_dma source(%dma_start3A_32 : memref<40x128xi32, #tpu.memory_space<hbm>>) target(%arg6 : memref<40x128xi32, #tpu.memory_space<vmem>>) target_semaphore(%run_scoped3A : memref<!tpu.dma_semaphore, #tpu.memory_space<semaphore_mem>>)
      %dma_wait3A_33 = arith.constant 0 : i32
      %dma_wait3A_34 = tpu.memref_slice %arg3[%mul3A_4, %dma_wait3A_33] : memref<1280x128xi32, #tpu.memory_space<hbm>> -> memref<40x128xi32, #tpu.memory_space<hbm>>
      %dma_wait3A_35 = arith.constant 0 : i32
      %dma_wait3A_36 = tpu.memref_slice %arg3[%mul3A_4, %dma_wait3A_35] : memref<1280x128xi32, #tpu.memory_space<hbm>> -> memref<40x128xi32, #tpu.memory_space<hbm>>
      tpu.wait_dma2 semaphore(%run_scoped3A : memref<!tpu.dma_semaphore, #tpu.memory_space<semaphore_mem>>) src(%dma_wait3A_36 : memref<40x128xi32, #tpu.memory_space<hbm>>) dst(%arg6 : memref<40x128xi32, #tpu.memory_space<vmem>>)
      tpu.yield
    }) : () -> ()
    %barrier3A = arith.constant 0 : index
    tpu.barrier barrier_id(%barrier3A)
    %add3A_5 = arith.constant 0 : i32
    %add3A_6 = arith.addi %mul3A_4, %add3A_5 : i32
    %mul3A_7 = arith.constant 128 : i32
    %mul3A_8 = arith.muli %add3A_6, %mul3A_7 : i32
    %dma_start3A = arith.constant 0 : i32
    %dma_start3A_9 = tpu.memref_slice %arg2[%mul3A_8, %dma_start3A] : memref<163840x128xf32, #tpu.memory_space<hbm>> -> memref<128x128xf32, #tpu.memory_space<hbm>>
    %dma_start3A_10 = arith.constant 0 : i32
    %dma_start3A_11 = tpu.memref_slice %arg2[%mul3A_8, %dma_start3A_10] : memref<163840x128xf32, #tpu.memory_space<hbm>> -> memref<128x128xf32, #tpu.memory_space<hbm>>
    tpu.enqueue_dma source(%dma_start3A_11 : memref<128x128xf32, #tpu.memory_space<hbm>>) target(%arg7 : memref<128x128xf32, #tpu.memory_space<vmem>>) target_semaphore(%arg10 : memref<!tpu.dma_semaphore, #tpu.memory_space<semaphore_mem>>)
    %scan3A = arith.constant 0 : i32
    %scan3A_12 = arith.constant 0 : i32
    %scan3A_13 = arith.constant 20 : i32
    %scan3A_14 = arith.addi %scan3A_12, %scan3A_13 : i32
    %scan3A_15 = arith.constant 1 : i32
    scf.for %scan3A_29 = %scan3A_12 to %scan3A_14 step %scan3A_15  : i32 {
      %mul3A_30 = arith.constant 2 : i32
      %mul3A_31 = arith.muli %mul3A_30, %scan3A_29 : i32
      %add3A_32 = arith.constant 1 : i32
      %add3A_33 = arith.addi %mul3A_31, %add3A_32 : i32
      %dma_wait3A_34 = arith.constant 0 : i32
      %dma_wait3A_35 = arith.constant 0 : i32
      %dma_wait3A_36 = tpu.memref_slice %arg2[%dma_wait3A_34, %dma_wait3A_35] : memref<163840x128xf32, #tpu.memory_space<hbm>> -> memref<128x128xf32, #tpu.memory_space<hbm>>
      %dma_wait3A_37 = arith.constant 0 : i32
      %dma_wait3A_38 = arith.constant 0 : i32
      %dma_wait3A_39 = tpu.memref_slice %arg2[%dma_wait3A_37, %dma_wait3A_38] : memref<163840x128xf32, #tpu.memory_space<hbm>> -> memref<128x128xf32, #tpu.memory_space<hbm>>
      tpu.wait_dma2 semaphore(%arg10 : memref<!tpu.dma_semaphore, #tpu.memory_space<semaphore_mem>>) src(%dma_wait3A_39 : memref<128x128xf32, #tpu.memory_space<hbm>>) dst(%arg7 : memref<128x128xf32, #tpu.memory_space<vmem>>)
      %add3A_40 = arith.addi %mul3A_4, %add3A_33 : i32
      %mul3A_41 = arith.constant 128 : i32
      %mul3A_42 = arith.muli %add3A_40, %mul3A_41 : i32
      %dma_start3A_43 = arith.constant 0 : i32
      %dma_start3A_44 = tpu.memref_slice %arg2[%mul3A_42, %dma_start3A_43] : memref<163840x128xf32, #tpu.memory_space<hbm>> -> memref<128x128xf32, #tpu.memory_space<hbm>>
      %dma_start3A_45 = arith.constant 0 : i32
      %dma_start3A_46 = tpu.memref_slice %arg2[%mul3A_42, %dma_start3A_45] : memref<163840x128xf32, #tpu.memory_space<hbm>> -> memref<128x128xf32, #tpu.memory_space<hbm>>
      tpu.enqueue_dma source(%dma_start3A_46 : memref<128x128xf32, #tpu.memory_space<hbm>>) target(%arg8 : memref<128x128xf32, #tpu.memory_space<vmem>>) target_semaphore(%arg11 : memref<!tpu.dma_semaphore, #tpu.memory_space<semaphore_mem>>)
      "tpu.region"() ({
        %run_scoped3A = tpu.sem_alloc : memref<!tpu.dma_semaphore, #tpu.memory_space<semaphore_mem>>
        %dma_start3A_63 = arith.constant 0 : i32
        %dma_start3A_64 = tpu.memref_slice %arg6[%mul3A_31, %dma_start3A_63] : memref<40x128xi32, #tpu.memory_space<vmem>> -> memref<1x128xi32, #tpu.memory_space<vmem>>
        %dma_start3A_65 = tpu.memref_squeeze %dma_start3A_64 : memref<1x128xi32, #tpu.memory_space<vmem>> -> memref<128xi32, #tpu.memory_space<vmem>>
        %dma_start3A_66 = arith.constant 0 : i32
        %dma_start3A_67 = arith.constant 0 : i32
        %dma_start3A_68 = tpu.memref_slice %arg9[%dma_start3A_66, %dma_start3A_67] : memref<10240x128xf32, #tpu.memory_space<vmem_shared>> -> memref<10240x128xf32, #tpu.memory_space<vmem_shared>>
        tpu.enqueue_indirect_dma source(%arg7 : memref<128x128xf32, #tpu.memory_space<vmem>>) target(%dma_start3A_68 : memref<10240x128xf32, #tpu.memory_space<vmem_shared>>) offsets(%dma_start3A_65 : memref<128xi32, #tpu.memory_space<vmem>>) semaphore(%run_scoped3A : memref<!tpu.dma_semaphore, #tpu.memory_space<semaphore_mem>>) {add = true}
        %dma_wait3A_69 = arith.constant 0 : i32
        %dma_wait3A_70 = tpu.memref_slice %arg6[%mul3A_31, %dma_wait3A_69] : memref<40x128xi32, #tpu.memory_space<vmem>> -> memref<1x128xi32, #tpu.memory_space<vmem>>
        %dma_wait3A_71 = tpu.memref_squeeze %dma_wait3A_70 : memref<1x128xi32, #tpu.memory_space<vmem>> -> memref<128xi32, #tpu.memory_space<vmem>>
        %dma_wait3A_72 = arith.constant 0 : i32
        %dma_wait3A_73 = arith.constant 0 : i32
        %dma_wait3A_74 = tpu.memref_slice %arg9[%dma_wait3A_72, %dma_wait3A_73] : memref<10240x128xf32, #tpu.memory_space<vmem_shared>> -> memref<10240x128xf32, #tpu.memory_space<vmem_shared>>
        tpu.wait_indirect_dma semaphore(%run_scoped3A : memref<!tpu.dma_semaphore, #tpu.memory_space<semaphore_mem>>) src(%arg7 : memref<128x128xf32, #tpu.memory_space<vmem>>) dst(%dma_wait3A_74 : memref<10240x128xf32, #tpu.memory_space<vmem_shared>>)
        tpu.yield
      }) : () -> ()
      %dma_wait3A_47 = arith.constant 0 : i32
      %dma_wait3A_48 = arith.constant 0 : i32
      %dma_wait3A_49 = tpu.memref_slice %arg2[%dma_wait3A_47, %dma_wait3A_48] : memref<163840x128xf32, #tpu.memory_space<hbm>> -> memref<128x128xf32, #tpu.memory_space<hbm>>
      %dma_wait3A_50 = arith.constant 0 : i32
      %dma_wait3A_51 = arith.constant 0 : i32
      %dma_wait3A_52 = tpu.memref_slice %arg2[%dma_wait3A_50, %dma_wait3A_51] : memref<163840x128xf32, #tpu.memory_space<hbm>> -> memref<128x128xf32, #tpu.memory_space<hbm>>
      tpu.wait_dma2 semaphore(%arg11 : memref<!tpu.dma_semaphore, #tpu.memory_space<semaphore_mem>>) src(%dma_wait3A_52 : memref<128x128xf32, #tpu.memory_space<hbm>>) dst(%arg8 : memref<128x128xf32, #tpu.memory_space<vmem>>)
      %add3A_53 = arith.constant 2 : i32
      %add3A_54 = arith.addi %mul3A_31, %add3A_53 : i32
      %min3A = arith.constant 39 : i32
      %min3A_55 = arith.minsi %add3A_54, %min3A : i32
      %add3A_56 = arith.addi %mul3A_4, %min3A_55 : i32
      %mul3A_57 = arith.constant 128 : i32
      %mul3A_58 = arith.muli %add3A_56, %mul3A_57 : i32
      %dma_start3A_59 = arith.constant 0 : i32
      %dma_start3A_60 = tpu.memref_slice %arg2[%mul3A_58, %dma_start3A_59] : memref<163840x128xf32, #tpu.memory_space<hbm>> -> memref<128x128xf32, #tpu.memory_space<hbm>>
      %dma_start3A_61 = arith.constant 0 : i32
      %dma_start3A_62 = tpu.memref_slice %arg2[%mul3A_58, %dma_start3A_61] : memref<163840x128xf32, #tpu.memory_space<hbm>> -> memref<128x128xf32, #tpu.memory_space<hbm>>
      tpu.enqueue_dma source(%dma_start3A_62 : memref<128x128xf32, #tpu.memory_space<hbm>>) target(%arg7 : memref<128x128xf32, #tpu.memory_space<vmem>>) target_semaphore(%arg10 : memref<!tpu.dma_semaphore, #tpu.memory_space<semaphore_mem>>)
      "tpu.region"() ({
        %run_scoped3A = tpu.sem_alloc : memref<!tpu.dma_semaphore, #tpu.memory_space<semaphore_mem>>
        %dma_start3A_63 = arith.constant 0 : i32
        %dma_start3A_64 = tpu.memref_slice %arg6[%add3A_33, %dma_start3A_63] : memref<40x128xi32, #tpu.memory_space<vmem>> -> memref<1x128xi32, #tpu.memory_space<vmem>>
        %dma_start3A_65 = tpu.memref_squeeze %dma_start3A_64 : memref<1x128xi32, #tpu.memory_space<vmem>> -> memref<128xi32, #tpu.memory_space<vmem>>
        %dma_start3A_66 = arith.constant 0 : i32
        %dma_start3A_67 = arith.constant 0 : i32
        %dma_start3A_68 = tpu.memref_slice %arg9[%dma_start3A_66, %dma_start3A_67] : memref<10240x128xf32, #tpu.memory_space<vmem_shared>> -> memref<10240x128xf32, #tpu.memory_space<vmem_shared>>
        tpu.enqueue_indirect_dma source(%arg8 : memref<128x128xf32, #tpu.memory_space<vmem>>) target(%dma_start3A_68 : memref<10240x128xf32, #tpu.memory_space<vmem_shared>>) offsets(%dma_start3A_65 : memref<128xi32, #tpu.memory_space<vmem>>) semaphore(%run_scoped3A : memref<!tpu.dma_semaphore, #tpu.memory_space<semaphore_mem>>) {add = true}
        %dma_wait3A_69 = arith.constant 0 : i32
        %dma_wait3A_70 = tpu.memref_slice %arg6[%add3A_33, %dma_wait3A_69] : memref<40x128xi32, #tpu.memory_space<vmem>> -> memref<1x128xi32, #tpu.memory_space<vmem>>
        %dma_wait3A_71 = tpu.memref_squeeze %dma_wait3A_70 : memref<1x128xi32, #tpu.memory_space<vmem>> -> memref<128xi32, #tpu.memory_space<vmem>>
        %dma_wait3A_72 = arith.constant 0 : i32
        %dma_wait3A_73 = arith.constant 0 : i32
        %dma_wait3A_74 = tpu.memref_slice %arg9[%dma_wait3A_72, %dma_wait3A_73] : memref<10240x128xf32, #tpu.memory_space<vmem_shared>> -> memref<10240x128xf32, #tpu.memory_space<vmem_shared>>
        tpu.wait_indirect_dma semaphore(%run_scoped3A : memref<!tpu.dma_semaphore, #tpu.memory_space<semaphore_mem>>) src(%arg8 : memref<128x128xf32, #tpu.memory_space<vmem>>) dst(%dma_wait3A_74 : memref<10240x128xf32, #tpu.memory_space<vmem_shared>>)
        tpu.yield
      }) : () -> ()
    }
    %scan3A_16 = arith.constant 20 : i32
    %dma_wait3A = arith.constant 0 : i32
    %dma_wait3A_17 = arith.constant 0 : i32
    %dma_wait3A_18 = tpu.memref_slice %arg2[%dma_wait3A, %dma_wait3A_17] : memref<163840x128xf32, #tpu.memory_space<hbm>> -> memref<128x128xf32, #tpu.memory_space<hbm>>
    %dma_wait3A_19 = arith.constant 0 : i32
    %dma_wait3A_20 = arith.constant 0 : i32
    %dma_wait3A_21 = tpu.memref_slice %arg2[%dma_wait3A_19, %dma_wait3A_20] : memref<163840x128xf32, #tpu.memory_space<hbm>> -> memref<128x128xf32, #tpu.memory_space<hbm>>
    tpu.wait_dma2 semaphore(%arg10 : memref<!tpu.dma_semaphore, #tpu.memory_space<semaphore_mem>>) src(%dma_wait3A_21 : memref<128x128xf32, #tpu.memory_space<hbm>>) dst(%arg7 : memref<128x128xf32, #tpu.memory_space<vmem>>)
    %barrier3A_22 = arith.constant 0 : index
    tpu.barrier barrier_id(%barrier3A_22)
    %lt3A = arith.constant 15 : i32
    %lt3A_23 = arith.cmpi slt, %arg1, %lt3A : i32
    %convert_element_type3A = arith.extui %lt3A_23 : i1 to i32
    %cond3A = arith.constant 0 : i32
    %cond3A_24 = arith.cmpi ne, %convert_element_type3A, %cond3A : i32
    scf.if %cond3A_24 {
      %mul3A_29 = arith.constant 632 : i32
      %mul3A_30 = arith.muli %arg1, %mul3A_29 : i32
      %mul3A_31 = arith.constant 632 : i32
      %mul3A_32 = arith.muli %arg1, %mul3A_31 : i32
      "tpu.region"() ({
        %run_scoped3A = tpu.sem_alloc : memref<!tpu.dma_semaphore, #tpu.memory_space<semaphore_mem>>
        %dma_start3A_33 = arith.constant 0 : i32
        %dma_start3A_34 = tpu.memref_slice %arg5[%arg0, %mul3A_32, %dma_start3A_33] : memref<2x10000x128xf32, #tpu.memory_space<hbm>> -> memref<1x632x128xf32, #tpu.memory_space<hbm>>
        %dma_start3A_35 = tpu.memref_squeeze %dma_start3A_34 : memref<1x632x128xf32, #tpu.memory_space<hbm>> -> memref<632x128xf32, #tpu.memory_space<hbm>>
        %dma_start3A_36 = arith.constant 0 : i32
        %dma_start3A_37 = tpu.memref_slice %arg9[%mul3A_30, %dma_start3A_36] : memref<10240x128xf32, #tpu.memory_space<vmem_shared>> -> memref<632x128xf32, #tpu.memory_space<vmem_shared>>
        tpu.enqueue_dma source(%dma_start3A_37 : memref<632x128xf32, #tpu.memory_space<vmem_shared>>) target(%dma_start3A_35 : memref<632x128xf32, #tpu.memory_space<hbm>>) target_semaphore(%run_scoped3A : memref<!tpu.dma_semaphore, #tpu.memory_space<semaphore_mem>>)
        %dma_wait3A_38 = arith.constant 0 : i32
        %dma_wait3A_39 = tpu.memref_slice %arg5[%arg0, %mul3A_32, %dma_wait3A_38] : memref<2x10000x128xf32, #tpu.memory_space<hbm>> -> memref<1x632x128xf32, #tpu.memory_space<hbm>>
        %dma_wait3A_40 = tpu.memref_squeeze %dma_wait3A_39 : memref<1x632x128xf32, #tpu.memory_space<hbm>> -> memref<632x128xf32, #tpu.memory_space<hbm>>
        %dma_wait3A_41 = arith.constant 0 : i32
        %dma_wait3A_42 = tpu.memref_slice %arg9[%mul3A_30, %dma_wait3A_41] : memref<10240x128xf32, #tpu.memory_space<vmem_shared>> -> memref<632x128xf32, #tpu.memory_space<vmem_shared>>
        tpu.wait_dma2 semaphore(%run_scoped3A : memref<!tpu.dma_semaphore, #tpu.memory_space<semaphore_mem>>) src(%dma_wait3A_42 : memref<632x128xf32, #tpu.memory_space<vmem_shared>>) dst(%dma_wait3A_40 : memref<632x128xf32, #tpu.memory_space<hbm>>)
        tpu.yield
      }) : () -> ()
    } else {
    }
    %eq3A = arith.constant 15 : i32
    %eq3A_25 = arith.cmpi eq, %arg1, %eq3A : i32
    %convert_element_type3A_26 = arith.extui %eq3A_25 : i1 to i32
    %cond3A_27 = arith.constant 0 : i32
    %cond3A_28 = arith.cmpi ne, %convert_element_type3A_26, %cond3A_27 : i32
    scf.if %cond3A_28 {
      "tpu.region"() ({
        %run_scoped3A = tpu.sem_alloc : memref<!tpu.dma_semaphore, #tpu.memory_space<semaphore_mem>>
        %dma_start3A_29 = arith.constant 9480 : i32
        %dma_start3A_30 = arith.constant 0 : i32
        %dma_start3A_31 = tpu.memref_slice %arg5[%arg0, %dma_start3A_29, %dma_start3A_30] : memref<2x10000x128xf32, #tpu.memory_space<hbm>> -> memref<1x520x128xf32, #tpu.memory_space<hbm>>
        %dma_start3A_32 = tpu.memref_squeeze %dma_start3A_31 : memref<1x520x128xf32, #tpu.memory_space<hbm>> -> memref<520x128xf32, #tpu.memory_space<hbm>>
        %dma_start3A_33 = arith.constant 9480 : i32
        %dma_start3A_34 = arith.constant 0 : i32
        %dma_start3A_35 = tpu.memref_slice %arg9[%dma_start3A_33, %dma_start3A_34] : memref<10240x128xf32, #tpu.memory_space<vmem_shared>> -> memref<520x128xf32, #tpu.memory_space<vmem_shared>>
        tpu.enqueue_dma source(%dma_start3A_35 : memref<520x128xf32, #tpu.memory_space<vmem_shared>>) target(%dma_start3A_32 : memref<520x128xf32, #tpu.memory_space<hbm>>) target_semaphore(%run_scoped3A : memref<!tpu.dma_semaphore, #tpu.memory_space<semaphore_mem>>)
        %dma_wait3A_36 = arith.constant 9480 : i32
        %dma_wait3A_37 = arith.constant 0 : i32
        %dma_wait3A_38 = tpu.memref_slice %arg5[%arg0, %dma_wait3A_36, %dma_wait3A_37] : memref<2x10000x128xf32, #tpu.memory_space<hbm>> -> memref<1x520x128xf32, #tpu.memory_space<hbm>>
        %dma_wait3A_39 = tpu.memref_squeeze %dma_wait3A_38 : memref<1x520x128xf32, #tpu.memory_space<hbm>> -> memref<520x128xf32, #tpu.memory_space<hbm>>
        %dma_wait3A_40 = arith.constant 9480 : i32
        %dma_wait3A_41 = arith.constant 0 : i32
        %dma_wait3A_42 = tpu.memref_slice %arg9[%dma_wait3A_40, %dma_wait3A_41] : memref<10240x128xf32, #tpu.memory_space<vmem_shared>> -> memref<520x128xf32, #tpu.memory_space<vmem_shared>>
        tpu.wait_dma2 semaphore(%run_scoped3A : memref<!tpu.dma_semaphore, #tpu.memory_space<semaphore_mem>>) src(%dma_wait3A_42 : memref<520x128xf32, #tpu.memory_space<vmem_shared>>) dst(%dma_wait3A_39 : memref<520x128xf32, #tpu.memory_space<hbm>>)
        tpu.yield
      }) : () -> ()
    } else {
    }
    return
  }
}

module attributes {stable_mosaic.version = 14 : i64} {
  func.func @_prep_body(%arg0: memref<512x768xf32, #tpu.memory_space<vmem>>, %arg1: memref<10000x128xf32, #tpu.memory_space<vmem>>, %arg2: memref<10000x128xf32, #tpu.memory_space<vmem>>, %arg3: memref<128x128xf32, #tpu.memory_space<vmem>>, %arg4: memref<768x128xf32, #tpu.memory_space<vmem>>, %arg5: memref<1x128xf32, #tpu.memory_space<vmem>>, %arg6: memref<128x128xf32, #tpu.memory_space<vmem>>, %arg7: memref<1x128xf32, #tpu.memory_space<vmem>>, %arg8: memref<128x128xf32, #tpu.memory_space<vmem>>, %arg9: memref<1x128xf32, #tpu.memory_space<vmem>>, %arg10: memref<128x128xf32, #tpu.memory_space<vmem>>, %arg11: memref<1x128xf32, #tpu.memory_space<vmem>>, %arg12: memref<10000x128xf32, #tpu.memory_space<vmem>>, %arg13: memref<512x128xf32, #tpu.memory_space<vmem>>, %arg14: memref<10000x128xf32, #tpu.memory_space<vmem>>, %arg15: memref<10000x128xf32, #tpu.memory_space<vmem>>) attributes {dimension_semantics = [], scalar_prefetch = 0 : i64, scratch_operands = 0 : i64, tpu.core_type = #tpu.core_type<tc>} {
    %get3A = arith.constant 0 : index
    %get3A_0 = arith.constant 0 : index
    %get3A_1 = vector.load %arg0[%get3A, %get3A_0] : memref<512x768xf32, #tpu.memory_space<vmem>>, vector<512x768xf32>
    %get3A_2 = arith.constant 0 : index
    %get3A_3 = arith.constant 0 : index
    %get3A_4 = vector.load %arg4[%get3A_2, %get3A_3] : memref<768x128xf32, #tpu.memory_space<vmem>>, vector<768x128xf32>
    %dot_general3A = arith.constant dense<0.000000e+00> : vector<512x128xf32>
    %dot_general3A_5 = tpu.matmul %get3A_1, %get3A_4, %dot_general3A {dimension_numbers = #tpu.dot_dimension_numbers<[1], [0], [0], [1], [0, 0, 1, 1], [], []>, transpose_lhs_hint = false} : vector<512x768xf32>, vector<768x128xf32>, vector<512x128xf32> -> vector<512x128xf32>
    %swap3A = arith.constant 0 : index
    %swap3A_6 = arith.constant 0 : index
    %swap3A_7 = vector.load %arg13[%swap3A, %swap3A_6] : memref<512x128xf32, #tpu.memory_space<vmem>>, vector<512x128xf32>
    tpu.vector_store %arg13[%swap3A, %swap3A_6], %dot_general3A_5 {strides = array<i32>} : memref<512x128xf32, #tpu.memory_space<vmem>>, vector<512x128xf32>,
    %get3A_8 = arith.constant 0 : index
    %get3A_9 = arith.constant 0 : index
    %get3A_10 = vector.load %arg1[%get3A_8, %get3A_9] : memref<10000x128xf32, #tpu.memory_space<vmem>>, vector<10000x128xf32>
    %get3A_11 = arith.constant 0 : index
    %get3A_12 = arith.constant 0 : index
    %get3A_13 = vector.load %arg3[%get3A_11, %get3A_12] : memref<128x128xf32, #tpu.memory_space<vmem>>, vector<128x128xf32>
    %dot_general3A_14 = arith.constant dense<0.000000e+00> : vector<10000x128xf32>
    %dot_general3A_15 = tpu.matmul %get3A_10, %get3A_13, %dot_general3A_14 {dimension_numbers = #tpu.dot_dimension_numbers<[1], [0], [0], [1], [0, 0, 1, 1], [], []>, transpose_lhs_hint = false} : vector<10000x128xf32>, vector<128x128xf32>, vector<10000x128xf32> -> vector<10000x128xf32>
    %get3A_16 = arith.constant 0 : index
    %get3A_17 = arith.constant 0 : index
    %get3A_18 = vector.load %arg5[%get3A_16, %get3A_17] : memref<1x128xf32, #tpu.memory_space<vmem>>, vector<1x128xf32>
    %add3A = vector.broadcast %get3A_18 : vector<1x128xf32> to vector<10000x128xf32>
    %add3A_19 = arith.addf %dot_general3A_15, %add3A : vector<10000x128xf32>
    %swap3A_20 = arith.constant 0 : index
    %swap3A_21 = arith.constant 0 : index
    %swap3A_22 = vector.load %arg12[%swap3A_20, %swap3A_21] : memref<10000x128xf32, #tpu.memory_space<vmem>>, vector<10000x128xf32>
    tpu.vector_store %arg12[%swap3A_20, %swap3A_21], %add3A_19 {strides = array<i32>} : memref<10000x128xf32, #tpu.memory_space<vmem>>, vector<10000x128xf32>,
    %get3A_23 = arith.constant 0 : index
    %get3A_24 = arith.constant 0 : index
    %get3A_25 = vector.load %arg6[%get3A_23, %get3A_24] : memref<128x128xf32, #tpu.memory_space<vmem>>, vector<128x128xf32>
    %dot_general3A_26 = arith.constant dense<0.000000e+00> : vector<10000x128xf32>
    %dot_general3A_27 = tpu.matmul %get3A_10, %get3A_25, %dot_general3A_26 {dimension_numbers = #tpu.dot_dimension_numbers<[1], [0], [0], [1], [0, 0, 1, 1], [], []>, transpose_lhs_hint = false} : vector<10000x128xf32>, vector<128x128xf32>, vector<10000x128xf32> -> vector<10000x128xf32>
    %get3A_28 = arith.constant 0 : index
    %get3A_29 = arith.constant 0 : index
    %get3A_30 = vector.load %arg7[%get3A_28, %get3A_29] : memref<1x128xf32, #tpu.memory_space<vmem>>, vector<1x128xf32>
    %add3A_31 = vector.broadcast %get3A_30 : vector<1x128xf32> to vector<10000x128xf32>
    %add3A_32 = arith.addf %dot_general3A_27, %add3A_31 : vector<10000x128xf32>
    %ge3A = arith.constant 0.000000e+00 : f32
    %ge3A_33 = vector.broadcast %ge3A : f32 to vector<10000x128xf32>
    %ge3A_34 = arith.cmpf oge, %add3A_32, %ge3A_33 : vector<10000x128xf32>
    %mul3A = arith.constant 0.00999999977 : f32
    %mul3A_35 = vector.broadcast %mul3A : f32 to vector<10000x128xf32>
    %mul3A_36 = arith.mulf %mul3A_35, %add3A_32 : vector<10000x128xf32>
    %select_n3A = arith.select %ge3A_34, %add3A_32, %mul3A_36 : vector<10000x128xi1>, vector<10000x128xf32>
    %get3A_37 = arith.constant 0 : index
    %get3A_38 = arith.constant 0 : index
    %get3A_39 = vector.load %arg8[%get3A_37, %get3A_38] : memref<128x128xf32, #tpu.memory_space<vmem>>, vector<128x128xf32>
    %dot_general3A_40 = arith.constant dense<0.000000e+00> : vector<10000x128xf32>
    %dot_general3A_41 = tpu.matmul %select_n3A, %get3A_39, %dot_general3A_40 {dimension_numbers = #tpu.dot_dimension_numbers<[1], [0], [0], [1], [0, 0, 1, 1], [], []>, transpose_lhs_hint = false} : vector<10000x128xf32>, vector<128x128xf32>, vector<10000x128xf32> -> vector<10000x128xf32>
    %get3A_42 = arith.constant 0 : index
    %get3A_43 = arith.constant 0 : index
    %get3A_44 = vector.load %arg9[%get3A_42, %get3A_43] : memref<1x128xf32, #tpu.memory_space<vmem>>, vector<1x128xf32>
    %add3A_45 = vector.broadcast %get3A_44 : vector<1x128xf32> to vector<10000x128xf32>
    %add3A_46 = arith.addf %dot_general3A_41, %add3A_45 : vector<10000x128xf32>
    %get3A_47 = arith.constant 0 : index
    %get3A_48 = arith.constant 0 : index
    %get3A_49 = vector.load %arg10[%get3A_47, %get3A_48] : memref<128x128xf32, #tpu.memory_space<vmem>>, vector<128x128xf32>
    %dot_general3A_50 = arith.constant dense<0.000000e+00> : vector<10000x128xf32>
    %dot_general3A_51 = tpu.matmul %add3A_46, %get3A_49, %dot_general3A_50 {dimension_numbers = #tpu.dot_dimension_numbers<[1], [0], [0], [1], [0, 0, 1, 1], [], []>, transpose_lhs_hint = false} : vector<10000x128xf32>, vector<128x128xf32>, vector<10000x128xf32> -> vector<10000x128xf32>
    %get3A_52 = arith.constant 0 : index
    %get3A_53 = arith.constant 0 : index
    %get3A_54 = vector.load %arg11[%get3A_52, %get3A_53] : memref<1x128xf32, #tpu.memory_space<vmem>>, vector<1x128xf32>
    %add3A_55 = vector.broadcast %get3A_54 : vector<1x128xf32> to vector<10000x128xf32>
    %add3A_56 = arith.addf %dot_general3A_51, %add3A_55 : vector<10000x128xf32>
    %swap3A_57 = arith.constant 0 : index
    %swap3A_58 = arith.constant 0 : index
    %swap3A_59 = vector.load %arg14[%swap3A_57, %swap3A_58] : memref<10000x128xf32, #tpu.memory_space<vmem>>, vector<10000x128xf32>
    tpu.vector_store %arg14[%swap3A_57, %swap3A_58], %add3A_56 {strides = array<i32>} : memref<10000x128xf32, #tpu.memory_space<vmem>>, vector<10000x128xf32>,
    %get3A_60 = arith.constant 0 : index
    %get3A_61 = arith.constant 0 : index
    %get3A_62 = vector.load %arg2[%get3A_60, %get3A_61] : memref<10000x128xf32, #tpu.memory_space<vmem>>, vector<10000x128xf32>
    %get3A_63 = arith.constant 0 : index
    %get3A_64 = arith.constant 0 : index
    %get3A_65 = vector.load %arg6[%get3A_63, %get3A_64] : memref<128x128xf32, #tpu.memory_space<vmem>>, vector<128x128xf32>
    %dot_general3A_66 = arith.constant dense<0.000000e+00> : vector<10000x128xf32>
    %dot_general3A_67 = tpu.matmul %get3A_62, %get3A_65, %dot_general3A_66 {dimension_numbers = #tpu.dot_dimension_numbers<[1], [0], [0], [1], [0, 0, 1, 1], [], []>, transpose_lhs_hint = false} : vector<10000x128xf32>, vector<128x128xf32>, vector<10000x128xf32> -> vector<10000x128xf32>
    %get3A_68 = arith.constant 0 : index
    %get3A_69 = arith.constant 0 : index
    %get3A_70 = vector.load %arg7[%get3A_68, %get3A_69] : memref<1x128xf32, #tpu.memory_space<vmem>>, vector<1x128xf32>
    %add3A_71 = vector.broadcast %get3A_70 : vector<1x128xf32> to vector<10000x128xf32>
    %add3A_72 = arith.addf %dot_general3A_67, %add3A_71 : vector<10000x128xf32>
    %ge3A_73 = arith.constant 0.000000e+00 : f32
    %ge3A_74 = vector.broadcast %ge3A_73 : f32 to vector<10000x128xf32>
    %ge3A_75 = arith.cmpf oge, %add3A_72, %ge3A_74 : vector<10000x128xf32>
    %mul3A_76 = arith.constant 0.00999999977 : f32
    %mul3A_77 = vector.broadcast %mul3A_76 : f32 to vector<10000x128xf32>
    %mul3A_78 = arith.mulf %mul3A_77, %add3A_72 : vector<10000x128xf32>
    %select_n3A_79 = arith.select %ge3A_75, %add3A_72, %mul3A_78 : vector<10000x128xi1>, vector<10000x128xf32>
    %get3A_80 = arith.constant 0 : index
    %get3A_81 = arith.constant 0 : index
    %get3A_82 = vector.load %arg8[%get3A_80, %get3A_81] : memref<128x128xf32, #tpu.memory_space<vmem>>, vector<128x128xf32>
    %dot_general3A_83 = arith.constant dense<0.000000e+00> : vector<10000x128xf32>
    %dot_general3A_84 = tpu.matmul %select_n3A_79, %get3A_82, %dot_general3A_83 {dimension_numbers = #tpu.dot_dimension_numbers<[1], [0], [0], [1], [0, 0, 1, 1], [], []>, transpose_lhs_hint = false} : vector<10000x128xf32>, vector<128x128xf32>, vector<10000x128xf32> -> vector<10000x128xf32>
    %get3A_85 = arith.constant 0 : index
    %get3A_86 = arith.constant 0 : index
    %get3A_87 = vector.load %arg9[%get3A_85, %get3A_86] : memref<1x128xf32, #tpu.memory_space<vmem>>, vector<1x128xf32>
    %add3A_88 = vector.broadcast %get3A_87 : vector<1x128xf32> to vector<10000x128xf32>
    %add3A_89 = arith.addf %dot_general3A_84, %add3A_88 : vector<10000x128xf32>
    %swap3A_90 = arith.constant 0 : index
    %swap3A_91 = arith.constant 0 : index
    %swap3A_92 = vector.load %arg15[%swap3A_90, %swap3A_91] : memref<10000x128xf32, #tpu.memory_space<vmem>>, vector<10000x128xf32>
    tpu.vector_store %arg15[%swap3A_90, %swap3A_91], %add3A_89 {strides = array<i32>} : memref<10000x128xf32, #tpu.memory_space<vmem>>, vector<10000x128xf32>,
    return
  }
}

module attributes {stable_mosaic.version = 14 : i64} {
  func.func @_edge_body(%arg0: i32, %arg1: memref<2048x128xf32, #tpu.memory_space<vmem>>, %arg2: memref<2048x128xf32, #tpu.memory_space<vmem>>, %arg3: memref<1x2048xi32, #tpu.memory_space<vmem>>, %arg4: memref<1x2048xi32, #tpu.memory_space<vmem>>, %arg5: memref<512x128xf32, #tpu.memory_space<vmem>>, %arg6: memref<128x128xf32, #tpu.memory_space<vmem>>, %arg7: memref<1x128xf32, #tpu.memory_space<vmem>>, %arg8: memref<128x128xf32, #tpu.memory_space<vmem>>, %arg9: memref<1x128xf32, #tpu.memory_space<vmem>>, %arg10: memref<128x128xf32, #tpu.memory_space<vmem>>, %arg11: memref<2048x128xf32, #tpu.memory_space<vmem>>, %arg12: memref<2048x128xf32, #tpu.memory_space<vmem>>) attributes {dimension_semantics = [#tpu.dimension_semantics<arbitrary>], iteration_bounds = array<i64: 80>, scalar_prefetch = 0 : i64, scratch_operands = 0 : i64, tpu.core_type = #tpu.core_type<tc>, window_params = [{transform_indices = @transform_0, window_bounds = array<i64: 2048, 128>}, {transform_indices = @transform_1, window_bounds = array<i64: 2048, 128>}, {transform_indices = @transform_2, window_bounds = array<i64: 1, 2048>}, {transform_indices = @transform_3, window_bounds = array<i64: 1, 2048>}, {pipeline_mode = #tpu.pipeline_mode<synchronous>, transform_indices = @transform_4, window_bounds = array<i64: 512, 128>}, {pipeline_mode = #tpu.pipeline_mode<synchronous>, transform_indices = @transform_5, window_bounds = array<i64: 128, 128>}, {pipeline_mode = #tpu.pipeline_mode<synchronous>, transform_indices = @transform_6, window_bounds = array<i64: 1, 128>}, {pipeline_mode = #tpu.pipeline_mode<synchronous>, transform_indices = @transform_7, window_bounds = array<i64: 128, 128>}, {pipeline_mode = #tpu.pipeline_mode<synchronous>, transform_indices = @transform_8, window_bounds = array<i64: 1, 128>}, {pipeline_mode = #tpu.pipeline_mode<synchronous>, transform_indices = @transform_9, window_bounds = array<i64: 128, 128>}, {transform_indices = @transform_10, window_bounds = array<i64: 2048, 128>}, {transform_indices = @transform_11, window_bounds = array<i64: 2048, 128>}]} {
    %get3A = arith.constant 0 : index
    %get3A_0 = arith.constant 0 : index
    %get3A_1 = vector.load %arg3[%get3A, %get3A_0] : memref<1x2048xi32, #tpu.memory_space<vmem>>, vector<1x2048xi32>
    %get3A_2 = arith.constant 0 : index
    %get3A_3 = arith.constant 0 : index
    %get3A_4 = vector.load %arg4[%get3A_2, %get3A_3] : memref<1x2048xi32, #tpu.memory_space<vmem>>, vector<1x2048xi32>
    %add3A = arith.addi %get3A_1, %get3A_4 : vector<1x2048xi32>
    %add3A_5 = arith.constant 1 : i32
    %add3A_6 = vector.broadcast %add3A_5 : i32 to vector<1x2048xi32>
    %add3A_7 = arith.addi %add3A, %add3A_6 : vector<1x2048xi32>
    %convert_element_type3A = arith.sitofp %get3A_4 : vector<1x2048xi32> to vector<1x2048xf32>
    %add3A_8 = arith.constant 1.000000e+00 : f32
    %add3A_9 = vector.broadcast %add3A_8 : f32 to vector<1x2048xf32>
    %add3A_10 = arith.addf %convert_element_type3A, %add3A_9 : vector<1x2048xf32>
    %div3A = arith.constant 1.000000e+00 : f32
    %div3A_11 = vector.broadcast %div3A : f32 to vector<1x2048xf32>
    %div3A_12 = arith.divf %div3A_11, %add3A_10 : vector<1x2048xf32>
    %iota3A = tpu.iota {dimensions = array<i32: 0>} : vector<512x2048xi32>
    %ge3A = vector.broadcast %get3A_1 : vector<1x2048xi32> to vector<512x2048xi32>
    %ge3A_13 = arith.cmpi sge, %iota3A, %ge3A : vector<512x2048xi32>
    %lt3A = vector.broadcast %add3A_7 : vector<1x2048xi32> to vector<512x2048xi32>
    %lt3A_14 = arith.cmpi slt, %iota3A, %lt3A : vector<512x2048xi32>
    %and3A = arith.andi %ge3A_13, %lt3A_14 : vector<512x2048xi1>
    %jit3A = arith.constant 0.000000e+00 : f32
    %broadcast_in_dim3A = vector.shape_cast %div3A_12 : vector<1x2048xf32> to vector<1x2048xf32>
    %broadcast_in_dim3A_15 = vector.broadcast %broadcast_in_dim3A : vector<1x2048xf32> to vector<512x2048xf32>
    %broadcast_in_dim3A_16 = vector.broadcast %jit3A : f32 to vector<512x2048xf32>
    %select_n3A = arith.select %and3A, %broadcast_in_dim3A_15, %broadcast_in_dim3A_16 : vector<512x2048xi1>, vector<512x2048xf32>
    %get3A_17 = arith.constant 0 : index
    %get3A_18 = arith.constant 0 : index
    %get3A_19 = vector.load %arg5[%get3A_17, %get3A_18] : memref<512x128xf32, #tpu.memory_space<vmem>>, vector<512x128xf32>
    %dot_general3A = arith.constant dense<0.000000e+00> : vector<2048x128xf32>
    %dot_general3A_20 = tpu.matmul %select_n3A, %get3A_19, %dot_general3A {dimension_numbers = #tpu.dot_dimension_numbers<[0], [0], [1], [1], [0, 1, 1, 1], [], []>, transpose_lhs_hint = false} : vector<512x2048xf32>, vector<512x128xf32>, vector<2048x128xf32> -> vector<2048x128xf32>
    %get3A_21 = arith.constant 0 : index
    %get3A_22 = arith.constant 0 : index
    %get3A_23 = vector.load %arg1[%get3A_21, %get3A_22] : memref<2048x128xf32, #tpu.memory_space<vmem>>, vector<2048x128xf32>
    %add3A_24 = arith.addf %get3A_23, %dot_general3A_20 : vector<2048x128xf32>
    %get3A_25 = arith.constant 0 : index
    %get3A_26 = arith.constant 0 : index
    %get3A_27 = vector.load %arg6[%get3A_25, %get3A_26] : memref<128x128xf32, #tpu.memory_space<vmem>>, vector<128x128xf32>
    %dot_general3A_28 = arith.constant dense<0.000000e+00> : vector<2048x128xf32>
    %dot_general3A_29 = tpu.matmul %add3A_24, %get3A_27, %dot_general3A_28 {dimension_numbers = #tpu.dot_dimension_numbers<[1], [0], [0], [1], [0, 0, 1, 1], [], []>, transpose_lhs_hint = false} : vector<2048x128xf32>, vector<128x128xf32>, vector<2048x128xf32> -> vector<2048x128xf32>
    %get3A_30 = arith.constant 0 : index
    %get3A_31 = arith.constant 0 : index
    %get3A_32 = vector.load %arg7[%get3A_30, %get3A_31] : memref<1x128xf32, #tpu.memory_space<vmem>>, vector<1x128xf32>
    %add3A_33 = vector.broadcast %get3A_32 : vector<1x128xf32> to vector<2048x128xf32>
    %add3A_34 = arith.addf %dot_general3A_29, %add3A_33 : vector<2048x128xf32>
    %ge3A_35 = arith.constant 0.000000e+00 : f32
    %ge3A_36 = vector.broadcast %ge3A_35 : f32 to vector<2048x128xf32>
    %ge3A_37 = arith.cmpf oge, %add3A_34, %ge3A_36 : vector<2048x128xf32>
    %mul3A = arith.constant 0.00999999977 : f32
    %mul3A_38 = vector.broadcast %mul3A : f32 to vector<2048x128xf32>
    %mul3A_39 = arith.mulf %mul3A_38, %add3A_34 : vector<2048x128xf32>
    %select_n3A_40 = arith.select %ge3A_37, %add3A_34, %mul3A_39 : vector<2048x128xi1>, vector<2048x128xf32>
    %get3A_41 = arith.constant 0 : index
    %get3A_42 = arith.constant 0 : index
    %get3A_43 = vector.load %arg8[%get3A_41, %get3A_42] : memref<128x128xf32, #tpu.memory_space<vmem>>, vector<128x128xf32>
    %dot_general3A_44 = arith.constant dense<0.000000e+00> : vector<2048x128xf32>
    %dot_general3A_45 = tpu.matmul %select_n3A_40, %get3A_43, %dot_general3A_44 {dimension_numbers = #tpu.dot_dimension_numbers<[1], [0], [0], [1], [0, 0, 1, 1], [], []>, transpose_lhs_hint = false} : vector<2048x128xf32>, vector<128x128xf32>, vector<2048x128xf32> -> vector<2048x128xf32>
    %get3A_46 = arith.constant 0 : index
    %get3A_47 = arith.constant 0 : index
    %get3A_48 = vector.load %arg9[%get3A_46, %get3A_47] : memref<1x128xf32, #tpu.memory_space<vmem>>, vector<1x128xf32>
    %add3A_49 = vector.broadcast %get3A_48 : vector<1x128xf32> to vector<2048x128xf32>
    %add3A_50 = arith.addf %dot_general3A_45, %add3A_49 : vector<2048x128xf32>
    %get3A_51 = arith.constant 0 : index
    %get3A_52 = arith.constant 0 : index
    %get3A_53 = vector.load %arg10[%get3A_51, %get3A_52] : memref<128x128xf32, #tpu.memory_space<vmem>>, vector<128x128xf32>
    %dot_general3A_54 = arith.constant dense<0.000000e+00> : vector<2048x128xf32>
    %dot_general3A_55 = tpu.matmul %add3A_50, %get3A_53, %dot_general3A_54 {dimension_numbers = #tpu.dot_dimension_numbers<[1], [0], [0], [1], [0, 0, 1, 1], [], []>, transpose_lhs_hint = false} : vector<2048x128xf32>, vector<128x128xf32>, vector<2048x128xf32> -> vector<2048x128xf32>
    %get3A_56 = arith.constant 0 : index
    %get3A_57 = arith.constant 0 : index
    %get3A_58 = vector.load %arg2[%get3A_56, %get3A_57] : memref<2048x128xf32, #tpu.memory_space<vmem>>, vector<2048x128xf32>
    %add3A_59 = arith.addf %dot_general3A_55, %get3A_58 : vector<2048x128xf32>
    %ge3A_60 = arith.constant 0.000000e+00 : f32
    %ge3A_61 = vector.broadcast %ge3A_60 : f32 to vector<2048x128xf32>
    %ge3A_62 = arith.cmpf oge, %add3A_59, %ge3A_61 : vector<2048x128xf32>
    %mul3A_63 = arith.constant 0.00999999977 : f32
    %mul3A_64 = vector.broadcast %mul3A_63 : f32 to vector<2048x128xf32>
    %mul3A_65 = arith.mulf %mul3A_64, %add3A_59 : vector<2048x128xf32>
    %select_n3A_66 = arith.select %ge3A_62, %add3A_59, %mul3A_65 : vector<2048x128xi1>, vector<2048x128xf32>
    %exp3A = math.exp %select_n3A_66 : vector<2048x128xf32>
    %swap3A = arith.constant 0 : index
    %swap3A_67 = arith.constant 0 : index
    %swap3A_68 = vector.load %arg11[%swap3A, %swap3A_67] : memref<2048x128xf32, #tpu.memory_space<vmem>>, vector<2048x128xf32>
    tpu.vector_store %arg11[%swap3A, %swap3A_67], %exp3A {strides = array<i32>} : memref<2048x128xf32, #tpu.memory_space<vmem>>, vector<2048x128xf32>,
    %mul3A_69 = arith.mulf %exp3A, %add3A_50 : vector<2048x128xf32>
    %swap3A_70 = arith.constant 0 : index
    %swap3A_71 = arith.constant 0 : index
    %swap3A_72 = vector.load %arg12[%swap3A_70, %swap3A_71] : memref<2048x128xf32, #tpu.memory_space<vmem>>, vector<2048x128xf32>
    tpu.vector_store %arg12[%swap3A_70, %swap3A_71], %mul3A_69 {strides = array<i32>} : memref<2048x128xf32, #tpu.memory_space<vmem>>, vector<2048x128xf32>,
    return
  }
  func.func @transform_0(%arg0: i32) -> (i32, i32) {
    %c0_i32 = arith.constant 0 : i32
    %c0_i32_0 = arith.constant 0 : i32
    return %arg0, %c0_i32 : i32, i32
  }
  func.func @transform_1(%arg0: i32) -> (i32, i32) {
    %c0_i32 = arith.constant 0 : i32
    %c0_i32_0 = arith.constant 0 : i32
    return %arg0, %c0_i32 : i32, i32
  }
  func.func @transform_2(%arg0: i32) -> (i32, i32) {
    %c0_i32 = arith.constant 0 : i32
    %c0_i32_0 = arith.constant 0 : i32
    return %c0_i32, %arg0 : i32, i32
  }
  func.func @transform_3(%arg0: i32) -> (i32, i32) {
    %c0_i32 = arith.constant 0 : i32
    %c0_i32_0 = arith.constant 0 : i32
    return %c0_i32, %arg0 : i32, i32
  }
  func.func @transform_4(%arg0: i32) -> (i32, i32) {
    %c0_i32 = arith.constant 0 : i32
    %c0_i32_0 = arith.constant 0 : i32
    %c0_i32_1 = arith.constant 0 : i32
    return %c0_i32, %c0_i32_0 : i32, i32
  }
  func.func @transform_5(%arg0: i32) -> (i32, i32) {
    %c0_i32 = arith.constant 0 : i32
    %c0_i32_0 = arith.constant 0 : i32
    %c0_i32_1 = arith.constant 0 : i32
    return %c0_i32, %c0_i32_0 : i32, i32
  }
  func.func @transform_6(%arg0: i32) -> (i32, i32) {
    %c0_i32 = arith.constant 0 : i32
    %c0_i32_0 = arith.constant 0 : i32
    %c0_i32_1 = arith.constant 0 : i32
    return %c0_i32, %c0_i32_0 : i32, i32
  }
  func.func @transform_7(%arg0: i32) -> (i32, i32) {
    %c0_i32 = arith.constant 0 : i32
    %c0_i32_0 = arith.constant 0 : i32
    %c0_i32_1 = arith.constant 0 : i32
    return %c0_i32, %c0_i32_0 : i32, i32
  }
  func.func @transform_8(%arg0: i32) -> (i32, i32) {
    %c0_i32 = arith.constant 0 : i32
    %c0_i32_0 = arith.constant 0 : i32
    %c0_i32_1 = arith.constant 0 : i32
    return %c0_i32, %c0_i32_0 : i32, i32
  }
  func.func @transform_9(%arg0: i32) -> (i32, i32) {
    %c0_i32 = arith.constant 0 : i32
    %c0_i32_0 = arith.constant 0 : i32
    %c0_i32_1 = arith.constant 0 : i32
    return %c0_i32, %c0_i32_0 : i32, i32
  }
  func.func @transform_10(%arg0: i32) -> (i32, i32) {
    %c0_i32 = arith.constant 0 : i32
    %c0_i32_0 = arith.constant 0 : i32
    return %arg0, %c0_i32 : i32, i32
  }
  func.func @transform_11(%arg0: i32) -> (i32, i32) {
    %c0_i32 = arith.constant 0 : i32
    %c0_i32_0 = arith.constant 0 : i32
    return %arg0, %c0_i32 : i32, i32
  }
}

module attributes {stable_mosaic.version = 14 : i64} {
  func.func @_fin_body(%arg0: memref<10000x128xf32, #tpu.memory_space<vmem>>, %arg1: memref<10000x128xf32, #tpu.memory_space<vmem>>, %arg2: memref<10000x128xf32, #tpu.memory_space<vmem>>, %arg3: memref<10000x128xf32, #tpu.memory_space<vmem>>) attributes {dimension_semantics = [], scalar_prefetch = 0 : i64, scratch_operands = 0 : i64, tpu.core_type = #tpu.core_type<tc>} {
    %get3A = arith.constant 0 : index
    %get3A_0 = arith.constant 0 : index
    %get3A_1 = vector.load %arg0[%get3A, %get3A_0] : memref<10000x128xf32, #tpu.memory_space<vmem>>, vector<10000x128xf32>
    %gt3A = arith.constant 0.000000e+00 : f32
    %gt3A_2 = vector.broadcast %gt3A : f32 to vector<10000x128xf32>
    %gt3A_3 = arith.cmpf ogt, %get3A_1, %gt3A_2 : vector<10000x128xf32>
    %jit3A = arith.constant 1.000000e+00 : f32
    %broadcast_in_dim3A = vector.broadcast %jit3A : f32 to vector<10000x128xf32>
    %select_n3A = arith.select %gt3A_3, %get3A_1, %broadcast_in_dim3A : vector<10000x128xi1>, vector<10000x128xf32>
    %get3A_4 = arith.constant 0 : index
    %get3A_5 = arith.constant 0 : index
    %get3A_6 = vector.load %arg1[%get3A_4, %get3A_5] : memref<10000x128xf32, #tpu.memory_space<vmem>>, vector<10000x128xf32>
    %div3A = arith.divf %get3A_6, %select_n3A : vector<10000x128xf32>
    %get3A_7 = arith.constant 0 : index
    %get3A_8 = arith.constant 0 : index
    %get3A_9 = vector.load %arg2[%get3A_7, %get3A_8] : memref<10000x128xf32, #tpu.memory_space<vmem>>, vector<10000x128xf32>
    %select_n3A_10 = arith.select %gt3A_3, %div3A, %get3A_9 : vector<10000x128xi1>, vector<10000x128xf32>
    %swap3A = arith.constant 0 : index
    %swap3A_11 = arith.constant 0 : index
    %swap3A_12 = vector.load %arg3[%swap3A, %swap3A_11] : memref<10000x128xf32, #tpu.memory_space<vmem>>, vector<10000x128xf32>
    tpu.vector_store %arg3[%swap3A, %swap3A_11], %select_n3A_10 {strides = array<i32>} : memref<10000x128xf32, #tpu.memory_space<vmem>>, vector<10000x128xf32>,
    return
  }
}

module attributes {stable_mosaic.version = 14 : i64} {
  func.func @_gru_body(%arg0: memref<10000x128xf32, #tpu.memory_space<vmem>>, %arg1: memref<10000x128xf32, #tpu.memory_space<vmem>>, %arg2: memref<10000x128xf32, #tpu.memory_space<vmem>>, %arg3: memref<128x384xf32, #tpu.memory_space<vmem>>, %arg4: memref<128x384xf32, #tpu.memory_space<vmem>>, %arg5: memref<1x384xf32, #tpu.memory_space<vmem>>, %arg6: memref<1x384xf32, #tpu.memory_space<vmem>>, %arg7: memref<10000x128xf32, #tpu.memory_space<vmem>>) attributes {dimension_semantics = [], scalar_prefetch = 0 : i64, scratch_operands = 0 : i64, tpu.core_type = #tpu.core_type<tc>} {
    %get3A = arith.constant 0 : index
    %get3A_0 = arith.constant 0 : index
    %get3A_1 = vector.load %arg0[%get3A, %get3A_0] : memref<10000x128xf32, #tpu.memory_space<vmem>>, vector<10000x128xf32>
    %get3A_2 = arith.constant 0 : index
    %get3A_3 = arith.constant 0 : index
    %get3A_4 = vector.load %arg1[%get3A_2, %get3A_3] : memref<10000x128xf32, #tpu.memory_space<vmem>>, vector<10000x128xf32>
    %add3A = arith.addf %get3A_1, %get3A_4 : vector<10000x128xf32>
    %broadcast_in_dim3A = arith.constant 0.000000e+00 : f32
    %broadcast_in_dim3A_5 = vector.broadcast %broadcast_in_dim3A : f32 to vector<10000x128xf32>
    %get3A_6 = arith.constant 0 : index
    %get3A_7 = arith.constant 0 : index
    %get3A_8 = vector.load %arg2[%get3A_6, %get3A_7] : memref<10000x128xf32, #tpu.memory_space<vmem>>, vector<10000x128xf32>
    %get3A_9 = arith.constant 0 : index
    %get3A_10 = arith.constant 0 : index
    %get3A_11 = vector.load %arg3[%get3A_9, %get3A_10] : memref<128x384xf32, #tpu.memory_space<vmem>>, vector<128x384xf32>
    %dot_general3A = arith.constant dense<0.000000e+00> : vector<10000x384xf32>
    %dot_general3A_12 = tpu.matmul %add3A, %get3A_11, %dot_general3A {dimension_numbers = #tpu.dot_dimension_numbers<[1], [0], [0], [1], [0, 0, 1, 1], [], []>, transpose_lhs_hint = false} : vector<10000x128xf32>, vector<128x384xf32>, vector<10000x384xf32> -> vector<10000x384xf32>
    %get3A_13 = arith.constant 0 : index
    %get3A_14 = arith.constant 0 : index
    %get3A_15 = vector.load %arg5[%get3A_13, %get3A_14] : memref<1x384xf32, #tpu.memory_space<vmem>>, vector<1x384xf32>
    %add3A_16 = vector.broadcast %get3A_15 : vector<1x384xf32> to vector<10000x384xf32>
    %add3A_17 = arith.addf %dot_general3A_12, %add3A_16 : vector<10000x384xf32>
    %get3A_18 = arith.constant 0 : index
    %get3A_19 = arith.constant 0 : index
    %get3A_20 = vector.load %arg4[%get3A_18, %get3A_19] : memref<128x384xf32, #tpu.memory_space<vmem>>, vector<128x384xf32>
    %dot_general3A_21 = arith.constant dense<0.000000e+00> : vector<10000x384xf32>
    %dot_general3A_22 = tpu.matmul %broadcast_in_dim3A_5, %get3A_20, %dot_general3A_21 {dimension_numbers = #tpu.dot_dimension_numbers<[1], [0], [0], [1], [0, 0, 1, 1], [], []>, transpose_lhs_hint = false} : vector<10000x128xf32>, vector<128x384xf32>, vector<10000x384xf32> -> vector<10000x384xf32>
    %get3A_23 = arith.constant 0 : index
    %get3A_24 = arith.constant 0 : index
    %get3A_25 = vector.load %arg6[%get3A_23, %get3A_24] : memref<1x384xf32, #tpu.memory_space<vmem>>, vector<1x384xf32>
    %add3A_26 = vector.broadcast %get3A_25 : vector<1x384xf32> to vector<10000x384xf32>
    %add3A_27 = arith.addf %dot_general3A_22, %add3A_26 : vector<10000x384xf32>
    %slice3A = vector.extract_strided_slice %add3A_17 {offsets = [0, 0], sizes = [10000, 128], strides = [1, 1]} : vector<10000x384xf32> to vector<10000x128xf32>
    %slice3A_28 = vector.extract_strided_slice %add3A_17 {offsets = [0, 128], sizes = [10000, 128], strides = [1, 1]} : vector<10000x384xf32> to vector<10000x128xf32>
    %slice3A_29 = vector.extract_strided_slice %add3A_17 {offsets = [0, 256], sizes = [10000, 128], strides = [1, 1]} : vector<10000x384xf32> to vector<10000x128xf32>
    %slice3A_30 = vector.extract_strided_slice %add3A_27 {offsets = [0, 0], sizes = [10000, 128], strides = [1, 1]} : vector<10000x384xf32> to vector<10000x128xf32>
    %slice3A_31 = vector.extract_strided_slice %add3A_27 {offsets = [0, 128], sizes = [10000, 128], strides = [1, 1]} : vector<10000x384xf32> to vector<10000x128xf32>
    %slice3A_32 = vector.extract_strided_slice %add3A_27 {offsets = [0, 256], sizes = [10000, 128], strides = [1, 1]} : vector<10000x384xf32> to vector<10000x128xf32>
    %add3A_33 = arith.addf %slice3A, %slice3A_30 : vector<10000x128xf32>
    %logistic3A = arith.negf %add3A_33 : vector<10000x128xf32>
    %logistic3A_34 = math.exp %logistic3A : vector<10000x128xf32>
    %logistic3A_35 = arith.constant 1.000000e+00 : f32
    %logistic3A_36 = vector.broadcast %logistic3A_35 : f32 to vector<10000x128xf32>
    %logistic3A_37 = arith.addf %logistic3A_36, %logistic3A_34 : vector<10000x128xf32>
    %logistic3A_38 = arith.divf %logistic3A_36, %logistic3A_37 : vector<10000x128xf32>
    %add3A_39 = arith.addf %slice3A_28, %slice3A_31 : vector<10000x128xf32>
    %logistic3A_40 = arith.negf %add3A_39 : vector<10000x128xf32>
    %logistic3A_41 = math.exp %logistic3A_40 : vector<10000x128xf32>
    %logistic3A_42 = arith.constant 1.000000e+00 : f32
    %logistic3A_43 = vector.broadcast %logistic3A_42 : f32 to vector<10000x128xf32>
    %logistic3A_44 = arith.addf %logistic3A_43, %logistic3A_41 : vector<10000x128xf32>
    %logistic3A_45 = arith.divf %logistic3A_43, %logistic3A_44 : vector<10000x128xf32>
    %mul3A = arith.mulf %logistic3A_38, %slice3A_32 : vector<10000x128xf32>
    %add3A_46 = arith.addf %slice3A_29, %mul3A : vector<10000x128xf32>
    %tanh3A = math.tanh %add3A_46 : vector<10000x128xf32>
    %sub3A = arith.constant 1.000000e+00 : f32
    %sub3A_47 = vector.broadcast %sub3A : f32 to vector<10000x128xf32>
    %sub3A_48 = arith.subf %sub3A_47, %logistic3A_45 : vector<10000x128xf32>
    %mul3A_49 = arith.mulf %sub3A_48, %tanh3A : vector<10000x128xf32>
    %mul3A_50 = arith.mulf %logistic3A_45, %broadcast_in_dim3A_5 : vector<10000x128xf32>
    %add3A_51 = arith.addf %mul3A_49, %mul3A_50 : vector<10000x128xf32>
    %get3A_52 = arith.constant 0 : index
    %get3A_53 = arith.constant 0 : index
    %get3A_54 = vector.load %arg3[%get3A_52, %get3A_53] : memref<128x384xf32, #tpu.memory_space<vmem>>, vector<128x384xf32>
    %dot_general3A_55 = arith.constant dense<0.000000e+00> : vector<10000x384xf32>
    %dot_general3A_56 = tpu.matmul %get3A_8, %get3A_54, %dot_general3A_55 {dimension_numbers = #tpu.dot_dimension_numbers<[1], [0], [0], [1], [0, 0, 1, 1], [], []>, transpose_lhs_hint = false} : vector<10000x128xf32>, vector<128x384xf32>, vector<10000x384xf32> -> vector<10000x384xf32>
    %get3A_57 = arith.constant 0 : index
    %get3A_58 = arith.constant 0 : index
    %get3A_59 = vector.load %arg5[%get3A_57, %get3A_58] : memref<1x384xf32, #tpu.memory_space<vmem>>, vector<1x384xf32>
    %add3A_60 = vector.broadcast %get3A_59 : vector<1x384xf32> to vector<10000x384xf32>
    %add3A_61 = arith.addf %dot_general3A_56, %add3A_60 : vector<10000x384xf32>
    %get3A_62 = arith.constant 0 : index
    %get3A_63 = arith.constant 0 : index
    %get3A_64 = vector.load %arg4[%get3A_62, %get3A_63] : memref<128x384xf32, #tpu.memory_space<vmem>>, vector<128x384xf32>
    %dot_general3A_65 = arith.constant dense<0.000000e+00> : vector<10000x384xf32>
    %dot_general3A_66 = tpu.matmul %add3A_51, %get3A_64, %dot_general3A_65 {dimension_numbers = #tpu.dot_dimension_numbers<[1], [0], [0], [1], [0, 0, 1, 1], [], []>, transpose_lhs_hint = false} : vector<10000x128xf32>, vector<128x384xf32>, vector<10000x384xf32> -> vector<10000x384xf32>
    %get3A_67 = arith.constant 0 : index
    %get3A_68 = arith.constant 0 : index
    %get3A_69 = vector.load %arg6[%get3A_67, %get3A_68] : memref<1x384xf32, #tpu.memory_space<vmem>>, vector<1x384xf32>
    %add3A_70 = vector.broadcast %get3A_69 : vector<1x384xf32> to vector<10000x384xf32>
    %add3A_71 = arith.addf %dot_general3A_66, %add3A_70 : vector<10000x384xf32>
    %slice3A_72 = vector.extract_strided_slice %add3A_61 {offsets = [0, 0], sizes = [10000, 128], strides = [1, 1]} : vector<10000x384xf32> to vector<10000x128xf32>
    %slice3A_73 = vector.extract_strided_slice %add3A_61 {offsets = [0, 128], sizes = [10000, 128], strides = [1, 1]} : vector<10000x384xf32> to vector<10000x128xf32>
    %slice3A_74 = vector.extract_strided_slice %add3A_61 {offsets = [0, 256], sizes = [10000, 128], strides = [1, 1]} : vector<10000x384xf32> to vector<10000x128xf32>
    %slice3A_75 = vector.extract_strided_slice %add3A_71 {offsets = [0, 0], sizes = [10000, 128], strides = [1, 1]} : vector<10000x384xf32> to vector<10000x128xf32>
    %slice3A_76 = vector.extract_strided_slice %add3A_71 {offsets = [0, 128], sizes = [10000, 128], strides = [1, 1]} : vector<10000x384xf32> to vector<10000x128xf32>
    %slice3A_77 = vector.extract_strided_slice %add3A_71 {offsets = [0, 256], sizes = [10000, 128], strides = [1, 1]} : vector<10000x384xf32> to vector<10000x128xf32>
    %add3A_78 = arith.addf %slice3A_72, %slice3A_75 : vector<10000x128xf32>
    %logistic3A_79 = arith.negf %add3A_78 : vector<10000x128xf32>
    %logistic3A_80 = math.exp %logistic3A_79 : vector<10000x128xf32>
    %logistic3A_81 = arith.constant 1.000000e+00 : f32
    %logistic3A_82 = vector.broadcast %logistic3A_81 : f32 to vector<10000x128xf32>
    %logistic3A_83 = arith.addf %logistic3A_82, %logistic3A_80 : vector<10000x128xf32>
    %logistic3A_84 = arith.divf %logistic3A_82, %logistic3A_83 : vector<10000x128xf32>
    %add3A_85 = arith.addf %slice3A_73, %slice3A_76 : vector<10000x128xf32>
    %logistic3A_86 = arith.negf %add3A_85 : vector<10000x128xf32>
    %logistic3A_87 = math.exp %logistic3A_86 : vector<10000x128xf32>
    %logistic3A_88 = arith.constant 1.000000e+00 : f32
    %logistic3A_89 = vector.broadcast %logistic3A_88 : f32 to vector<10000x128xf32>
    %logistic3A_90 = arith.addf %logistic3A_89, %logistic3A_87 : vector<10000x128xf32>
    %logistic3A_91 = arith.divf %logistic3A_89, %logistic3A_90 : vector<10000x128xf32>
    %mul3A_92 = arith.mulf %logistic3A_84, %slice3A_77 : vector<10000x128xf32>
    %add3A_93 = arith.addf %slice3A_74, %mul3A_92 : vector<10000x128xf32>
    %tanh3A_94 = math.tanh %add3A_93 : vector<10000x128xf32>
    %sub3A_95 = arith.constant 1.000000e+00 : f32
    %sub3A_96 = vector.broadcast %sub3A_95 : f32 to vector<10000x128xf32>
    %sub3A_97 = arith.subf %sub3A_96, %logistic3A_91 : vector<10000x128xf32>
    %mul3A_98 = arith.mulf %sub3A_97, %tanh3A_94 : vector<10000x128xf32>
    %mul3A_99 = arith.mulf %logistic3A_91, %add3A_51 : vector<10000x128xf32>
    %add3A_100 = arith.addf %mul3A_98, %mul3A_99 : vector<10000x128xf32>
    %swap3A = arith.constant 0 : index
    %swap3A_101 = arith.constant 0 : index
    %swap3A_102 = vector.load %arg7[%swap3A, %swap3A_101] : memref<10000x128xf32, #tpu.memory_space<vmem>>, vector<10000x128xf32>
    tpu.vector_store %arg7[%swap3A, %swap3A_101], %add3A_100 {strides = array<i32>} : memref<10000x128xf32, #tpu.memory_space<vmem>>, vector<10000x128xf32>,
    return
  }
}

</mosaic_0001>

<sc_bundles>
// kernel: kernel.10.cloned.1.call-start
scs
__scs_entry_jumppad:
0x0: {  	(pc) =	sbr.rel $0x88, $3  }
0x1: {  	(tag) =	ssettag $0x0;
	lr =	simm.s32 $0x1  }
0x2: {  	[smem:$0x3F8E] =	sst lr;
	_ =	strace $0xD0000000  }
0x3: {  	_ = 	snop  }
0x4: {  	_ = 	snop  }
0x5: {  	_ = 	snop  }
0x6: {  	_ = 	snop  }
0x7: {  	_ = 	snop  }
__scs_overlays_trampoline_lowered:
0x8: {  	[smem:$0x3F9D] =	sst s0  }
0x9: {  	[smem:$0x3F9E] =	sst s1  }
0xa: {  	[smem:$0x3F9F] =	sst s2  }
0xb: {  	[smem:$0x3FA0] =	sst s3  }
0xc: {  	[smem:$0x3FA1] =	sst s4  }
0xd: {  	[smem:$0x3FA2] =	sst s5  }
0xe: {  	[smem:$0x3FA3] =	sst s6  }
0xf: {  	[smem:$0x3FA4] =	sst s7  }
0x10: {  	[smem:$0x3FA5] =	sst s8  }
0x11: {  	[smem:$0x3FA6] =	sst s9;
	s0 =	simm.s32 @!p0 $0x0  }
0x12: {  	s1 =	sld [smem:$0x3F8C];
	s0 =	simm.s32 @p0 $0x1  }
0x13: {  	[smem:$0x3FA7] =	sst s0;
	s0 =	simm.s32 @!p1 $0x0  }
0x14: {  	s2 =	sld [smem:$0x3F8B];
	s0 =	simm.s32 @p1 $0x1  }
0x15: {  	[smem:$0x3FA8] =	sst s0;
	s0 =	simm.s32 @!p2 $0x0  }
0x16: {  	s3 =	sld [smem:$0x3FDB];
	s0 =	simm.s32 @p2 $0x1  }
0x17: {  	s4 =	simm.s32 $0x1BF5;
	[smem:$0x3FAA] =	sst s0  }
0x18: {  	s0 =	sld [smem:$0x3F8D];
	_ =	swait.ge [sflag:s4], $0x0  }
0x19: {  	s7 =	sld [smem:$0x3F8E]  }
0x1a: {  	s8 =	sadd.s32 $0xFFFFE003, lr  }
0x1b: {  	s9 =	sadd.s32 $0xFFFFFEF7, lr;
	s5 =	simm.s32 $0xFFFFFFFF;
	p2 =	slt.u32 s8, $0xFFFFF086  }
0x1c: {  	p1 =	slt.u32 s9, $0xF7A;
	s5 =	simm.s32 @!p2 $0x0  }
0x1d: {  	s5 =	simm.s32 @p1 $0x1;
	p0 =	seq.s32 s7, s2  }
0x1e: {  	s7 =	smul.u32 @!p0 $0xF7A, s2;
	p2 =	seq.s32 @!p0 s5, $0x0  }
0x1f: {  	s9 =	smul.u32 $0xF7A, s1;
	s8 =	simm.s32 @!p0 $0x1BF5;
	p2 =	por !p2, p0  }
0x20: {  	[sflag:s8] =	ssyncset.s32 @!p0 $0xFFFFF086;
	s6 =	sadd.s32 @!p0 s3, s7;
	s7 =	simm.s32 @!p0 $0x108  }
0x21: {  	s3 =	sadd.s32 s3, s9;
	s6 =	sadd.s32 @!p0 $0x88, s6;
	s7 =	simm.s32 @p2 $0x1082  }
0x22: {  	[simem:s7], [sflag:s8] =	dma.local @!p0 [hbm:s6], $0xF7A  }
0x23: {  	s9 =	sor.u32 $0xD0000000, s2;
	s6 =	simm.s32 $0x108;
	_ =	swait.ge @!p0 [sflag:s8], $0x0  }
0x24: {  	s3 =	sadd.s32 $0x88, s3;
	s6 =	simm.s32 @!p1 $0x1082;
	[sflag:s4] =	ssyncset.s32 $0xFFFFF086  }
0x25: {  	[simem:s6], [sflag:s4] =	dma.local [hbm:s3], $0xF7A  }
0x26: {  	[smem:$0x3F8E] =	sst s1;
	(tag) =	ssettag s2;
	_ =	strace s9  }
0x27: {  	s1 =	sld [smem:$0x3F9E]  }
0x28: {  	s2 =	sld [smem:$0x3F9F]  }
0x29: {  	s4 =	sld [smem:$0x3FA1]  }
0x2a: {  	p0 =	seq.s32 s5, $0x0;
	s5 =	sld [smem:$0x3FA2]  }
0x2b: {  	s6 =	sld [smem:$0x3FA3]  }
0x2c: {  	s7 =	sld [smem:$0x3FA4]  }
0x2d: {  	s3 =	simm.s32 $0x108;
	s8 =	sld [smem:$0x3FA5]  }
0x2e: {  	s3 =	simm.s32 @!p0 $0x1082;
	s9 =	sld [smem:$0x3FA6]  }
0x2f: {  	lr =	sadd.s32 s0, s3;
	s0 =	sld [smem:$0x3F9D]  }
0x30: {  	s3 =	sld [smem:$0x3FA0]  }
0x31: {  	[smem:$0x3FA9] =	sst s10  }
0x32: {  	s10 =	sld [smem:$0x3FA7];
	_ =	sdelay $0x3  }
0x33: {  	p0 =	seq.s32 s10, $0x1;
	s10 =	sld [smem:$0x3FA9];
	_ =	sdelay $0x3  }
0x34: {  	[smem:$0x3FA9] =	sst s10  }
0x35: {  	s10 =	sld [smem:$0x3FA8];
	_ =	sdelay $0x3  }
0x36: {  	p1 =	seq.s32 s10, $0x1;
	s10 =	sld [smem:$0x3FA9];
	_ =	sdelay $0x3  }
0x37: {  	[smem:$0x3FA9] =	sst s10  }
0x38: {  	s10 =	sld [smem:$0x3FAA]  }
0x39: {  	_ = 	snop;
	(pc) =	sbr.ind lr, $3  }
0x3a: {  	_ = 	snop  }
0x3b: {  	_ = 	snop  }
0x3c: {  	p2 =	seq.s32 s10, $0x1;
	s10 =	sld [smem:$0x3FA9]  }
0x3d: {  	_ =	shalt  }
0x3e: {  	_ =	shalt  }
0x3f: {  	_ =	shalt  }
0x40: {  	_ =	shalt  }
0x41: {  	_ =	shalt  }
0x42: {  	_ =	shalt  }
0x43: {  	_ =	shalt  }
0x44: {  	_ =	shalt  }
0x45: {  	_ =	shalt  }
0x46: {  	_ =	shalt  }
0x47: {  	_ =	shalt  }
0x48: {  	_ =	shalt  }
0x49: {  	_ =	shalt  }
0x4a: {  	_ =	shalt  }
0x4b: {  	_ =	shalt  }
0x4c: {  	_ =	shalt  }
0x4d: {  	_ =	shalt  }
0x4e: {  	_ =	shalt  }
0x4f: {  	_ =	shalt  }
0x50: {  	_ =	shalt  }
0x51: {  	_ =	shalt  }
0x52: {  	_ =	shalt  }
0x53: {  	_ =	shalt  }
0x54: {  	_ =	shalt  }
0x55: {  	_ =	shalt  }
0x56: {  	_ =	shalt  }
0x57: {  	_ =	shalt  }
0x58: {  	_ =	shalt  }
0x59: {  	_ =	shalt  }
0x5a: {  	_ =	shalt  }
0x5b: {  	_ =	shalt  }
0x5c: {  	_ =	shalt  }
0x5d: {  	_ =	shalt  }
0x5e: {  	_ =	shalt  }
0x5f: {  	_ =	shalt  }
0x60: {  	_ =	shalt  }
0x61: {  	_ =	shalt  }
0x62: {  	_ =	shalt  }
0x63: {  	_ =	shalt  }
0x64: {  	_ =	shalt  }
0x65: {  	_ =	shalt  }
0x66: {  	_ =	shalt  }
0x67: {  	_ =	shalt  }
0x68: {  	_ =	shalt  }
0x69: {  	_ =	shalt  }
0x6a: {  	_ =	shalt  }
0x6b: {  	_ =	shalt  }
0x6c: {  	_ =	shalt  }
0x6d: {  	_ =	shalt  }
0x6e: {  	_ =	shalt  }
0x6f: {  	_ =	shalt  }
0x70: {  	_ =	shalt  }
0x71: {  	_ =	shalt  }
0x72: {  	_ =	shalt  }
0x73: {  	_ =	shalt  }
0x74: {  	_ =	shalt  }
0x75: {  	_ =	shalt  }
0x76: {  	_ =	shalt  }
0x77: {  	_ =	shalt  }
0x78: {  	_ =	shalt  }
0x79: {  	_ =	shalt  }
0x7a: {  	_ =	shalt  }
0x7b: {  	_ =	shalt  }
0x7c: {  	_ =	shalt  }
0x7d: {  	_ =	shalt  }
0x7e: {  	_ =	shalt  }
0x7f: {  	_ =	shalt  }
0x80: {  	_ =	shalt  }
0x81: {  	_ =	shalt  }
0x82: {  	_ =	shalt  }
0x83: {  	_ =	shalt  }
0x84: {  	_ =	shalt  }
0x85: {  	_ =	shalt  }
0x86: {  	_ =	shalt  }
0x87: {  	_ =	shalt  }
.Lfunc_end0:
.L_simem_size_0:
called_computation_lowered:
.L_overlay_start_0:
0x88: {  	s2 =	sld [smem:$0x3FD9]  }
0x89: {  	s3 =	sld [smem:$0x3FFE];
	_ =	sdelay $0x1  }
0x8a: {  	s1 =	srdreg.scid  }
0x8b: {  	s0 =	sand.u32 $0x1, s1  }
0x8c: {  	s14 =	sshll.u32 s0, $0xA;
	s2 =	sadd.s32 s3, s2  }
0x8d: {  	s2 =	sadd.s32 s2, s14  }
0x8e: {  	[smem:$0x3FB5] =	sst s2  }
0x8f: {  	_ = 	snop  }
0x90: {  	s2 =	sld [smem:$0x3FD0];
	_ =	sdelay $0x2  }
0x91: {  	s15 =	simm.s32 $0xA;
	s4 =	simm.s32 $0x10  }
0x92: {  	[smem:s4], [sflag:s15] =	dma.local [hbm:s2], $0x1  }
0x93: {  	_ =	swait.eq [sflag:s15], $0x1  }
0x94: {  	[sflag:s15] =	ssyncset.done $0x0  }
0x95: {  	s16 =	sld [smem:$0x10];
	[sflag:s15] =	ssyncadd.s32 $0xFFFFFFFF  }
0x96: {  	s17 =	sld [smem:$0x11];
	(tm) =	ssettm $0x1  }
0x97: {  	s18 =	sld [smem:$0x3FFB];
	_ =	sdelay $0x3  }
0x98: {  	_ =	strace s18  }
0x99: {  	s4 =	sld [smem:$0x3FFC];
	_ =	sdelay $0x3  }
0x9a: {  	_ =	strace s4  }
0x9b: {  	s4 =	sld [smem:$0x3FFD];
	_ =	sdelay $0x3  }
0x9c: {  	_ =	strace s4  }
0x9d: {  	_ =	strace $0x8FFFFFFF  }
0x9e: {  	s19 =	sld [smem:$0x3FDB];
	_ =	sdelay $0x1  }
0x9f: {  	s5 =	simm.s32 $_scs_section_size  }
0xa0: {  	s6 =	simm.s32 $_size__tile_overlayer_lowered;
	s7 =	simm.s32 $_tile_overlayer_lowered  }
0xa1: {  	s22 =	simm.s32 $0x1BFF;
	s21 =	sshll.u32 s7, $0x1;
	s4 =	sadd.s32 s5, s19  }
0xa2: {  	s8 =	simm.s32 $0x0;
	s20 =	sshll.u32 s6, $0x1;
	s6 =	sadd.s32 s21, s4  }
0xa3: {  	[timem:s8], [sflag:s22] =	dma.local [hbm:s6], s20  }
0xa4: {  	_ =	swait.ge [sflag:s22], s20  }
0xa5: {  	s5 =	ssub.s32 $0x0, s20;
	[sflag:s22] =	ssyncset.done $0x0  }
0xa6: {  	[sflag:s22] =	ssyncadd.s32 s5;
	_ =	sdelay $0x1  }
0xa7: {  	s23 =	simm.s32 $0x1B8B  }
0xa8: {  	_ =	swait.ge [sflag:s23], $0x1  }
0xa9: {  	[sflag:s23] =	ssyncset.done $0x0  }
0xaa: {  	s25 =	simm.s32 $0x1B8E;
	s24 =	sld [smem:$0x3FFE];
	[sflag:s23] =	ssyncadd.s32 $0xFFFFFFFF  }
0xab: {  	s26 =	simm.s32 $execute0_lowered;
	[smem:$0x3FD2] =	sst s25  }
0xac: {  	s6 =	sshll.u32 s26, $0x1;
	_ =	strace $0x80000046;
	[dreg:$0x1] =	wrdreg $0xFFFFFFFF  }
0xad: {  	s28 =	simm.s32 $_size_execute0_lowered;
	s4 =	sadd.s32 s4, s6;
	[dreg:$0x0] =	wrdreg $0x0  }
0xae: {  	s6 =	sshll.u32 s28, $0x1;
	[dreg:$0x2] =	wrdreg s4  }
0xaf: {  	[dreg:$0x3] =	wrdreg s6  }
0xb0: {  	[dreg:$0x4] =	wrdreg $0xC0  }
0xb1: {  	_ =	task [dreg:s8], $0x5FFFF  }
0xb2: {  	[dreg:$0x1] =	wrdreg $0xFFFFFFFF  }
0xb3: {  	[dreg:$0x0] =	wrdreg $0x60  }
0xb4: {  	[dreg:$0x2] =	wrdreg s17  }
0xb5: {  	[dreg:$0x3] =	wrdreg s16  }
0xb6: {  	[dreg:$0x4] =	wrdreg s24  }
0xb7: {  	[dreg:$0x5] =	wrdreg $0xA8000  }
0xb8: {  	[dreg:$0x6] =	wrdreg $0x9  }
0xb9: {  	_ =	task.clear_ibuf [dreg:s8], $0x7FFFF;
	_ =	strace $0x90000046  }
0xba: {  	s29 =	simm.s32 $0x9;
	_ =	strace $0x80000048  }
0xbb: {  	_ =	swait.ge [sflag:s29], $0x1  }
0xbc: {  	[sflag:s29] =	ssyncadd.s32 $0xFFFFFFFF  }
0xbd: {  	_ =	strace $0x90000048  }
0xbe: {  	_ =	sfence  }
0xbf: {  	s30 =	sld [smem:$0x0];
	_ =	sdelay $0x2  }
0xc0: {  	s31 =	sshll.u32 s1, $0xD;
	s1 =	sshrl.u32 s1, $0x2  }
0xc1: {  	s3 =	sand.u32 $0x4000, s31;
	s1 =	sadd.s32 s1, s30  }
0xc2: {  	s0 =	sor.u32 s3, s0;
	s1 =	sshll.u32 s1, $0x11  }
0xc3: {  	s0 =	sor.u32 s1, s0  }
0xc4: {  	s0 =	sadd.s32 $0x8F2B, s0  }
0xc5: {  	[sflag:s0] =	ssyncadd.remote.s32 $0x1  }
0xc6: {  	_ =	sfence.sel $0xFFFF  }
0xc7: {  	[dreg:$0x0] =	wrdreg $0xFFFFFFFF;
	(pc) =	sbr.abs _section_cstart, $3  }
0xc8: {  	[dreg:$0x1] =	wrdreg $0xFFFFFFFF  }
0xc9: {  	_ =	task.clear_ibuf [dreg:s8], $0x2FFFF;
	_ =	strace $0x9FFFFFFF  }
0xca: {  	(tm) =	ssettm $0x7FFFFFFF  }
0xcb: {  	_ =	shalt  }
tec
execute0_lowered:
.L_overlay_start_1:
0x0: {  	(tag) =	ssettag $0x1  }
0x1: {  	s10 =	rddreg [dreg:$0x0]  }
0x2: {  	s7 =	rddreg [dreg:$0x1]  }
0x3: {  	s5 =	rddreg [dreg:$0x2]  }
0x4: {  	s2 =	rddreg [dreg:$0x3]  }
0x5: {  	s3 =	simm.s32 $0x0;
	s1 =	stileid.u32;
	s6 =	srdreg.scid  }
0x6: {  	s21 =	simm.s32 $0x80;
	s22 =	simm.s32 $0x2800;
	s23 =	simm.s32 $0x1  }
0x7: {  	s24 =	simm.s32 $0x6800;
	s25 =	simm.s32 $0x2;
	s4 =	smul.u32 $0x500, s1  }
0x8: {  	s26 =	simm.s32 $0x2780;
	s28 =	simm.s32 $0x0;
	s31 =	smul.u32 $0x4F000, s1  }
0x9: {  	[smem:$0x7FF] =	sst s3;
	s17 =	sand.u32 $0x1, s6;
	s12 =	smul.u32 $0x2780, s1  }
0xa: {  	s18 =	sadd.s32 $0x128400, s2;
	s16 =	smul.u32 $0x28000, s1;
	p0 =	seq.s32 s1, $0xF  }
0xb: {  	_ =	strace $0x80000047;
	s8 =	ssub.s32 $0x2, s17;
	s20 =	sshll.u32 @!p0 s1, $0x6  }
0xc: {  	p1 =	sne.s32 s17, $0x0;
	s17 =	sshrl.u32 @p0 s18, $0x3;
	s11 =	sadd.s32 s4, s5  }
0xd: {  	s4 =	sadd.s32 $0x3AC00, s5;
	s9 =	sshrl.u32 s8, $0x1;
	s6 =	sshrl.u32 s31, $0x2  }
0xe: {  	s5 =	sadd.s32 $0x2BAC00, s5;
	s14 =	sadd.s32 $0x27800, s16;
	s18 =	sor.u32 @!p0 $0x1C03, s20  }
.Ltmp0:
0xf: {  	s20 =	simm.s32 $0x3;
	s13 =	ssub.s32 s8, s9;
	(pc) =	sbr.rel .LBB2_1-.Ltmp0, $4  }
0x10: {  	s19 =	sadd.s32 s6, s2;
	s6 =	sadd.s32 s7, s12;
	s7 =	sadd.s32 $0x25080, s7  }
0x11: {  	s8 =	sadd.s32 $0x4A00, s11;
	s9 =	sadd.s32 s10, s12;
	s10 =	sadd.s32 $0x25080, s10  }
0x12: {  	s11 =	sadd.s32 $0xEA00, s11;
	s15 =	sadd.s32 s16, s5;
	s12 =	smax.u32 s13, $0x1  }
0x13: {  	s13 =	sadd.s32 $0x27000, s16;
	s16 =	sadd.s32 s16, s4;
	s19 =	sshrl.u32 @!p0 s19, $0x3  }
.LBB2_7:
0x14: {  	[sflag:s20] =	ssyncadd.s32 $0xFFFFC000;
	s29 =	smov.u32 s5  }
.LBB2_8:
0x15: {  	_ =	swait.ge [sflag:s23], $0x4000  }
0x16: {  	[sflag:s23] =	ssyncset.done $0x0  }
0x17: {  	[sflag:s23] =	ssyncadd.s32 $0xFFFFC000  }
0x18: {  	[tilespmem:s24], [sflag:$0x2] =	stream.indirect.gather [spmem:s2], $0x80, s26, s21, $0xb8;
	[tilespmem:$0x1E080] =	vst v63  }
0x19: {  	s0 =	sadd.s32 s29, s13  }
0x1a: {  	[hbm4b:s0+s3] =	stream.linear.scatter [tilespmem:s22], [sflag:$0x3], $0x4000, $0x38;
	[tilespmem:$0x1E080] =	vst v63  }
0x1b: {  	_ =	swait.ge [sflag:s20], $0x4000  }
0x1c: {  	[sflag:s20] =	ssyncset.done $0x0  }
0x1d: {  	[sflag:s20] =	ssyncadd.s32 $0xFFFFC000  }
0x1e: {  	_ =	swait.ge [sflag:s25], $0x4000  }
0x1f: {  	[sflag:s25] =	ssyncset.done $0x0  }
0x20: {  	[sflag:s25] =	ssyncadd.s32 $0xFFFFC000  }
0x21: {  	[tilespmem:s22], [sflag:$0x1] =	stream.indirect.gather [spmem:s2], $0x80, s26, s21, $0xb8;
	[tilespmem:$0x1E080] =	vst v63  }
0x22: {  	s31 =	sadd.s32 s29, s14;
	s28 =	sadd.s32 $0x1, s28  }
0x23: {  	[hbm4b:s31+s3] =	stream.linear.scatter [tilespmem:s24], [sflag:$0x3], $0x4000, $0x38;
	[tilespmem:$0x1E080] =	vst v63  }
0x24: {  	p2 =	sne.s32 s28, s12;
	_ =	swait.ge [sflag:s20], $0x4000  }
.Ltmp1:
0x25: {  	[sflag:s20] =	ssyncset.done $0x0;
	(pc) =	sbr.rel @!p2 .LBB2_9-.Ltmp1, $4  }
0x26: {  	[sflag:s20] =	ssyncadd.s32 $0xFFFFC000  }
0x27: {  	_ =	swait.ge [sflag:s23], $0x4000  }
0x28: {  	[sflag:s23] =	ssyncset.done $0x0  }
0x29: {  	[sflag:s23] =	ssyncadd.s32 $0xFFFFC000  }
.LBB2_1:
.Ltmp2:
0x2a: {  	(pc) =	sbr.rel @p1 .LBB2_5-.Ltmp2, $1  }
0x2b: {  	_ =	sdelay $0x3  }
0x2c: {  	s29 =	simm.s32 @p0 $0x1FC3  }
0x2d: {  	[spmem:s17], [sflag:s29] =	dma.local @p0 [hbm:s10], $0x2080  }
0x2e: {  	s29 =	simm.s32 @p0 $0x3  }
0x2f: {  	_ =	swait.ge @p0 [sflag:s29], $0x2080  }
0x30: {  	[sflag:s29] =	ssyncset.done @p0 $0x0  }
0x31: {  	[sflag:s29] =	ssyncadd.s32 @p0 $0xFFFFDF80;
	s29 =	simm.s32 @!p0 $0x3  }
0x32: {  	[spmem:s19], [sflag:s18] =	dma.local @!p0 [hbm:s9], $0x2780  }
0x33: {  	_ =	swait.ge @!p0 [sflag:s29], $0x2780  }
0x34: {  	[sflag:s29] =	ssyncset.done @!p0 $0x0  }
0x35: {  	[sflag:s29] =	ssyncadd.s32 @!p0 $0xFFFFD880  }
0x36: {  	s29 =	simm.s32 $0x0;
	[bflag:$0x0] =	sbarrier.arrive $0xFFFF  }
0x37: {  	[tilespmem:s29], [sflag:$0x3] =	stream.linear.gather [hbm4b:s11+s29], $0x2800, $0x38;
	[tilespmem:$0x1E080] =	vst v63  }
0x38: {  	_ =	swait.ge [sflag:s20], $0x2800  }
0x39: {  	[sflag:s20] =	ssyncset.done $0x0  }
0x3a: {  	[sflag:s20] =	ssyncadd.s32 $0xFFFFD800  }
0x3b: {  	[tilespmem:s22], [sflag:$0x1] =	stream.indirect.gather [spmem:s2], $0x80, s29, s21, $0xb8;
	[tilespmem:$0x1E080] =	vst v63  }
0x3c: {  	_ =	swait.ge [sflag:s23], $0x4000  }
0x3d: {  	[sflag:s23] =	ssyncset.done $0x0  }
0x3e: {  	s29 =	simm.s32 $0x80;
	[sflag:s23] =	ssyncadd.s32 $0xFFFFC000  }
0x3f: {  	[tilespmem:s24], [sflag:$0x2] =	stream.indirect.gather [spmem:s2], $0x80, s29, s21, $0xb8;
	[tilespmem:$0x1E080] =	vst v63  }
0x40: {  	s30 =	sadd.s32 $0x0, s16  }
0x41: {  	[hbm4b:s30+s3] =	stream.linear.scatter [tilespmem:s22], [sflag:$0x3], $0x4000, $0x38;
	[tilespmem:$0x1E080] =	vst v63  }
0x42: {  	_ =	swait.ge [sflag:s20], $0x4000  }
0x43: {  	[sflag:s20] =	ssyncset.done $0x0  }
0x44: {  	[sflag:s20] =	ssyncadd.s32 $0xFFFFC000  }
0x45: {  	_ =	swait.ge [sflag:s25], $0x4000  }
0x46: {  	[sflag:s25] =	ssyncset.done $0x0  }
0x47: {  	s29 =	simm.s32 $0x100;
	[sflag:s25] =	ssyncadd.s32 $0xFFFFC000  }
0x48: {  	[tilespmem:s22], [sflag:$0x1] =	stream.indirect.gather [spmem:s2], $0x80, s29, s21, $0xb8;
	[tilespmem:$0x1E080] =	vst v63  }
0x49: {  	s30 =	sadd.s32 $0x800, s30  }
0x4a: {  	[hbm4b:s30+s3] =	stream.linear.scatter [tilespmem:s24], [sflag:$0x3], $0x4000, $0x38;
	[tilespmem:$0x1E080] =	vst v63  }
0x4b: {  	_ =	swait.ge [sflag:s20], $0x4000  }
0x4c: {  	s30 =	simm.s32 $0x1000;
	[sflag:s20] =	ssyncset.done $0x0  }
.LBB2_3:
0x4d: {  	p2 =	seq.s32 s30, $0x26000;
	[sflag:s20] =	ssyncadd.s32 $0xFFFFC000;
	s29 =	sadd.s32 $0x100, s29  }
0x4e: {  	s31 =	smov.u32 s30;
	s30 =	sadd.s32 $0x1000, s30  }
0x4f: {  	_ =	swait.ge [sflag:s23], $0x4000  }
0x50: {  	[sflag:s23] =	ssyncset.done $0x0  }
0x51: {  	s0 =	sadd.s32 $0xFFFFFF80, s29;
	[sflag:s23] =	ssyncadd.s32 $0xFFFFC000  }
0x52: {  	[tilespmem:s24], [sflag:$0x2] =	stream.indirect.gather [spmem:s2], $0x80, s0, s21, $0xb8;
	[tilespmem:$0x1E080] =	vst v63  }
0x53: {  	s0 =	sadd.s32 s31, s16  }
0x54: {  	[hbm4b:s0+s3] =	stream.linear.scatter [tilespmem:s22], [sflag:$0x3], $0x4000, $0x38;
	[tilespmem:$0x1E080] =	vst v63  }
0x55: {  	_ =	swait.ge [sflag:s20], $0x4000  }
0x56: {  	[sflag:s20] =	ssyncset.done $0x0  }
0x57: {  	[sflag:s20] =	ssyncadd.s32 $0xFFFFC000  }
0x58: {  	_ =	swait.ge [sflag:s25], $0x4000  }
0x59: {  	[sflag:s25] =	ssyncset.done $0x0  }
0x5a: {  	[sflag:s25] =	ssyncadd.s32 $0xFFFFC000  }
0x5b: {  	[tilespmem:s22], [sflag:$0x1] =	stream.indirect.gather [spmem:s2], $0x80, s29, s21, $0xb8;
	[tilespmem:$0x1E080] =	vst v63  }
.Ltmp3:
0x5c: {  	_ = 	snop;
	(pc) =	sbr.rel @!p2 .LBB2_3-.Ltmp3, $4  }
0x5d: {  	s0 =	sadd.s32 $0x800, s0  }
0x5e: {  	[hbm4b:s0+s3] =	stream.linear.scatter [tilespmem:s24], [sflag:$0x3], $0x4000, $0x38;
	[tilespmem:$0x1E080] =	vst v63  }
0x5f: {  	_ =	swait.ge [sflag:s20], $0x4000  }
0x60: {  	[sflag:s20] =	ssyncset.done $0x0  }
.Ltmp4:
0x61: {  	(pc) =	sbr.rel .LBB2_8-.Ltmp4, $2  }
0x62: {  	_ =	sdelay $0x2  }
0x63: {  	[sflag:s20] =	ssyncadd.s32 $0xFFFFC000;
	s29 =	smov.u32 s4  }
.LBB2_5:
0x64: {  	s29 =	simm.s32 @p0 $0x1FC3  }
0x65: {  	[spmem:s17], [sflag:s29] =	dma.local @p0 [hbm:s7], $0x2080  }
0x66: {  	s29 =	simm.s32 @p0 $0x3  }
0x67: {  	_ =	swait.ge @p0 [sflag:s29], $0x2080  }
0x68: {  	[sflag:s29] =	ssyncset.done @p0 $0x0  }
0x69: {  	[sflag:s29] =	ssyncadd.s32 @p0 $0xFFFFDF80;
	s29 =	simm.s32 @!p0 $0x3  }
0x6a: {  	[spmem:s19], [sflag:s18] =	dma.local @!p0 [hbm:s6], $0x2780  }
0x6b: {  	_ =	swait.ge @!p0 [sflag:s29], $0x2780  }
0x6c: {  	[sflag:s29] =	ssyncset.done @!p0 $0x0  }
0x6d: {  	[sflag:s29] =	ssyncadd.s32 @!p0 $0xFFFFD880  }
0x6e: {  	s29 =	simm.s32 $0x0;
	[bflag:$0x0] =	sbarrier.arrive $0xFFFF  }
0x6f: {  	[tilespmem:s29], [sflag:$0x3] =	stream.linear.gather [hbm4b:s8+s29], $0x2800, $0x38;
	[tilespmem:$0x1E080] =	vst v63  }
0x70: {  	_ =	swait.ge [sflag:s20], $0x2800  }
0x71: {  	[sflag:s20] =	ssyncset.done $0x0  }
0x72: {  	[sflag:s20] =	ssyncadd.s32 $0xFFFFD800  }
0x73: {  	[tilespmem:s22], [sflag:$0x1] =	stream.indirect.gather [spmem:s2], $0x80, s29, s21, $0xb8;
	[tilespmem:$0x1E080] =	vst v63  }
0x74: {  	_ =	swait.ge [sflag:s23], $0x4000  }
0x75: {  	[sflag:s23] =	ssyncset.done $0x0  }
0x76: {  	s0 =	simm.s32 $0x80;
	[sflag:s23] =	ssyncadd.s32 $0xFFFFC000  }
0x77: {  	[tilespmem:s24], [sflag:$0x2] =	stream.indirect.gather [spmem:s2], $0x80, s0, s21, $0xb8;
	[tilespmem:$0x1E080] =	vst v63  }
0x78: {  	s31 =	sadd.s32 $0x0, s15  }
0x79: {  	[hbm4b:s31+s3] =	stream.linear.scatter [tilespmem:s22], [sflag:$0x3], $0x4000, $0x38;
	[tilespmem:$0x1E080] =	vst v63  }
0x7a: {  	_ =	swait.ge [sflag:s20], $0x4000  }
0x7b: {  	[sflag:s20] =	ssyncset.done $0x0  }
0x7c: {  	[sflag:s20] =	ssyncadd.s32 $0xFFFFC000  }
0x7d: {  	_ =	swait.ge [sflag:s25], $0x4000  }
0x7e: {  	[sflag:s25] =	ssyncset.done $0x0  }
0x7f: {  	s29 =	simm.s32 $0x100;
	[sflag:s25] =	ssyncadd.s32 $0xFFFFC000  }
0x80: {  	[tilespmem:s22], [sflag:$0x1] =	stream.indirect.gather [spmem:s2], $0x80, s29, s21, $0xb8;
	[tilespmem:$0x1E080] =	vst v63  }
0x81: {  	s0 =	sadd.s32 $0x800, s31  }
0x82: {  	[hbm4b:s0+s3] =	stream.linear.scatter [tilespmem:s24], [sflag:$0x3], $0x4000, $0x38;
	[tilespmem:$0x1E080] =	vst v63  }
0x83: {  	_ =	swait.ge [sflag:s20], $0x4000  }
0x84: {  	s30 =	simm.s32 $0x1000;
	[sflag:s20] =	ssyncset.done $0x0  }
.LBB2_6:
0x85: {  	p2 =	sne.s32 s30, $0x26000;
	[sflag:s20] =	ssyncadd.s32 $0xFFFFC000;
	s29 =	sadd.s32 $0x100, s29  }
0x86: {  	s0 =	smov.u32 s30;
	s30 =	sadd.s32 $0x1000, s30  }
0x87: {  	_ =	swait.ge [sflag:s23], $0x4000  }
0x88: {  	[sflag:s23] =	ssyncset.done $0x0  }
0x89: {  	s31 =	sadd.s32 $0xFFFFFF80, s29;
	[sflag:s23] =	ssyncadd.s32 $0xFFFFC000  }
0x8a: {  	[tilespmem:s24], [sflag:$0x2] =	stream.indirect.gather [spmem:s2], $0x80, s31, s21, $0xb8;
	[tilespmem:$0x1E080] =	vst v63  }
0x8b: {  	s0 =	sadd.s32 s0, s15  }
0x8c: {  	[hbm4b:s0+s3] =	stream.linear.scatter [tilespmem:s22], [sflag:$0x3], $0x4000, $0x38;
	[tilespmem:$0x1E080] =	vst v63  }
0x8d: {  	_ =	swait.ge [sflag:s20], $0x4000  }
0x8e: {  	[sflag:s20] =	ssyncset.done $0x0  }
0x8f: {  	[sflag:s20] =	ssyncadd.s32 $0xFFFFC000  }
0x90: {  	_ =	swait.ge [sflag:s25], $0x4000  }
0x91: {  	[sflag:s25] =	ssyncset.done $0x0  }
0x92: {  	[sflag:s25] =	ssyncadd.s32 $0xFFFFC000  }
0x93: {  	[tilespmem:s22], [sflag:$0x1] =	stream.indirect.gather [spmem:s2], $0x80, s29, s21, $0xb8;
	[tilespmem:$0x1E080] =	vst v63  }
.Ltmp5:
0x94: {  	_ = 	snop;
	(pc) =	sbr.rel @p2 .LBB2_6-.Ltmp5, $4  }
0x95: {  	s0 =	sadd.s32 $0x800, s0  }
0x96: {  	[hbm4b:s0+s3] =	stream.linear.scatter [tilespmem:s24], [sflag:$0x3], $0x4000, $0x38;
	[tilespmem:$0x1E080] =	vst v63  }
0x97: {  	_ =	swait.ge [sflag:s20], $0x4000  }
0x98: {  	[sflag:s20] =	ssyncset.done $0x0  }
.Ltmp6:
0x99: {  	_ = 	snop;
	(pc) =	sbr.rel .LBB2_7-.Ltmp6, $1  }
0x9a: {  	_ =	sdelay $0x3  }
.LBB2_9:
0x9b: {  	_ =	sfence.sel $0x180000  }
0x9c: {  	[bflag:$0x0] =	sbarrier.arrive $0xFFFF  }
0x9d: {  	_ =	strace $0x90000047  }
0x9e: {  	[bflag:$0x2] =	sbarrier.arrive $0xFFFF  }
0x9f: {  	p0 =	sne.s32 s1, $0x0;
	s0 =	rddreg [dreg:$0x4]  }
0xa0: {  	s0 =	sadd.s32 @!p0 $0x100000, s0  }
0xa1: {  	[sflag:s0] =	ssyncadd.tile.s32 @!p0 $0x1;
	_ =	shalt  }
.Lfunc_end2:
_tile_overlayer_lowered:
.L_overlay_start_2:
0xa2: {  	(tag) =	ssettag $0x2  }
0xa3: {  	s0 =	rddreg [dreg:$0x0];
	s2 =	stileid.u32  }
0xa4: {  	s1 =	rddreg [dreg:$0x1];
	p0 =	sne.s32 s2, $0x0  }
0xa5: {  	s3 =	rddreg [dreg:$0x2];
	[bflag:$0x3] =	sbarrier.arrive $0xFFFF;
	s2 =	simm.s32 @!p0 $0x1C03  }
0xa6: {  	[timem:s3], [sflag:s2] =	dma.local @!p0 [hbm:s0], s1  }
0xa7: {  	s0 =	simm.s32 @!p0 $0x3  }
0xa8: {  	_ =	swait.ge @!p0 [sflag:s0], s1  }
0xa9: {  	s1 =	ssub.s32 @!p0 $0x0, s1;
	[sflag:s0] =	ssyncset.done @!p0 $0x0  }
0xaa: {  	[sflag:s0] =	ssyncadd.s32 @!p0 s1  }
0xab: {  	[bflag:$0x3] =	sbarrier.arrive $0xFFFF  }
0xac: {  	_ =	shalt  }

// kernel: kernel.13.cloned.1.call-start
scs
__scs_entry_jumppad:
0x0: {  	(pc) =	sbr.rel $0x88, $3  }
0x1: {  	(tag) =	ssettag $0x0;
	lr =	simm.s32 $0x1  }
0x2: {  	[smem:$0x3F8E] =	sst lr;
	_ =	strace $0xD0000000  }
0x3: {  	_ = 	snop  }
0x4: {  	_ = 	snop  }
0x5: {  	_ = 	snop  }
0x6: {  	_ = 	snop  }
0x7: {  	_ = 	snop  }
__scs_overlays_trampoline_lowered:
0x8: {  	[smem:$0x3F9D] =	sst s0  }
0x9: {  	[smem:$0x3F9E] =	sst s1  }
0xa: {  	[smem:$0x3F9F] =	sst s2  }
0xb: {  	[smem:$0x3FA0] =	sst s3  }
0xc: {  	[smem:$0x3FA1] =	sst s4  }
0xd: {  	[smem:$0x3FA2] =	sst s5  }
0xe: {  	[smem:$0x3FA3] =	sst s6  }
0xf: {  	[smem:$0x3FA4] =	sst s7  }
0x10: {  	[smem:$0x3FA5] =	sst s8  }
0x11: {  	[smem:$0x3FA6] =	sst s9;
	s0 =	simm.s32 @!p0 $0x0  }
0x12: {  	s1 =	sld [smem:$0x3F8C];
	s0 =	simm.s32 @p0 $0x1  }
0x13: {  	[smem:$0x3FA7] =	sst s0;
	s0 =	simm.s32 @!p1 $0x0  }
0x14: {  	s2 =	sld [smem:$0x3F8B];
	s0 =	simm.s32 @p1 $0x1  }
0x15: {  	[smem:$0x3FA8] =	sst s0;
	s0 =	simm.s32 @!p2 $0x0  }
0x16: {  	s3 =	sld [smem:$0x3FDB];
	s0 =	simm.s32 @p2 $0x1  }
0x17: {  	s4 =	simm.s32 $0x1BF5;
	[smem:$0x3FAA] =	sst s0  }
0x18: {  	s0 =	sld [smem:$0x3F8D];
	_ =	swait.ge [sflag:s4], $0x0  }
0x19: {  	s7 =	sld [smem:$0x3F8E]  }
0x1a: {  	s8 =	sadd.s32 $0xFFFFE003, lr  }
0x1b: {  	s9 =	sadd.s32 $0xFFFFFEF7, lr;
	s5 =	simm.s32 $0xFFFFFFFF;
	p2 =	slt.u32 s8, $0xFFFFF086  }
0x1c: {  	p1 =	slt.u32 s9, $0xF7A;
	s5 =	simm.s32 @!p2 $0x0  }
0x1d: {  	s5 =	simm.s32 @p1 $0x1;
	p0 =	seq.s32 s7, s2  }
0x1e: {  	s7 =	smul.u32 @!p0 $0xF7A, s2;
	p2 =	seq.s32 @!p0 s5, $0x0  }
0x1f: {  	s9 =	smul.u32 $0xF7A, s1;
	s8 =	simm.s32 @!p0 $0x1BF5;
	p2 =	por !p2, p0  }
0x20: {  	[sflag:s8] =	ssyncset.s32 @!p0 $0xFFFFF086;
	s6 =	sadd.s32 @!p0 s3, s7;
	s7 =	simm.s32 @!p0 $0x108  }
0x21: {  	s3 =	sadd.s32 s3, s9;
	s6 =	sadd.s32 @!p0 $0x88, s6;
	s7 =	simm.s32 @p2 $0x1082  }
0x22: {  	[simem:s7], [sflag:s8] =	dma.local @!p0 [hbm:s6], $0xF7A  }
0x23: {  	s9 =	sor.u32 $0xD0000000, s2;
	s6 =	simm.s32 $0x108;
	_ =	swait.ge @!p0 [sflag:s8], $0x0  }
0x24: {  	s3 =	sadd.s32 $0x88, s3;
	s6 =	simm.s32 @!p1 $0x1082;
	[sflag:s4] =	ssyncset.s32 $0xFFFFF086  }
0x25: {  	[simem:s6], [sflag:s4] =	dma.local [hbm:s3], $0xF7A  }
0x26: {  	[smem:$0x3F8E] =	sst s1;
	(tag) =	ssettag s2;
	_ =	strace s9  }
0x27: {  	s1 =	sld [smem:$0x3F9E]  }
0x28: {  	s2 =	sld [smem:$0x3F9F]  }
0x29: {  	s4 =	sld [smem:$0x3FA1]  }
0x2a: {  	p0 =	seq.s32 s5, $0x0;
	s5 =	sld [smem:$0x3FA2]  }
0x2b: {  	s6 =	sld [smem:$0x3FA3]  }
0x2c: {  	s7 =	sld [smem:$0x3FA4]  }
0x2d: {  	s3 =	simm.s32 $0x108;
	s8 =	sld [smem:$0x3FA5]  }
0x2e: {  	s3 =	simm.s32 @!p0 $0x1082;
	s9 =	sld [smem:$0x3FA6]  }
0x2f: {  	lr =	sadd.s32 s0, s3;
	s0 =	sld [smem:$0x3F9D]  }
0x30: {  	s3 =	sld [smem:$0x3FA0]  }
0x31: {  	[smem:$0x3FA9] =	sst s10  }
0x32: {  	s10 =	sld [smem:$0x3FA7];
	_ =	sdelay $0x3  }
0x33: {  	p0 =	seq.s32 s10, $0x1;
	s10 =	sld [smem:$0x3FA9];
	_ =	sdelay $0x3  }
0x34: {  	[smem:$0x3FA9] =	sst s10  }
0x35: {  	s10 =	sld [smem:$0x3FA8];
	_ =	sdelay $0x3  }
0x36: {  	p1 =	seq.s32 s10, $0x1;
	s10 =	sld [smem:$0x3FA9];
	_ =	sdelay $0x3  }
0x37: {  	[smem:$0x3FA9] =	sst s10  }
0x38: {  	s10 =	sld [smem:$0x3FAA]  }
0x39: {  	_ = 	snop;
	(pc) =	sbr.ind lr, $3  }
0x3a: {  	_ = 	snop  }
0x3b: {  	_ = 	snop  }
0x3c: {  	p2 =	seq.s32 s10, $0x1;
	s10 =	sld [smem:$0x3FA9]  }
0x3d: {  	_ =	shalt  }
0x3e: {  	_ =	shalt  }
0x3f: {  	_ =	shalt  }
0x40: {  	_ =	shalt  }
0x41: {  	_ =	shalt  }
0x42: {  	_ =	shalt  }
0x43: {  	_ =	shalt  }
0x44: {  	_ =	shalt  }
0x45: {  	_ =	shalt  }
0x46: {  	_ =	shalt  }
0x47: {  	_ =	shalt  }
0x48: {  	_ =	shalt  }
0x49: {  	_ =	shalt  }
0x4a: {  	_ =	shalt  }
0x4b: {  	_ =	shalt  }
0x4c: {  	_ =	shalt  }
0x4d: {  	_ =	shalt  }
0x4e: {  	_ =	shalt  }
0x4f: {  	_ =	shalt  }
0x50: {  	_ =	shalt  }
0x51: {  	_ =	shalt  }
0x52: {  	_ =	shalt  }
0x53: {  	_ =	shalt  }
0x54: {  	_ =	shalt  }
0x55: {  	_ =	shalt  }
0x56: {  	_ =	shalt  }
0x57: {  	_ =	shalt  }
0x58: {  	_ =	shalt  }
0x59: {  	_ =	shalt  }
0x5a: {  	_ =	shalt  }
0x5b: {  	_ =	shalt  }
0x5c: {  	_ =	shalt  }
0x5d: {  	_ =	shalt  }
0x5e: {  	_ =	shalt  }
0x5f: {  	_ =	shalt  }
0x60: {  	_ =	shalt  }
0x61: {  	_ =	shalt  }
0x62: {  	_ =	shalt  }
0x63: {  	_ =	shalt  }
0x64: {  	_ =	shalt  }
0x65: {  	_ =	shalt  }
0x66: {  	_ =	shalt  }
0x67: {  	_ =	shalt  }
0x68: {  	_ =	shalt  }
0x69: {  	_ =	shalt  }
0x6a: {  	_ =	shalt  }
0x6b: {  	_ =	shalt  }
0x6c: {  	_ =	shalt  }
0x6d: {  	_ =	shalt  }
0x6e: {  	_ =	shalt  }
0x6f: {  	_ =	shalt  }
0x70: {  	_ =	shalt  }
0x71: {  	_ =	shalt  }
0x72: {  	_ =	shalt  }
0x73: {  	_ =	shalt  }
0x74: {  	_ =	shalt  }
0x75: {  	_ =	shalt  }
0x76: {  	_ =	shalt  }
0x77: {  	_ =	shalt  }
0x78: {  	_ =	shalt  }
0x79: {  	_ =	shalt  }
0x7a: {  	_ =	shalt  }
0x7b: {  	_ =	shalt  }
0x7c: {  	_ =	shalt  }
0x7d: {  	_ =	shalt  }
0x7e: {  	_ =	shalt  }
0x7f: {  	_ =	shalt  }
0x80: {  	_ =	shalt  }
0x81: {  	_ =	shalt  }
0x82: {  	_ =	shalt  }
0x83: {  	_ =	shalt  }
0x84: {  	_ =	shalt  }
0x85: {  	_ =	shalt  }
0x86: {  	_ =	shalt  }
0x87: {  	_ =	shalt  }
.Lfunc_end0:
.L_simem_size_0:
called_computation.1_lowered:
.L_overlay_start_0:
0x88: {  	s2 =	sld [smem:$0x3FD9]  }
0x89: {  	s3 =	sld [smem:$0x3FFE];
	_ =	sdelay $0x1  }
0x8a: {  	s1 =	srdreg.scid  }
0x8b: {  	s0 =	sand.u32 $0x1, s1  }
0x8c: {  	s14 =	sshll.u32 s0, $0xA;
	s2 =	sadd.s32 s3, s2  }
0x8d: {  	s2 =	sadd.s32 s2, s14  }
0x8e: {  	[smem:$0x3FB5] =	sst s2  }
0x8f: {  	_ = 	snop  }
0x90: {  	s2 =	sld [smem:$0x3FD0];
	_ =	sdelay $0x2  }
0x91: {  	s15 =	simm.s32 $0xA;
	s4 =	simm.s32 $0x10  }
0x92: {  	[smem:s4], [sflag:s15] =	dma.local [hbm:s2], $0x1  }
0x93: {  	_ =	swait.eq [sflag:s15], $0x1  }
0x94: {  	[sflag:s15] =	ssyncset.done $0x0  }
0x95: {  	s16 =	sld [smem:$0x10];
	[sflag:s15] =	ssyncadd.s32 $0xFFFFFFFF  }
0x96: {  	s17 =	sld [smem:$0x11];
	(tm) =	ssettm $0x1  }
0x97: {  	s18 =	sld [smem:$0x3FFB];
	_ =	sdelay $0x3  }
0x98: {  	_ =	strace s18  }
0x99: {  	s4 =	sld [smem:$0x3FFC];
	_ =	sdelay $0x3  }
0x9a: {  	_ =	strace s4  }
0x9b: {  	s4 =	sld [smem:$0x3FFD];
	_ =	sdelay $0x3  }
0x9c: {  	_ =	strace s4  }
0x9d: {  	_ =	strace $0x8FFFFFFF  }
0x9e: {  	s19 =	sld [smem:$0x3FDB];
	_ =	sdelay $0x1  }
0x9f: {  	s5 =	simm.s32 $_scs_section_size  }
0xa0: {  	s6 =	simm.s32 $_size__tile_overlayer_lowered;
	s7 =	simm.s32 $_tile_overlayer_lowered  }
0xa1: {  	s22 =	simm.s32 $0x1BFF;
	s21 =	sshll.u32 s7, $0x1;
	s4 =	sadd.s32 s5, s19  }
0xa2: {  	s8 =	simm.s32 $0x0;
	s20 =	sshll.u32 s6, $0x1;
	s6 =	sadd.s32 s21, s4  }
0xa3: {  	[timem:s8], [sflag:s22] =	dma.local [hbm:s6], s20  }
0xa4: {  	_ =	swait.ge [sflag:s22], s20  }
0xa5: {  	s5 =	ssub.s32 $0x0, s20;
	[sflag:s22] =	ssyncset.done $0x0  }
0xa6: {  	[sflag:s22] =	ssyncadd.s32 s5;
	_ =	sdelay $0x1  }
0xa7: {  	s23 =	simm.s32 $0x1B8B  }
0xa8: {  	_ =	swait.ge [sflag:s23], $0x1  }
0xa9: {  	[sflag:s23] =	ssyncset.done $0x0  }
0xaa: {  	s25 =	simm.s32 $0x1B8E;
	s24 =	sld [smem:$0x3FFE];
	[sflag:s23] =	ssyncadd.s32 $0xFFFFFFFF  }
0xab: {  	s26 =	simm.s32 $execute0_lowered;
	[smem:$0x3FD2] =	sst s25  }
0xac: {  	s6 =	sshll.u32 s26, $0x1;
	_ =	strace $0x80000049;
	[dreg:$0x1] =	wrdreg $0xFFFFFFFF  }
0xad: {  	s28 =	simm.s32 $_size_execute0_lowered;
	s4 =	sadd.s32 s4, s6;
	[dreg:$0x0] =	wrdreg $0x0  }
0xae: {  	s6 =	sshll.u32 s28, $0x1;
	[dreg:$0x2] =	wrdreg s4  }
0xaf: {  	[dreg:$0x3] =	wrdreg s6  }
0xb0: {  	[dreg:$0x4] =	wrdreg $0xC0  }
0xb1: {  	_ =	task [dreg:s8], $0x5FFFF  }
0xb2: {  	[dreg:$0x1] =	wrdreg $0xFFFFFFFF  }
0xb3: {  	[dreg:$0x0] =	wrdreg $0x60  }
0xb4: {  	[dreg:$0x2] =	wrdreg s24  }
0xb5: {  	[dreg:$0x3] =	wrdreg s17  }
0xb6: {  	[dreg:$0x4] =	wrdreg s16  }
0xb7: {  	[dreg:$0x5] =	wrdreg $0xA8000  }
0xb8: {  	[dreg:$0x6] =	wrdreg $0x9  }
0xb9: {  	_ =	task.clear_ibuf [dreg:s8], $0x7FFFF;
	_ =	strace $0x90000049  }
0xba: {  	s29 =	simm.s32 $0x9;
	_ =	strace $0x8000004B  }
0xbb: {  	_ =	swait.ge [sflag:s29], $0x1  }
0xbc: {  	[sflag:s29] =	ssyncadd.s32 $0xFFFFFFFF  }
0xbd: {  	_ =	strace $0x9000004B  }
0xbe: {  	_ =	sfence  }
0xbf: {  	s30 =	sld [smem:$0x0];
	_ =	sdelay $0x2  }
0xc0: {  	s31 =	sshll.u32 s1, $0xD;
	s1 =	sshrl.u32 s1, $0x2  }
0xc1: {  	s3 =	sand.u32 $0x4000, s31;
	s1 =	sadd.s32 s1, s30  }
0xc2: {  	s0 =	sor.u32 s3, s0;
	s1 =	sshll.u32 s1, $0x11  }
0xc3: {  	s0 =	sor.u32 s1, s0  }
0xc4: {  	s0 =	sadd.s32 $0x8F2B, s0  }
0xc5: {  	[sflag:s0] =	ssyncadd.remote.s32 $0x1  }
0xc6: {  	_ =	sfence.sel $0xFFFF  }
0xc7: {  	[dreg:$0x0] =	wrdreg $0xFFFFFFFF;
	(pc) =	sbr.abs _section_cstart, $3  }
0xc8: {  	[dreg:$0x1] =	wrdreg $0xFFFFFFFF  }
0xc9: {  	_ =	task.clear_ibuf [dreg:s8], $0x2FFFF;
	_ =	strace $0x9FFFFFFF  }
0xca: {  	(tm) =	ssettm $0x7FFFFFFF  }
0xcb: {  	_ =	shalt  }
tec
execute0_lowered:
.L_overlay_start_1:
0x0: {  	(tag) =	ssettag $0x1  }
0x1: {  	s0 =	rddreg [dreg:$0x0]  }
0x2: {  	s1 =	rddreg [dreg:$0x1]  }
0x3: {  	s10 =	rddreg [dreg:$0x2]  }
0x4: {  	s2 =	rddreg [dreg:$0x3];
	s3 =	simm.s32 $0x0;
	s9 =	stileid.u32  }
0x5: {  	s5 =	srdreg.scid;
	s28 =	simm.s32 $0x80;
	s4 =	smul.u32 $0x2800, s9  }
0x6: {  	s29 =	simm.s32 $0x2;
	s30 =	simm.s32 $0x2700;
	s6 =	smul.u32 $0x50000, s9  }
0x7: {  	s31 =	simm.s32 $0x2780;
	s17 =	sadd.s32 $0x53AC00, s0;
	s15 =	smul.u32 $0x28000, s9  }
0x8: {  	[smem:$0x7FF] =	sst s3;
	s19 =	sadd.s32 $0x7BAC00, s0;
	s14 =	smul.u32 $0x140000, s9  }
0x9: {  	s18 =	sshll.u32 s9, $0x6;
	p4 =	sne.s32 s9, $0xF;
	s11 =	smul.u32 $0x4F000, s9  }
0xa: {  	p1 =	seq.s32 s9, $0xF;
	s13 =	smul.u32 $0x2780, s9;
	s9 =	sadd.s32 $0x128400, s2  }
0xb: {  	s20 =	sand.u32 $0x1, s5;
	s23 =	sadd.s32 $0x25080, s1;
	_ =	strace $0x8000004A  }
0xc: {  	s5 =	ssub.s32 $0x2, s20;
	p2 =	seq.s32 s20, $0x0;
	p0 =	seq.s32 s20, $0x1  }
0xd: {  	[dreg:$0x5] =	wrdreg s23;
	s23 =	simm.s32 $0x3;
	s4 =	sshrl.u32 s4, $0x3  }
0xe: {  	s8 =	sshrl.u32 s5, $0x1;
	s16 =	sshrl.u32 s6, $0x2;
	s21 =	sadd.s32 s17, s15  }
0xf: {  	s12 =	sadd.s32 s19, s15;
	p3 =	por !p2, !p4;
	p5 =	por !p2, !p1  }
0x10: {  	s11 =	sshrl.u32 s11, $0x2;
	s1 =	sadd.s32 s1, s13;
	p4 =	por !p4, !p0  }
0x11: {  	s13 =	sadd.s32 s10, s13;
	s24 =	sshrl.u32 s14, $0x3;
	s14 =	sadd.s32 $0x25080, s10  }
0x12: {  	s25 =	sadd.s32 $0x27800, s15;
	s7 =	sadd.s32 s4, s0;
	s4 =	sadd.s32 $0x4A00, s0  }
0x13: {  	s26 =	ssub.s32 s5, s8;
	s22 =	sadd.s32 s16, s2;
	s5 =	sor.u32 $0x1C03, s18  }
0x14: {  	p2 =	por !p3, !p3;
	p3 =	por !p5, !p5;
	s11 =	sadd.s32 s11, s2  }
0x15: {  	[dreg:$0x6] =	wrdreg s1;
	p4 =	por !p4, !p4;
	s1 =	sadd.s32 $0x27800, s24  }
0x16: {  	s18 =	sadd.s32 s19, s25;
	s10 =	sadd.s32 $0x800, s21;
	s16 =	smov.u32 s12  }
0x17: {  	p5 =	sne.s32 s20, $0x0;
	s24 =	simm.s32 $0x2800;
	s0 =	simm.s32 $0x0  }
.Ltmp0:
0x18: {  	s6 =	sadd.s32 $0x9A00, s7;
	s8 =	simm.s32 @!p3 $0x0;
	(pc) =	sbr.rel .LBB2_1-.Ltmp0, $4  }
0x19: {  	s15 =	smax.u32 s26, $0x1;
	s26 =	sadd.s32 s17, s25;
	s17 =	sadd.s32 s17, s1  }
0x1a: {  	s19 =	sadd.s32 s19, s1;
	s22 =	sshrl.u32 s22, $0x3;
	s25 =	simm.s32 $0x1  }
0x1b: {  	s8 =	simm.s32 @p3 $0x1;
	[dreg:$0x7] =	wrdreg s26;
	s26 =	simm.s32 $0x6800  }
0x1c: {  	[smem:$0x7FD] =	sst s8;
	s8 =	smov.u32 s21;
	s21 =	sadd.s32 $0x800, s12  }
.LBB2_13:
0x1d: {  	s1 =	sshrl.u32 s9, $0x3;
	s7 =	rddreg [dreg:$0x5]  }
0x1e: {  	[hbm:s7], [sflag:s5] =	dma.local [spmem:s1], $0x2080  }
0x1f: {  	_ =	swait.ge [sflag:s23], $0x2080  }
0x20: {  	[sflag:s23] =	ssyncset.done $0x0  }
0x21: {  	p6 =	por $0x1, $0x1;
	[sflag:s23] =	ssyncadd.s32 $0xFFFFDF80  }
.LBB2_14:
0x22: {  	p6 =	por !p6, !p0  }
0x23: {  	s0 =	sadd.s32 $0x1, s0;
	p6 =	por !p6, !p6  }
0x24: {  	p3 =	sne.s32 s0, s15;
	s1 =	sshrl.u32 @p6 s9, $0x3  }
0x25: {  	[hbm:s14], [sflag:s5] =	dma.local @p6 [spmem:s1], $0x2080  }
.Ltmp1:
0x26: {  	_ = 	snop;
	(pc) =	sbr.rel @!p3 .LBB2_15-.Ltmp1, $4  }
0x27: {  	s1 =	simm.s32 @p6 $0x3  }
0x28: {  	_ =	swait.ge @p6 [sflag:s1], $0x2080  }
0x29: {  	[sflag:s1] =	ssyncset.done @p6 $0x0  }
0x2a: {  	[sflag:s1] =	ssyncadd.s32 @p6 $0xFFFFDF80  }
.LBB2_1:
0x2b: {  	[spmem:s22], [sflag:s5] =	dma.local [hbm:s4], $0x2800  }
0x2c: {  	_ =	swait.ge [sflag:s23], $0x2800  }
0x2d: {  	[sflag:s23] =	ssyncset.done $0x0  }
0x2e: {  	[sflag:s23] =	ssyncadd.s32 $0xFFFFD800  }
0x2f: {  	[tilespmem:s3], [sflag:$0x3] =	stream.linear.gather [hbm4b:s6+s3], $0x2800, $0x38;
	[tilespmem:$0x1E800] =	vst v63  }
.Ltmp2:
0x30: {  	_ =	swait.ge [sflag:s23], $0x2800;
	(pc) =	sbr.rel @p5 .LBB2_5-.Ltmp2, $3  }
0x31: {  	[sflag:s23] =	ssyncset.done $0x0  }
0x32: {  	[sflag:s23] =	ssyncadd.s32 $0xFFFFD800  }
0x33: {  	[bflag:$0x0] =	sbarrier.arrive $0xFFFF;
	_ =	sdelay $0x1  }
0x34: {  	s1 =	simm.s32 $0x0  }
0x35: {  	[tilespmem:s24], [sflag:$0x1] =	stream.linear.gather [hbm4b:s8+s1], $0x4000, $0x38;
	[tilespmem:$0x1E800] =	vst v63  }
0x36: {  	_ =	swait.ge [sflag:s25], $0x4000  }
0x37: {  	[sflag:s25] =	ssyncset.done $0x0  }
0x38: {  	[sflag:s25] =	ssyncadd.s32 $0xFFFFC000  }
0x39: {  	[tilespmem:s26], [sflag:$0x2] =	stream.linear.gather [hbm4b:s10+s3], $0x4000, $0x38;
	[tilespmem:$0x1E800] =	vst v63  }
0x3a: {  	s7 =	simm.s32 $0x0  }
0x3b: {  	[spmem:s2] =	stream.indirect.scatter.add.f32 [tilespmem:s24], [sflag:$0x3], $0x80, s7, s28, $0xb8;
	[tilespmem:$0x1E800] =	vst v63  }
0x3c: {  	_ =	swait.ge [sflag:s23], $0x4000  }
0x3d: {  	[sflag:s23] =	ssyncset.done $0x0  }
0x3e: {  	[sflag:s23] =	ssyncadd.s32 $0xFFFFC000  }
0x3f: {  	_ =	swait.ge [sflag:s29], $0x4000  }
0x40: {  	[sflag:s29] =	ssyncset.done $0x0  }
0x41: {  	s12 =	sadd.s32 $0x800, s10;
	[sflag:s29] =	ssyncadd.s32 $0xFFFFC000  }
0x42: {  	[tilespmem:s24], [sflag:$0x1] =	stream.linear.gather [hbm4b:s12+s3], $0x4000, $0x38;
	[tilespmem:$0x1E800] =	vst v63  }
0x43: {  	s20 =	simm.s32 $0x80  }
0x44: {  	[spmem:s2] =	stream.indirect.scatter.add.f32 [tilespmem:s26], [sflag:$0x3], $0x80, s20, s28, $0xb8;
	[tilespmem:$0x1E800] =	vst v63  }
0x45: {  	_ =	swait.ge [sflag:s23], $0x4000  }
0x46: {  	s1 =	simm.s32 $0x400;
	s20 =	smov.u32 s10;
	[sflag:s23] =	ssyncset.done $0x0  }
.LBB2_3:
0x47: {  	p6 =	sne.s32 s1, $0x9800;
	[sflag:s23] =	ssyncadd.s32 $0xFFFFC000;
	s20 =	sadd.s32 $0x1000, s20  }
0x48: {  	s12 =	smov.u32 s1;
	s1 =	sadd.s32 $0x400, s1  }
0x49: {  	_ =	swait.ge [sflag:s25], $0x4000  }
0x4a: {  	[sflag:s25] =	ssyncset.done $0x0  }
0x4b: {  	[sflag:s25] =	ssyncadd.s32 $0xFFFFC000  }
0x4c: {  	[tilespmem:s26], [sflag:$0x2] =	stream.linear.gather [hbm4b:s20+s3], $0x4000, $0x38;
	[tilespmem:$0x1E800] =	vst v63  }
0x4d: {  	s12 =	sshra.s32 s12, $0x2  }
0x4e: {  	[spmem:s2] =	stream.indirect.scatter.add.f32 [tilespmem:s24], [sflag:$0x3], $0x80, s12, s28, $0xb8;
	[tilespmem:$0x1E800] =	vst v63  }
0x4f: {  	_ =	swait.ge [sflag:s23], $0x4000  }
0x50: {  	[sflag:s23] =	ssyncset.done $0x0  }
0x51: {  	[sflag:s23] =	ssyncadd.s32 $0xFFFFC000  }
0x52: {  	_ =	swait.ge [sflag:s29], $0x4000  }
0x53: {  	[sflag:s29] =	ssyncset.done $0x0  }
0x54: {  	s7 =	sadd.s32 $0x800, s20;
	[sflag:s29] =	ssyncadd.s32 $0xFFFFC000  }
0x55: {  	[tilespmem:s24], [sflag:$0x1] =	stream.linear.gather [hbm4b:s7+s3], $0x4000, $0x38;
	[tilespmem:$0x1E800] =	vst v63  }
.Ltmp3:
0x56: {  	_ = 	snop;
	(pc) =	sbr.rel @p6 .LBB2_3-.Ltmp3, $4  }
0x57: {  	s7 =	sadd.s32 $0x80, s12  }
0x58: {  	[spmem:s2] =	stream.indirect.scatter.add.f32 [tilespmem:s26], [sflag:$0x3], $0x80, s7, s28, $0xb8;
	[tilespmem:$0x1E800] =	vst v63  }
0x59: {  	_ =	swait.ge [sflag:s23], $0x4000  }
0x5a: {  	[sflag:s23] =	ssyncset.done $0x0  }
0x5b: {  	[sflag:s23] =	ssyncadd.s32 $0xFFFFC000  }
0x5c: {  	_ =	swait.ge [sflag:s25], $0x4000  }
0x5d: {  	[sflag:s25] =	ssyncset.done $0x0  }
0x5e: {  	s1 =	rddreg [dreg:$0x7];
	[sflag:s25] =	ssyncadd.s32 $0xFFFFC000  }
0x5f: {  	[tilespmem:s26], [sflag:$0x2] =	stream.linear.gather [hbm4b:s1+s3], $0x4000, $0x38;
	[tilespmem:$0x1E800] =	vst v63  }
0x60: {  	_ = 	snop  }
0x61: {  	[spmem:s2] =	stream.indirect.scatter.add.f32 [tilespmem:s24], [sflag:$0x3], $0x80, s30, s28, $0xb8;
	[tilespmem:$0x1E800] =	vst v63  }
0x62: {  	_ =	swait.ge [sflag:s23], $0x4000  }
0x63: {  	[sflag:s23] =	ssyncset.done $0x0  }
0x64: {  	[sflag:s23] =	ssyncadd.s32 $0xFFFFC000  }
0x65: {  	_ =	swait.ge [sflag:s29], $0x4000  }
0x66: {  	[sflag:s29] =	ssyncset.done $0x0  }
0x67: {  	[sflag:s29] =	ssyncadd.s32 $0xFFFFC000  }
0x68: {  	[tilespmem:s24], [sflag:$0x1] =	stream.linear.gather [hbm4b:s17+s3], $0x4000, $0x38;
	[tilespmem:$0x1E800] =	vst v63  }
0x69: {  	_ = 	snop  }
0x6a: {  	[spmem:s2] =	stream.indirect.scatter.add.f32 [tilespmem:s26], [sflag:$0x3], $0x80, s31, s28, $0xb8;
	[tilespmem:$0x1E800] =	vst v63  }
0x6b: {  	_ =	swait.ge [sflag:s23], $0x4000  }
0x6c: {  	[sflag:s23] =	ssyncset.done $0x0  }
0x6d: {  	[sflag:s23] =	ssyncadd.s32 $0xFFFFC000  }
0x6e: {  	_ =	swait.ge [sflag:s25], $0x4000  }
0x6f: {  	[sflag:s25] =	ssyncset.done $0x0  }
0x70: {  	[sflag:s25] =	ssyncadd.s32 $0xFFFFC000  }
.LBB2_5:
.Ltmp4:
0x71: {  	(pc) =	sbr.rel @!p0 .LBB2_9-.Ltmp4, $1  }
0x72: {  	_ =	sdelay $0x3  }
0x73: {  	s1 =	simm.s32 $0x0  }
0x74: {  	[tilespmem:s24], [sflag:$0x1] =	stream.linear.gather [hbm4b:s16+s1], $0x4000, $0x38;
	[tilespmem:$0x1E800] =	vst v63  }
0x75: {  	_ =	swait.ge [sflag:s25], $0x4000  }
0x76: {  	[sflag:s25] =	ssyncset.done $0x0  }
0x77: {  	[sflag:s25] =	ssyncadd.s32 $0xFFFFC000  }
0x78: {  	[tilespmem:s26], [sflag:$0x2] =	stream.linear.gather [hbm4b:s21+s3], $0x4000, $0x38;
	[tilespmem:$0x1E800] =	vst v63  }
0x79: {  	s7 =	simm.s32 $0x0  }
0x7a: {  	[spmem:s2] =	stream.indirect.scatter.add.f32 [tilespmem:s24], [sflag:$0x3], $0x80, s7, s28, $0xb8;
	[tilespmem:$0x1E800] =	vst v63  }
0x7b: {  	_ =	swait.ge [sflag:s23], $0x4000  }
0x7c: {  	[sflag:s23] =	ssyncset.done $0x0  }
0x7d: {  	[sflag:s23] =	ssyncadd.s32 $0xFFFFC000  }
0x7e: {  	_ =	swait.ge [sflag:s29], $0x4000  }
0x7f: {  	[sflag:s29] =	ssyncset.done $0x0  }
0x80: {  	s12 =	sadd.s32 $0x800, s21;
	[sflag:s29] =	ssyncadd.s32 $0xFFFFC000  }
0x81: {  	[tilespmem:s24], [sflag:$0x1] =	stream.linear.gather [hbm4b:s12+s3], $0x4000, $0x38;
	[tilespmem:$0x1E800] =	vst v63  }
0x82: {  	s20 =	simm.s32 $0x80  }
0x83: {  	[spmem:s2] =	stream.indirect.scatter.add.f32 [tilespmem:s26], [sflag:$0x3], $0x80, s20, s28, $0xb8;
	[tilespmem:$0x1E800] =	vst v63  }
0x84: {  	_ =	swait.ge [sflag:s23], $0x4000  }
0x85: {  	s1 =	simm.s32 $0x400;
	s20 =	smov.u32 s21;
	[sflag:s23] =	ssyncset.done $0x0  }
.LBB2_7:
0x86: {  	p6 =	sne.s32 s1, $0x9800;
	[sflag:s23] =	ssyncadd.s32 $0xFFFFC000;
	s20 =	sadd.s32 $0x1000, s20  }
0x87: {  	s7 =	smov.u32 s1;
	s1 =	sadd.s32 $0x400, s1  }
0x88: {  	_ =	swait.ge [sflag:s25], $0x4000  }
0x89: {  	[sflag:s25] =	ssyncset.done $0x0  }
0x8a: {  	[sflag:s25] =	ssyncadd.s32 $0xFFFFC000  }
0x8b: {  	[tilespmem:s26], [sflag:$0x2] =	stream.linear.gather [hbm4b:s20+s3], $0x4000, $0x38;
	[tilespmem:$0x1E800] =	vst v63  }
0x8c: {  	s7 =	sshra.s32 s7, $0x2  }
0x8d: {  	[spmem:s2] =	stream.indirect.scatter.add.f32 [tilespmem:s24], [sflag:$0x3], $0x80, s7, s28, $0xb8;
	[tilespmem:$0x1E800] =	vst v63  }
0x8e: {  	_ =	swait.ge [sflag:s23], $0x4000  }
0x8f: {  	[sflag:s23] =	ssyncset.done $0x0  }
0x90: {  	[sflag:s23] =	ssyncadd.s32 $0xFFFFC000  }
0x91: {  	_ =	swait.ge [sflag:s29], $0x4000  }
0x92: {  	[sflag:s29] =	ssyncset.done $0x0  }
0x93: {  	s12 =	sadd.s32 $0x800, s20;
	[sflag:s29] =	ssyncadd.s32 $0xFFFFC000  }
0x94: {  	[tilespmem:s24], [sflag:$0x1] =	stream.linear.gather [hbm4b:s12+s3], $0x4000, $0x38;
	[tilespmem:$0x1E800] =	vst v63  }
.Ltmp5:
0x95: {  	_ = 	snop;
	(pc) =	sbr.rel @p6 .LBB2_7-.Ltmp5, $4  }
0x96: {  	s7 =	sadd.s32 $0x80, s7  }
0x97: {  	[spmem:s2] =	stream.indirect.scatter.add.f32 [tilespmem:s26], [sflag:$0x3], $0x80, s7, s28, $0xb8;
	[tilespmem:$0x1E800] =	vst v63  }
0x98: {  	_ =	swait.ge [sflag:s23], $0x4000  }
0x99: {  	[sflag:s23] =	ssyncset.done $0x0  }
0x9a: {  	[sflag:s23] =	ssyncadd.s32 $0xFFFFC000  }
0x9b: {  	_ =	swait.ge [sflag:s25], $0x4000  }
0x9c: {  	[sflag:s25] =	ssyncset.done $0x0  }
0x9d: {  	[sflag:s25] =	ssyncadd.s32 $0xFFFFC000  }
0x9e: {  	[tilespmem:s26], [sflag:$0x2] =	stream.linear.gather [hbm4b:s18+s3], $0x4000, $0x38;
	[tilespmem:$0x1E800] =	vst v63  }
0x9f: {  	_ = 	snop  }
0xa0: {  	[spmem:s2] =	stream.indirect.scatter.add.f32 [tilespmem:s24], [sflag:$0x3], $0x80, s30, s28, $0xb8;
	[tilespmem:$0x1E800] =	vst v63  }
0xa1: {  	_ =	swait.ge [sflag:s23], $0x4000  }
0xa2: {  	[sflag:s23] =	ssyncset.done $0x0  }
0xa3: {  	[sflag:s23] =	ssyncadd.s32 $0xFFFFC000  }
0xa4: {  	_ =	swait.ge [sflag:s29], $0x4000  }
0xa5: {  	[sflag:s29] =	ssyncset.done $0x0  }
0xa6: {  	[sflag:s29] =	ssyncadd.s32 $0xFFFFC000  }
0xa7: {  	[tilespmem:s24], [sflag:$0x1] =	stream.linear.gather [hbm4b:s19+s3], $0x4000, $0x38;
	[tilespmem:$0x1E800] =	vst v63  }
0xa8: {  	_ = 	snop  }
0xa9: {  	[spmem:s2] =	stream.indirect.scatter.add.f32 [tilespmem:s26], [sflag:$0x3], $0x80, s31, s28, $0xb8;
	[tilespmem:$0x1E800] =	vst v63  }
0xaa: {  	_ =	swait.ge [sflag:s23], $0x4000  }
0xab: {  	[sflag:s23] =	ssyncset.done $0x0  }
0xac: {  	[sflag:s23] =	ssyncadd.s32 $0xFFFFC000  }
0xad: {  	_ =	swait.ge [sflag:s25], $0x4000  }
0xae: {  	[sflag:s25] =	ssyncset.done $0x0  }
0xaf: {  	[sflag:s25] =	ssyncadd.s32 $0xFFFFC000  }
.LBB2_9:
.Ltmp6:
0xb0: {  	(pc) =	sbr.rel @!p2 .LBB2_12-.Ltmp6, $2  }
0xb1: {  	_ =	sdelay $0x1  }
0xb2: {  	[bflag:$0x0] =	sbarrier.arrive $0xFFFF;
	_ =	sdelay $0x1  }
.Ltmp7:
0xb3: {  	s1 =	sshrl.u32 s11, $0x3;
	s7 =	rddreg [dreg:$0x6];
	(pc) =	sbr.rel .LBB2_11-.Ltmp7, $4  }
0xb4: {  	[hbm:s7], [sflag:s5] =	dma.local [spmem:s1], $0x2780  }
0xb5: {  	_ =	swait.ge [sflag:s23], $0x2780  }
0xb6: {  	[sflag:s23] =	ssyncset.done $0x0  }
0xb7: {  	p6 =	por $0x0, $0x0;
	[sflag:s23] =	ssyncadd.s32 $0xFFFFD880  }
.LBB2_12:
0xb8: {  	s1 =	sld [smem:$0x7FD];
	_ =	sdelay $0x2  }
0xb9: {  	p3 =	seq.s32 s1, $0x1  }
.Ltmp8:
0xba: {  	_ = 	snop;
	(pc) =	sbr.rel @p3 .LBB2_13-.Ltmp8, $2  }
0xbb: {  	_ =	sdelay $0x2  }
0xbc: {  	p6 =	por p1, p1  }
.LBB2_11:
0xbd: {  	s1 =	sshrl.u32 @p4 s11, $0x3  }
0xbe: {  	[hbm:s13], [sflag:s5] =	dma.local @p4 [spmem:s1], $0x2780  }
.Ltmp9:
0xbf: {  	_ = 	snop;
	(pc) =	sbr.rel .LBB2_14-.Ltmp9, $4  }
0xc0: {  	s1 =	simm.s32 @p4 $0x3  }
0xc1: {  	_ =	swait.ge @p4 [sflag:s1], $0x2780  }
0xc2: {  	[sflag:s1] =	ssyncset.done @p4 $0x0  }
0xc3: {  	[sflag:s1] =	ssyncadd.s32 @p4 $0xFFFFD880  }
.LBB2_15:
0xc4: {  	_ =	sfence.sel $0x180000  }
0xc5: {  	[bflag:$0x0] =	sbarrier.arrive $0xFFFF  }
0xc6: {  	_ =	strace $0x9000004A  }
0xc7: {  	s0 =	stileid.u32;
	[bflag:$0x2] =	sbarrier.arrive $0xFFFF  }
0xc8: {  	p0 =	sne.s32 s0, $0x0;
	s0 =	rddreg [dreg:$0x4]  }
0xc9: {  	s0 =	sadd.s32 @!p0 $0x100000, s0  }
0xca: {  	[sflag:s0] =	ssyncadd.tile.s32 @!p0 $0x1;
	_ =	shalt  }
.Lfunc_end2:
_tile_overlayer_lowered:
.L_overlay_start_2:
0xcb: {  	(tag) =	ssettag $0x2  }
0xcc: {  	s0 =	rddreg [dreg:$0x0];
	s2 =	stileid.u32  }
0xcd: {  	s1 =	rddreg [dreg:$0x1];
	p0 =	sne.s32 s2, $0x0  }
0xce: {  	s3 =	rddreg [dreg:$0x2];
	[bflag:$0x3] =	sbarrier.arrive $0xFFFF;
	s2 =	simm.s32 @!p0 $0x1C03  }
0xcf: {  	[timem:s3], [sflag:s2] =	dma.local @!p0 [hbm:s0], s1  }
0xd0: {  	s0 =	simm.s32 @!p0 $0x3  }
0xd1: {  	_ =	swait.ge @!p0 [sflag:s0], s1  }
0xd2: {  	s1 =	ssub.s32 @!p0 $0x0, s1;
	[sflag:s0] =	ssyncset.done @!p0 $0x0  }
0xd3: {  	[sflag:s0] =	ssyncadd.s32 @!p0 s1  }
0xd4: {  	[bflag:$0x3] =	sbarrier.arrive $0xFFFF  }
0xd5: {  	_ =	shalt  }

// kernel: kernel.16.cloned.1.call-start
scs
__scs_entry_jumppad:
0x0: {  	(pc) =	sbr.rel $0x88, $3  }
0x1: {  	(tag) =	ssettag $0x0;
	lr =	simm.s32 $0x1  }
0x2: {  	[smem:$0x3F8E] =	sst lr;
	_ =	strace $0xD0000000  }
0x3: {  	_ = 	snop  }
0x4: {  	_ = 	snop  }
0x5: {  	_ = 	snop  }
0x6: {  	_ = 	snop  }
0x7: {  	_ = 	snop  }
__scs_overlays_trampoline_lowered:
0x8: {  	[smem:$0x3F9D] =	sst s0  }
0x9: {  	[smem:$0x3F9E] =	sst s1  }
0xa: {  	[smem:$0x3F9F] =	sst s2  }
0xb: {  	[smem:$0x3FA0] =	sst s3  }
0xc: {  	[smem:$0x3FA1] =	sst s4  }
0xd: {  	[smem:$0x3FA2] =	sst s5  }
0xe: {  	[smem:$0x3FA3] =	sst s6  }
0xf: {  	[smem:$0x3FA4] =	sst s7  }
0x10: {  	[smem:$0x3FA5] =	sst s8  }
0x11: {  	[smem:$0x3FA6] =	sst s9;
	s0 =	simm.s32 @!p0 $0x0  }
0x12: {  	s1 =	sld [smem:$0x3F8C];
	s0 =	simm.s32 @p0 $0x1  }
0x13: {  	[smem:$0x3FA7] =	sst s0;
	s0 =	simm.s32 @!p1 $0x0  }
0x14: {  	s2 =	sld [smem:$0x3F8B];
	s0 =	simm.s32 @p1 $0x1  }
0x15: {  	[smem:$0x3FA8] =	sst s0;
	s0 =	simm.s32 @!p2 $0x0  }
0x16: {  	s3 =	sld [smem:$0x3FDB];
	s0 =	simm.s32 @p2 $0x1  }
0x17: {  	s4 =	simm.s32 $0x1BF5;
	[smem:$0x3FAA] =	sst s0  }
0x18: {  	s0 =	sld [smem:$0x3F8D];
	_ =	swait.ge [sflag:s4], $0x0  }
0x19: {  	s7 =	sld [smem:$0x3F8E]  }
0x1a: {  	s8 =	sadd.s32 $0xFFFFE003, lr  }
0x1b: {  	s9 =	sadd.s32 $0xFFFFFEF7, lr;
	s5 =	simm.s32 $0xFFFFFFFF;
	p2 =	slt.u32 s8, $0xFFFFF086  }
0x1c: {  	p1 =	slt.u32 s9, $0xF7A;
	s5 =	simm.s32 @!p2 $0x0  }
0x1d: {  	s5 =	simm.s32 @p1 $0x1;
	p0 =	seq.s32 s7, s2  }
0x1e: {  	s7 =	smul.u32 @!p0 $0xF7A, s2;
	p2 =	seq.s32 @!p0 s5, $0x0  }
0x1f: {  	s9 =	smul.u32 $0xF7A, s1;
	s8 =	simm.s32 @!p0 $0x1BF5;
	p2 =	por !p2, p0  }
0x20: {  	[sflag:s8] =	ssyncset.s32 @!p0 $0xFFFFF086;
	s6 =	sadd.s32 @!p0 s3, s7;
	s7 =	simm.s32 @!p0 $0x108  }
0x21: {  	s3 =	sadd.s32 s3, s9;
	s6 =	sadd.s32 @!p0 $0x88, s6;
	s7 =	simm.s32 @p2 $0x1082  }
0x22: {  	[simem:s7], [sflag:s8] =	dma.local @!p0 [hbm:s6], $0xF7A  }
0x23: {  	s9 =	sor.u32 $0xD0000000, s2;
	s6 =	simm.s32 $0x108;
	_ =	swait.ge @!p0 [sflag:s8], $0x0  }
0x24: {  	s3 =	sadd.s32 $0x88, s3;
	s6 =	simm.s32 @!p1 $0x1082;
	[sflag:s4] =	ssyncset.s32 $0xFFFFF086  }
0x25: {  	[simem:s6], [sflag:s4] =	dma.local [hbm:s3], $0xF7A  }
0x26: {  	[smem:$0x3F8E] =	sst s1;
	(tag) =	ssettag s2;
	_ =	strace s9  }
0x27: {  	s1 =	sld [smem:$0x3F9E]  }
0x28: {  	s2 =	sld [smem:$0x3F9F]  }
0x29: {  	s4 =	sld [smem:$0x3FA1]  }
0x2a: {  	p0 =	seq.s32 s5, $0x0;
	s5 =	sld [smem:$0x3FA2]  }
0x2b: {  	s6 =	sld [smem:$0x3FA3]  }
0x2c: {  	s7 =	sld [smem:$0x3FA4]  }
0x2d: {  	s3 =	simm.s32 $0x108;
	s8 =	sld [smem:$0x3FA5]  }
0x2e: {  	s3 =	simm.s32 @!p0 $0x1082;
	s9 =	sld [smem:$0x3FA6]  }
0x2f: {  	lr =	sadd.s32 s0, s3;
	s0 =	sld [smem:$0x3F9D]  }
0x30: {  	s3 =	sld [smem:$0x3FA0]  }
0x31: {  	[smem:$0x3FA9] =	sst s10  }
0x32: {  	s10 =	sld [smem:$0x3FA7];
	_ =	sdelay $0x3  }
0x33: {  	p0 =	seq.s32 s10, $0x1;
	s10 =	sld [smem:$0x3FA9];
	_ =	sdelay $0x3  }
0x34: {  	[smem:$0x3FA9] =	sst s10  }
0x35: {  	s10 =	sld [smem:$0x3FA8];
	_ =	sdelay $0x3  }
0x36: {  	p1 =	seq.s32 s10, $0x1;
	s10 =	sld [smem:$0x3FA9];
	_ =	sdelay $0x3  }
0x37: {  	[smem:$0x3FA9] =	sst s10  }
0x38: {  	s10 =	sld [smem:$0x3FAA]  }
0x39: {  	_ = 	snop;
	(pc) =	sbr.ind lr, $3  }
0x3a: {  	_ = 	snop  }
0x3b: {  	_ = 	snop  }
0x3c: {  	p2 =	seq.s32 s10, $0x1;
	s10 =	sld [smem:$0x3FA9]  }
0x3d: {  	_ =	shalt  }
0x3e: {  	_ =	shalt  }
0x3f: {  	_ =	shalt  }
0x40: {  	_ =	shalt  }
0x41: {  	_ =	shalt  }
0x42: {  	_ =	shalt  }
0x43: {  	_ =	shalt  }
0x44: {  	_ =	shalt  }
0x45: {  	_ =	shalt  }
0x46: {  	_ =	shalt  }
0x47: {  	_ =	shalt  }
0x48: {  	_ =	shalt  }
0x49: {  	_ =	shalt  }
0x4a: {  	_ =	shalt  }
0x4b: {  	_ =	shalt  }
0x4c: {  	_ =	shalt  }
0x4d: {  	_ =	shalt  }
0x4e: {  	_ =	shalt  }
0x4f: {  	_ =	shalt  }
0x50: {  	_ =	shalt  }
0x51: {  	_ =	shalt  }
0x52: {  	_ =	shalt  }
0x53: {  	_ =	shalt  }
0x54: {  	_ =	shalt  }
0x55: {  	_ =	shalt  }
0x56: {  	_ =	shalt  }
0x57: {  	_ =	shalt  }
0x58: {  	_ =	shalt  }
0x59: {  	_ =	shalt  }
0x5a: {  	_ =	shalt  }
0x5b: {  	_ =	shalt  }
0x5c: {  	_ =	shalt  }
0x5d: {  	_ =	shalt  }
0x5e: {  	_ =	shalt  }
0x5f: {  	_ =	shalt  }
0x60: {  	_ =	shalt  }
0x61: {  	_ =	shalt  }
0x62: {  	_ =	shalt  }
0x63: {  	_ =	shalt  }
0x64: {  	_ =	shalt  }
0x65: {  	_ =	shalt  }
0x66: {  	_ =	shalt  }
0x67: {  	_ =	shalt  }
0x68: {  	_ =	shalt  }
0x69: {  	_ =	shalt  }
0x6a: {  	_ =	shalt  }
0x6b: {  	_ =	shalt  }
0x6c: {  	_ =	shalt  }
0x6d: {  	_ =	shalt  }
0x6e: {  	_ =	shalt  }
0x6f: {  	_ =	shalt  }
0x70: {  	_ =	shalt  }
0x71: {  	_ =	shalt  }
0x72: {  	_ =	shalt  }
0x73: {  	_ =	shalt  }
0x74: {  	_ =	shalt  }
0x75: {  	_ =	shalt  }
0x76: {  	_ =	shalt  }
0x77: {  	_ =	shalt  }
0x78: {  	_ =	shalt  }
0x79: {  	_ =	shalt  }
0x7a: {  	_ =	shalt  }
0x7b: {  	_ =	shalt  }
0x7c: {  	_ =	shalt  }
0x7d: {  	_ =	shalt  }
0x7e: {  	_ =	shalt  }
0x7f: {  	_ =	shalt  }
0x80: {  	_ =	shalt  }
0x81: {  	_ =	shalt  }
0x82: {  	_ =	shalt  }
0x83: {  	_ =	shalt  }
0x84: {  	_ =	shalt  }
0x85: {  	_ =	shalt  }
0x86: {  	_ =	shalt  }
0x87: {  	_ =	shalt  }
.Lfunc_end0:
.L_simem_size_0:
called_computation.2_lowered:
.L_overlay_start_0:
0x88: {  	s2 =	sld [smem:$0x3FD9]  }
0x89: {  	s3 =	sld [smem:$0x3FFE];
	_ =	sdelay $0x1  }
0x8a: {  	s1 =	srdreg.scid  }
0x8b: {  	s0 =	sand.u32 $0x1, s1  }
0x8c: {  	s14 =	sshll.u32 s0, $0xA;
	s2 =	sadd.s32 s3, s2  }
0x8d: {  	s2 =	sadd.s32 s2, s14  }
0x8e: {  	[smem:$0x3FB5] =	sst s2  }
0x8f: {  	_ = 	snop  }
0x90: {  	s2 =	sld [smem:$0x3FD0];
	_ =	sdelay $0x2  }
0x91: {  	s15 =	simm.s32 $0xA;
	s4 =	simm.s32 $0x10  }
0x92: {  	[smem:s4], [sflag:s15] =	dma.local [hbm:s2], $0x1  }
0x93: {  	_ =	swait.eq [sflag:s15], $0x1  }
0x94: {  	[sflag:s15] =	ssyncset.done $0x0  }
0x95: {  	[sflag:s15] =	ssyncadd.s32 $0xFFFFFFFF  }
0x96: {  	s16 =	sld [smem:$0x10];
	(tm) =	ssettm $0x1  }
0x97: {  	s17 =	sld [smem:$0x3FFB];
	_ =	sdelay $0x3  }
0x98: {  	_ =	strace s17  }
0x99: {  	s3 =	sld [smem:$0x3FFC];
	_ =	sdelay $0x3  }
0x9a: {  	_ =	strace s3  }
0x9b: {  	s3 =	sld [smem:$0x3FFD];
	_ =	sdelay $0x3  }
0x9c: {  	_ =	strace s3  }
0x9d: {  	_ =	strace $0x8FFFFFFF  }
0x9e: {  	s18 =	sld [smem:$0x3FDB];
	_ =	sdelay $0x1  }
0x9f: {  	s19 =	simm.s32 $_scs_section_size  }
0xa0: {  	s5 =	simm.s32 $_size__tile_overlayer_lowered;
	s6 =	simm.s32 $_tile_overlayer_lowered  }
0xa1: {  	s22 =	simm.s32 $0x1BFF;
	s21 =	sshll.u32 s6, $0x1;
	s3 =	sadd.s32 s19, s18  }
0xa2: {  	s7 =	simm.s32 $0x0;
	s20 =	sshll.u32 s5, $0x1;
	s5 =	sadd.s32 s21, s3  }
0xa3: {  	[timem:s7], [sflag:s22] =	dma.local [hbm:s5], s20  }
0xa4: {  	_ =	swait.ge [sflag:s22], s20  }
0xa5: {  	s4 =	ssub.s32 $0x0, s20;
	[sflag:s22] =	ssyncset.done $0x0  }
0xa6: {  	[sflag:s22] =	ssyncadd.s32 s4;
	_ =	sdelay $0x1  }
0xa7: {  	s23 =	simm.s32 $0x1B8B  }
0xa8: {  	_ =	swait.ge [sflag:s23], $0x1  }
0xa9: {  	[sflag:s23] =	ssyncset.done $0x0  }
0xaa: {  	s25 =	simm.s32 $0x1B8E;
	s24 =	sld [smem:$0x3FFE];
	[sflag:s23] =	ssyncadd.s32 $0xFFFFFFFF  }
0xab: {  	s26 =	simm.s32 $execute0_lowered;
	[smem:$0x3FD2] =	sst s25  }
0xac: {  	s5 =	sshll.u32 s26, $0x1;
	_ =	strace $0x8000004C;
	[dreg:$0x1] =	wrdreg $0xFFFFFFFF  }
0xad: {  	s28 =	simm.s32 $_size_execute0_lowered;
	s3 =	sadd.s32 s3, s5;
	[dreg:$0x0] =	wrdreg $0x0  }
0xae: {  	s5 =	sshll.u32 s28, $0x1;
	[dreg:$0x2] =	wrdreg s3  }
0xaf: {  	[dreg:$0x3] =	wrdreg s5  }
0xb0: {  	[dreg:$0x4] =	wrdreg $0xC0  }
0xb1: {  	_ =	task [dreg:s7], $0x5FFFF  }
0xb2: {  	[dreg:$0x1] =	wrdreg $0xFFFFFFFF  }
0xb3: {  	[dreg:$0x0] =	wrdreg $0x60  }
0xb4: {  	[dreg:$0x2] =	wrdreg s16  }
0xb5: {  	[dreg:$0x3] =	wrdreg s24  }
0xb6: {  	[dreg:$0x4] =	wrdreg $0x94000  }
0xb7: {  	[dreg:$0x5] =	wrdreg $0x9  }
0xb8: {  	_ =	task.clear_ibuf [dreg:s7], $0x6FFFF;
	_ =	strace $0x9000004C  }
0xb9: {  	s29 =	simm.s32 $0x9;
	_ =	strace $0x8000004E  }
0xba: {  	_ =	swait.ge [sflag:s29], $0x1  }
0xbb: {  	[sflag:s29] =	ssyncadd.s32 $0xFFFFFFFF  }
0xbc: {  	_ =	strace $0x9000004E  }
0xbd: {  	_ =	sfence  }
0xbe: {  	s30 =	sld [smem:$0x0];
	_ =	sdelay $0x2  }
0xbf: {  	s31 =	sshll.u32 s1, $0xD;
	s1 =	sshrl.u32 s1, $0x2  }
0xc0: {  	s3 =	sand.u32 $0x4000, s31;
	s1 =	sadd.s32 s1, s30  }
0xc1: {  	s0 =	sor.u32 s3, s0;
	s1 =	sshll.u32 s1, $0x11  }
0xc2: {  	s0 =	sor.u32 s1, s0  }
0xc3: {  	s0 =	sadd.s32 $0x8F2B, s0  }
0xc4: {  	[sflag:s0] =	ssyncadd.remote.s32 $0x1  }
0xc5: {  	_ =	sfence.sel $0xFFFF  }
0xc6: {  	[dreg:$0x0] =	wrdreg $0xFFFFFFFF;
	(pc) =	sbr.abs _section_cstart, $3  }
0xc7: {  	[dreg:$0x1] =	wrdreg $0xFFFFFFFF  }
0xc8: {  	_ =	task.clear_ibuf [dreg:s7], $0x2FFFF;
	_ =	strace $0x9FFFFFFF  }
0xc9: {  	(tm) =	ssettm $0x7FFFFFFF  }
tec
execute0_lowered:
.L_overlay_start_1:
0x0: {  	(tag) =	ssettag $0x1  }
0x1: {  	s5 =	rddreg [dreg:$0x0]  }
0x2: {  	s1 =	srdreg.scid;
	s4 =	rddreg [dreg:$0x1]  }
0x3: {  	s0 =	stileid.u32;
	s2 =	rddreg [dreg:$0x2];
	s3 =	simm.s32 $0x0  }
0x4: {  	s17 =	simm.s32 $0x1400;
	s18 =	simm.s32 $0x1;
	s19 =	simm.s32 $0x5400  }
0x5: {  	s20 =	simm.s32 $0x2;
	s21 =	simm.s32 $0x1380;
	s8 =	smul.u32 $0x4F000, s0  }
0x6: {  	s22 =	simm.s32 $0x0;
	s10 =	sand.u32 $0x1, s1;
	s9 =	smul.u32 $0x2780, s0  }
0x7: {  	s25 =	sshll.u32 s0, $0x1;
	s1 =	rddreg [dreg:$0x3];
	s15 =	smul.u32 $0x50, s0  }
0x8: {  	[smem:$0x7FF] =	sst s3;
	s11 =	sadd.s32 $0x3FC00, s4;
	s30 =	smul.u32 $0x28000, s0  }
0x9: {  	s16 =	sadd.s32 $0x128400, s2;
	p0 =	seq.s32 s0, $0xF;
	s28 =	smul.u32 $0x28, s10  }
0xa: {  	s6 =	sor.u32 s10, s25;
	s26 =	ssub.s32 $0x2, s10;
	s31 =	smul.u32 $0x14000, s10  }
0xb: {  	_ =	strace $0x8000004D;
	s7 =	smul.u32 $0x280, s6;
	s12 =	sshrl.u32 s26, $0x1  }
0xc: {  	s8 =	sshrl.u32 s8, $0x2;
	s13 =	smul.u32 $0x14000, s6;
	s12 =	ssub.s32 s26, s12  }
0xd: {  	s14 =	sadd.s32 s8, s2;
	s29 =	sadd.s32 s28, s15;
	s15 =	simm.s32 $0x3  }
0xe: {  	s7 =	sadd.s32 s7, s4;
	s4 =	sadd.s32 s5, s9;
	s5 =	sadd.s32 $0x25080, s5  }
0xf: {  	s13 =	sadd.s32 s11, s13;
	s14 =	sshrl.u32 @!p0 s14, $0x3;
	s6 =	sadd.s32 $0xEA00, s7  }
0x10: {  	s7 =	smax.u32 s12, $0x1;
	s8 =	sadd.s32 $0x13000, s13;
	s12 =	sshll.u32 s29, $0xB  }
0x11: {  	s9 =	sadd.s32 $0x13800, s13;
	s13 =	sshll.u32 @!p0 s0, $0x6;
	s12 =	sadd.s32 s12, s11  }
0x12: {  	s11 =	sadd.s32 s30, s11;
	s13 =	sor.u32 @!p0 $0x1C03, s13;
	s10 =	sadd.s32 $0x800, s12  }
0x13: {  	s11 =	sadd.s32 s31, s11;
	s12 =	sshrl.u32 @p0 s16, $0x3;
	s16 =	simm.s32 $0x80  }
.LBB2_1:
0x14: {  	s23 =	simm.s32 @p0 $0x1FC3  }
0x15: {  	[spmem:s12], [sflag:s23] =	dma.local @p0 [hbm:s5], $0x2080  }
0x16: {  	s23 =	simm.s32 @p0 $0x3  }
0x17: {  	_ =	swait.ge @p0 [sflag:s23], $0x2080  }
0x18: {  	[sflag:s23] =	ssyncset.done @p0 $0x0  }
0x19: {  	[sflag:s23] =	ssyncadd.s32 @p0 $0xFFFFDF80;
	s23 =	simm.s32 @!p0 $0x3  }
0x1a: {  	[spmem:s14], [sflag:s13] =	dma.local @!p0 [hbm:s4], $0x2780  }
0x1b: {  	_ =	swait.ge @!p0 [sflag:s23], $0x2780  }
0x1c: {  	[sflag:s23] =	ssyncset.done @!p0 $0x0  }
0x1d: {  	[sflag:s23] =	ssyncadd.s32 @!p0 $0xFFFFD880  }
0x1e: {  	[tilespmem:s3], [sflag:$0x3] =	stream.linear.gather [hbm4b:s6+s3], $0x1400, $0x38;
	[tilespmem:$0x1CC80] =	vst v63  }
0x1f: {  	_ =	swait.ge [sflag:s15], $0x1400  }
0x20: {  	[sflag:s15] =	ssyncset.done $0x0  }
0x21: {  	[sflag:s15] =	ssyncadd.s32 $0xFFFFEC00  }
0x22: {  	[bflag:$0x0] =	sbarrier.arrive $0xFFFF  }
0x23: {  	[tilespmem:s17], [sflag:$0x1] =	stream.indirect.gather [spmem:s2], $0x80, s3, s16, $0xb8;
	[tilespmem:$0x1CC80] =	vst v63  }
0x24: {  	_ =	swait.ge [sflag:s18], $0x4000  }
0x25: {  	[sflag:s18] =	ssyncset.done $0x0  }
0x26: {  	s30 =	simm.s32 $0x80;
	[sflag:s18] =	ssyncadd.s32 $0xFFFFC000  }
0x27: {  	[tilespmem:s19], [sflag:$0x2] =	stream.indirect.gather [spmem:s2], $0x80, s30, s16, $0xb8;
	[tilespmem:$0x1CC80] =	vst v63  }
0x28: {  	s31 =	sadd.s32 $0x0, s11  }
0x29: {  	[hbm4b:s31+s3] =	stream.linear.scatter [tilespmem:s17], [sflag:$0x3], $0x4000, $0x38;
	[tilespmem:$0x1CC80] =	vst v63  }
0x2a: {  	_ =	swait.ge [sflag:s15], $0x4000  }
0x2b: {  	[sflag:s15] =	ssyncset.done $0x0  }
0x2c: {  	[sflag:s15] =	ssyncadd.s32 $0xFFFFC000  }
0x2d: {  	_ =	swait.ge [sflag:s20], $0x4000  }
0x2e: {  	[sflag:s20] =	ssyncset.done $0x0  }
0x2f: {  	s23 =	simm.s32 $0x100;
	[sflag:s20] =	ssyncadd.s32 $0xFFFFC000  }
0x30: {  	[tilespmem:s17], [sflag:$0x1] =	stream.indirect.gather [spmem:s2], $0x80, s23, s16, $0xb8;
	[tilespmem:$0x1CC80] =	vst v63  }
0x31: {  	s24 =	sadd.s32 $0x0, s10  }
0x32: {  	[hbm4b:s24+s3] =	stream.linear.scatter [tilespmem:s19], [sflag:$0x3], $0x4000, $0x38;
	[tilespmem:$0x1CC80] =	vst v63  }
0x33: {  	_ =	swait.ge [sflag:s15], $0x4000  }
0x34: {  	s24 =	simm.s32 $0x1000;
	[sflag:s15] =	ssyncset.done $0x0  }
.LBB2_2:
0x35: {  	p1 =	sne.s32 s24, $0x12000;
	[sflag:s15] =	ssyncadd.s32 $0xFFFFC000;
	s23 =	sadd.s32 $0x100, s23  }
0x36: {  	s25 =	smov.u32 s24;
	s24 =	sadd.s32 $0x1000, s24  }
0x37: {  	_ =	swait.ge [sflag:s18], $0x4000  }
0x38: {  	[sflag:s18] =	ssyncset.done $0x0  }
0x39: {  	s26 =	sadd.s32 $0xFFFFFF80, s23;
	[sflag:s18] =	ssyncadd.s32 $0xFFFFC000  }
0x3a: {  	[tilespmem:s19], [sflag:$0x2] =	stream.indirect.gather [spmem:s2], $0x80, s26, s16, $0xb8;
	[tilespmem:$0x1CC80] =	vst v63  }
0x3b: {  	s26 =	sadd.s32 s25, s11  }
0x3c: {  	[hbm4b:s26+s3] =	stream.linear.scatter [tilespmem:s17], [sflag:$0x3], $0x4000, $0x38;
	[tilespmem:$0x1CC80] =	vst v63  }
0x3d: {  	_ =	swait.ge [sflag:s15], $0x4000  }
0x3e: {  	[sflag:s15] =	ssyncset.done $0x0  }
0x3f: {  	[sflag:s15] =	ssyncadd.s32 $0xFFFFC000  }
0x40: {  	_ =	swait.ge [sflag:s20], $0x4000  }
0x41: {  	[sflag:s20] =	ssyncset.done $0x0  }
0x42: {  	[sflag:s20] =	ssyncadd.s32 $0xFFFFC000  }
0x43: {  	[tilespmem:s17], [sflag:$0x1] =	stream.indirect.gather [spmem:s2], $0x80, s23, s16, $0xb8;
	[tilespmem:$0x1CC80] =	vst v63  }
.Ltmp0:
0x44: {  	_ = 	snop;
	(pc) =	sbr.rel @p1 .LBB2_2-.Ltmp0, $4  }
0x45: {  	s25 =	sadd.s32 s25, s10  }
0x46: {  	[hbm4b:s25+s3] =	stream.linear.scatter [tilespmem:s19], [sflag:$0x3], $0x4000, $0x38;
	[tilespmem:$0x1CC80] =	vst v63  }
0x47: {  	_ =	swait.ge [sflag:s15], $0x4000  }
0x48: {  	[sflag:s15] =	ssyncset.done $0x0  }
0x49: {  	[sflag:s15] =	ssyncadd.s32 $0xFFFFC000  }
0x4a: {  	_ =	swait.ge [sflag:s18], $0x4000  }
0x4b: {  	[sflag:s18] =	ssyncset.done $0x0  }
0x4c: {  	[sflag:s18] =	ssyncadd.s32 $0xFFFFC000  }
0x4d: {  	[tilespmem:s19], [sflag:$0x2] =	stream.indirect.gather [spmem:s2], $0x80, s21, s16, $0xb8;
	[tilespmem:$0x1CC80] =	vst v63  }
0x4e: {  	_ = 	snop  }
0x4f: {  	[hbm4b:s8+s3] =	stream.linear.scatter [tilespmem:s17], [sflag:$0x3], $0x4000, $0x38;
	[tilespmem:$0x1CC80] =	vst v63  }
0x50: {  	_ =	swait.ge [sflag:s15], $0x4000  }
0x51: {  	[sflag:s15] =	ssyncset.done $0x0  }
0x52: {  	[sflag:s15] =	ssyncadd.s32 $0xFFFFC000  }
0x53: {  	_ =	swait.ge [sflag:s20], $0x4000  }
0x54: {  	[sflag:s20] =	ssyncset.done $0x0  }
0x55: {  	[sflag:s20] =	ssyncadd.s32 $0xFFFFC000  }
0x56: {  	[tilespmem:s17], [sflag:$0x1] =	stream.indirect.gather [spmem:s2], $0x80, s21, s16, $0xb8;
	[tilespmem:$0x1CC80] =	vst v63  }
0x57: {  	s22 =	sadd.s32 $0x1, s22  }
0x58: {  	[hbm4b:s9+s3] =	stream.linear.scatter [tilespmem:s19], [sflag:$0x3], $0x4000, $0x38;
	[tilespmem:$0x1CC80] =	vst v63  }
0x59: {  	p1 =	sne.s32 s22, s7;
	_ =	swait.ge [sflag:s15], $0x4000  }
.Ltmp1:
0x5a: {  	[sflag:s15] =	ssyncset.done $0x0;
	(pc) =	sbr.rel @p1 .LBB2_1-.Ltmp1, $4  }
0x5b: {  	[sflag:s15] =	ssyncadd.s32 $0xFFFFC000  }
0x5c: {  	_ =	swait.ge [sflag:s18], $0x4000  }
0x5d: {  	[sflag:s18] =	ssyncset.done $0x0  }
0x5e: {  	[sflag:s18] =	ssyncadd.s32 $0xFFFFC000  }
0x5f: {  	_ =	sfence.sel $0x180000  }
0x60: {  	[bflag:$0x0] =	sbarrier.arrive $0xFFFF  }
0x61: {  	p0 =	sne.s32 s0, $0x0;
	_ =	strace $0x9000004D  }
0x62: {  	s0 =	sadd.s32 @!p0 $0x100000, s1;
	[bflag:$0x2] =	sbarrier.arrive $0xFFFF  }
0x63: {  	[sflag:s0] =	ssyncadd.tile.s32 @!p0 $0x1;
	_ =	shalt  }
.Lfunc_end2:
_tile_overlayer_lowered:
.L_overlay_start_2:
0x64: {  	(tag) =	ssettag $0x2  }
0x65: {  	s0 =	rddreg [dreg:$0x0];
	s2 =	stileid.u32  }
0x66: {  	s1 =	rddreg [dreg:$0x1];
	p0 =	sne.s32 s2, $0x0  }
0x67: {  	s3 =	rddreg [dreg:$0x2];
	[bflag:$0x3] =	sbarrier.arrive $0xFFFF;
	s2 =	simm.s32 @!p0 $0x1C03  }
0x68: {  	[timem:s3], [sflag:s2] =	dma.local @!p0 [hbm:s0], s1  }
0x69: {  	s0 =	simm.s32 @!p0 $0x3  }
0x6a: {  	_ =	swait.ge @!p0 [sflag:s0], s1  }
0x6b: {  	s1 =	ssub.s32 @!p0 $0x0, s1;
	[sflag:s0] =	ssyncset.done @!p0 $0x0  }
0x6c: {  	[sflag:s0] =	ssyncadd.s32 @!p0 s1  }
0x6d: {  	[bflag:$0x3] =	sbarrier.arrive $0xFFFF  }
0x6e: {  	_ =	shalt  }

// kernel: kernel.19.cloned.1.call-start
scs
__scs_entry_jumppad:
0x0: {  	(pc) =	sbr.rel $0x88, $3  }
0x1: {  	(tag) =	ssettag $0x0;
	lr =	simm.s32 $0x1  }
0x2: {  	[smem:$0x3F8E] =	sst lr;
	_ =	strace $0xD0000000  }
0x3: {  	_ = 	snop  }
0x4: {  	_ = 	snop  }
0x5: {  	_ = 	snop  }
0x6: {  	_ = 	snop  }
0x7: {  	_ = 	snop  }
__scs_overlays_trampoline_lowered:
0x8: {  	[smem:$0x3F9D] =	sst s0  }
0x9: {  	[smem:$0x3F9E] =	sst s1  }
0xa: {  	[smem:$0x3F9F] =	sst s2  }
0xb: {  	[smem:$0x3FA0] =	sst s3  }
0xc: {  	[smem:$0x3FA1] =	sst s4  }
0xd: {  	[smem:$0x3FA2] =	sst s5  }
0xe: {  	[smem:$0x3FA3] =	sst s6  }
0xf: {  	[smem:$0x3FA4] =	sst s7  }
0x10: {  	[smem:$0x3FA5] =	sst s8  }
0x11: {  	[smem:$0x3FA6] =	sst s9;
	s0 =	simm.s32 @!p0 $0x0  }
0x12: {  	s1 =	sld [smem:$0x3F8C];
	s0 =	simm.s32 @p0 $0x1  }
0x13: {  	[smem:$0x3FA7] =	sst s0;
	s0 =	simm.s32 @!p1 $0x0  }
0x14: {  	s2 =	sld [smem:$0x3F8B];
	s0 =	simm.s32 @p1 $0x1  }
0x15: {  	[smem:$0x3FA8] =	sst s0;
	s0 =	simm.s32 @!p2 $0x0  }
0x16: {  	s3 =	sld [smem:$0x3FDB];
	s0 =	simm.s32 @p2 $0x1  }
0x17: {  	s4 =	simm.s32 $0x1BF5;
	[smem:$0x3FAA] =	sst s0  }
0x18: {  	s0 =	sld [smem:$0x3F8D];
	_ =	swait.ge [sflag:s4], $0x0  }
0x19: {  	s7 =	sld [smem:$0x3F8E]  }
0x1a: {  	s8 =	sadd.s32 $0xFFFFE003, lr  }
0x1b: {  	s9 =	sadd.s32 $0xFFFFFEF7, lr;
	s5 =	simm.s32 $0xFFFFFFFF;
	p2 =	slt.u32 s8, $0xFFFFF086  }
0x1c: {  	p1 =	slt.u32 s9, $0xF7A;
	s5 =	simm.s32 @!p2 $0x0  }
0x1d: {  	s5 =	simm.s32 @p1 $0x1;
	p0 =	seq.s32 s7, s2  }
0x1e: {  	s7 =	smul.u32 @!p0 $0xF7A, s2;
	p2 =	seq.s32 @!p0 s5, $0x0  }
0x1f: {  	s9 =	smul.u32 $0xF7A, s1;
	s8 =	simm.s32 @!p0 $0x1BF5;
	p2 =	por !p2, p0  }
0x20: {  	[sflag:s8] =	ssyncset.s32 @!p0 $0xFFFFF086;
	s6 =	sadd.s32 @!p0 s3, s7;
	s7 =	simm.s32 @!p0 $0x108  }
0x21: {  	s3 =	sadd.s32 s3, s9;
	s6 =	sadd.s32 @!p0 $0x88, s6;
	s7 =	simm.s32 @p2 $0x1082  }
0x22: {  	[simem:s7], [sflag:s8] =	dma.local @!p0 [hbm:s6], $0xF7A  }
0x23: {  	s9 =	sor.u32 $0xD0000000, s2;
	s6 =	simm.s32 $0x108;
	_ =	swait.ge @!p0 [sflag:s8], $0x0  }
0x24: {  	s3 =	sadd.s32 $0x88, s3;
	s6 =	simm.s32 @!p1 $0x1082;
	[sflag:s4] =	ssyncset.s32 $0xFFFFF086  }
0x25: {  	[simem:s6], [sflag:s4] =	dma.local [hbm:s3], $0xF7A  }
0x26: {  	[smem:$0x3F8E] =	sst s1;
	(tag) =	ssettag s2;
	_ =	strace s9  }
0x27: {  	s1 =	sld [smem:$0x3F9E]  }
0x28: {  	s2 =	sld [smem:$0x3F9F]  }
0x29: {  	s4 =	sld [smem:$0x3FA1]  }
0x2a: {  	p0 =	seq.s32 s5, $0x0;
	s5 =	sld [smem:$0x3FA2]  }
0x2b: {  	s6 =	sld [smem:$0x3FA3]  }
0x2c: {  	s7 =	sld [smem:$0x3FA4]  }
0x2d: {  	s3 =	simm.s32 $0x108;
	s8 =	sld [smem:$0x3FA5]  }
0x2e: {  	s3 =	simm.s32 @!p0 $0x1082;
	s9 =	sld [smem:$0x3FA6]  }
0x2f: {  	lr =	sadd.s32 s0, s3;
	s0 =	sld [smem:$0x3F9D]  }
0x30: {  	s3 =	sld [smem:$0x3FA0]  }
0x31: {  	[smem:$0x3FA9] =	sst s10  }
0x32: {  	s10 =	sld [smem:$0x3FA7];
	_ =	sdelay $0x3  }
0x33: {  	p0 =	seq.s32 s10, $0x1;
	s10 =	sld [smem:$0x3FA9];
	_ =	sdelay $0x3  }
0x34: {  	[smem:$0x3FA9] =	sst s10  }
0x35: {  	s10 =	sld [smem:$0x3FA8];
	_ =	sdelay $0x3  }
0x36: {  	p1 =	seq.s32 s10, $0x1;
	s10 =	sld [smem:$0x3FA9];
	_ =	sdelay $0x3  }
0x37: {  	[smem:$0x3FA9] =	sst s10  }
0x38: {  	s10 =	sld [smem:$0x3FAA]  }
0x39: {  	_ = 	snop;
	(pc) =	sbr.ind lr, $3  }
0x3a: {  	_ = 	snop  }
0x3b: {  	_ = 	snop  }
0x3c: {  	p2 =	seq.s32 s10, $0x1;
	s10 =	sld [smem:$0x3FA9]  }
0x3d: {  	_ =	shalt  }
0x3e: {  	_ =	shalt  }
0x3f: {  	_ =	shalt  }
0x40: {  	_ =	shalt  }
0x41: {  	_ =	shalt  }
0x42: {  	_ =	shalt  }
0x43: {  	_ =	shalt  }
0x44: {  	_ =	shalt  }
0x45: {  	_ =	shalt  }
0x46: {  	_ =	shalt  }
0x47: {  	_ =	shalt  }
0x48: {  	_ =	shalt  }
0x49: {  	_ =	shalt  }
0x4a: {  	_ =	shalt  }
0x4b: {  	_ =	shalt  }
0x4c: {  	_ =	shalt  }
0x4d: {  	_ =	shalt  }
0x4e: {  	_ =	shalt  }
0x4f: {  	_ =	shalt  }
0x50: {  	_ =	shalt  }
0x51: {  	_ =	shalt  }
0x52: {  	_ =	shalt  }
0x53: {  	_ =	shalt  }
0x54: {  	_ =	shalt  }
0x55: {  	_ =	shalt  }
0x56: {  	_ =	shalt  }
0x57: {  	_ =	shalt  }
0x58: {  	_ =	shalt  }
0x59: {  	_ =	shalt  }
0x5a: {  	_ =	shalt  }
0x5b: {  	_ =	shalt  }
0x5c: {  	_ =	shalt  }
0x5d: {  	_ =	shalt  }
0x5e: {  	_ =	shalt  }
0x5f: {  	_ =	shalt  }
0x60: {  	_ =	shalt  }
0x61: {  	_ =	shalt  }
0x62: {  	_ =	shalt  }
0x63: {  	_ =	shalt  }
0x64: {  	_ =	shalt  }
0x65: {  	_ =	shalt  }
0x66: {  	_ =	shalt  }
0x67: {  	_ =	shalt  }
0x68: {  	_ =	shalt  }
0x69: {  	_ =	shalt  }
0x6a: {  	_ =	shalt  }
0x6b: {  	_ =	shalt  }
0x6c: {  	_ =	shalt  }
0x6d: {  	_ =	shalt  }
0x6e: {  	_ =	shalt  }
0x6f: {  	_ =	shalt  }
0x70: {  	_ =	shalt  }
0x71: {  	_ =	shalt  }
0x72: {  	_ =	shalt  }
0x73: {  	_ =	shalt  }
0x74: {  	_ =	shalt  }
0x75: {  	_ =	shalt  }
0x76: {  	_ =	shalt  }
0x77: {  	_ =	shalt  }
0x78: {  	_ =	shalt  }
0x79: {  	_ =	shalt  }
0x7a: {  	_ =	shalt  }
0x7b: {  	_ =	shalt  }
0x7c: {  	_ =	shalt  }
0x7d: {  	_ =	shalt  }
0x7e: {  	_ =	shalt  }
0x7f: {  	_ =	shalt  }
0x80: {  	_ =	shalt  }
0x81: {  	_ =	shalt  }
0x82: {  	_ =	shalt  }
0x83: {  	_ =	shalt  }
0x84: {  	_ =	shalt  }
0x85: {  	_ =	shalt  }
0x86: {  	_ =	shalt  }
0x87: {  	_ =	shalt  }
.Lfunc_end0:
.L_simem_size_0:
called_computation.3_lowered:
.L_overlay_start_0:
0x88: {  	s2 =	sld [smem:$0x3FD9]  }
0x89: {  	s3 =	sld [smem:$0x3FFE];
	_ =	sdelay $0x1  }
0x8a: {  	s1 =	srdreg.scid  }
0x8b: {  	s0 =	sand.u32 $0x1, s1  }
0x8c: {  	s16 =	sshll.u32 s0, $0xA;
	s2 =	sadd.s32 s3, s2  }
0x8d: {  	s2 =	sadd.s32 s2, s16  }
0x8e: {  	[smem:$0x3FB5] =	sst s2  }
0x8f: {  	_ = 	snop  }
0x90: {  	(tm) =	ssettm $0x1  }
0x91: {  	s17 =	sld [smem:$0x3FFB];
	_ =	sdelay $0x3  }
0x92: {  	_ =	strace s17  }
0x93: {  	s2 =	sld [smem:$0x3FFC];
	_ =	sdelay $0x3  }
0x94: {  	_ =	strace s2  }
0x95: {  	s2 =	sld [smem:$0x3FFD];
	_ =	sdelay $0x3  }
0x96: {  	_ =	strace s2  }
0x97: {  	_ =	strace $0x8FFFFFFF  }
0x98: {  	s18 =	sld [smem:$0x3FDB];
	_ =	sdelay $0x1  }
0x99: {  	s19 =	simm.s32 $_scs_section_size  }
0x9a: {  	s4 =	simm.s32 $_size__tile_overlayer_lowered;
	s5 =	simm.s32 $_tile_overlayer_lowered  }
0x9b: {  	s22 =	simm.s32 $0x1BFF;
	s21 =	sshll.u32 s5, $0x1;
	s2 =	sadd.s32 s19, s18  }
0x9c: {  	s6 =	simm.s32 $0x0;
	s20 =	sshll.u32 s4, $0x1;
	s4 =	sadd.s32 s21, s2  }
0x9d: {  	[timem:s6], [sflag:s22] =	dma.local [hbm:s4], s20  }
0x9e: {  	_ =	swait.ge [sflag:s22], s20  }
0x9f: {  	s3 =	ssub.s32 $0x0, s20;
	[sflag:s22] =	ssyncset.done $0x0  }
0xa0: {  	[sflag:s22] =	ssyncadd.s32 s3;
	_ =	sdelay $0x1  }
0xa1: {  	s23 =	simm.s32 $0x1B8B  }
0xa2: {  	_ =	swait.ge [sflag:s23], $0x1  }
0xa3: {  	[sflag:s23] =	ssyncset.done $0x0  }
0xa4: {  	s25 =	simm.s32 $0x1B8E;
	s24 =	sld [smem:$0x3FFE];
	[sflag:s23] =	ssyncadd.s32 $0xFFFFFFFF  }
0xa5: {  	s26 =	simm.s32 $execute0_lowered;
	[smem:$0x3FD2] =	sst s25  }
0xa6: {  	s4 =	sshll.u32 s26, $0x1;
	_ =	strace $0x8000004F;
	[dreg:$0x1] =	wrdreg $0xFFFFFFFF  }
0xa7: {  	s28 =	simm.s32 $_size_execute0_lowered;
	s2 =	sadd.s32 s2, s4;
	[dreg:$0x0] =	wrdreg $0x0  }
0xa8: {  	s4 =	sshll.u32 s28, $0x1;
	[dreg:$0x2] =	wrdreg s2  }
0xa9: {  	[dreg:$0x3] =	wrdreg s4  }
0xaa: {  	[dreg:$0x4] =	wrdreg $0xC0  }
0xab: {  	_ =	task [dreg:s6], $0x5FFFF  }
0xac: {  	[dreg:$0x1] =	wrdreg $0xFFFFFFFF  }
0xad: {  	[dreg:$0x0] =	wrdreg $0x60  }
0xae: {  	[dreg:$0x2] =	wrdreg s24  }
0xaf: {  	[dreg:$0x3] =	wrdreg $0x94000  }
0xb0: {  	[dreg:$0x4] =	wrdreg $0x9  }
0xb1: {  	_ =	task.clear_ibuf [dreg:s6], $0x5FFFF;
	_ =	strace $0x9000004F  }
0xb2: {  	s29 =	simm.s32 $0x9;
	_ =	strace $0x80000051  }
0xb3: {  	_ =	swait.ge [sflag:s29], $0x1  }
0xb4: {  	[sflag:s29] =	ssyncadd.s32 $0xFFFFFFFF  }
0xb5: {  	_ =	strace $0x90000051  }
0xb6: {  	_ =	sfence  }
0xb7: {  	s30 =	sld [smem:$0x0];
	_ =	sdelay $0x2  }
0xb8: {  	s31 =	sshll.u32 s1, $0xD;
	s1 =	sshrl.u32 s1, $0x2  }
0xb9: {  	s3 =	sand.u32 $0x4000, s31;
	s1 =	sadd.s32 s1, s30  }
0xba: {  	s0 =	sor.u32 s3, s0;
	s1 =	sshll.u32 s1, $0x11  }
0xbb: {  	s0 =	sor.u32 s1, s0  }
0xbc: {  	s0 =	sadd.s32 $0x8F2B, s0  }
0xbd: {  	[sflag:s0] =	ssyncadd.remote.s32 $0x1  }
0xbe: {  	_ =	sfence.sel $0xFFFF  }
0xbf: {  	[dreg:$0x0] =	wrdreg $0xFFFFFFFF;
	(pc) =	sbr.abs _section_cstart, $3  }
0xc0: {  	[dreg:$0x1] =	wrdreg $0xFFFFFFFF  }
0xc1: {  	_ =	task.clear_ibuf [dreg:s6], $0x2FFFF;
	_ =	strace $0x9FFFFFFF  }
0xc2: {  	(tm) =	ssettm $0x7FFFFFFF  }
0xc3: {  	_ =	shalt  }
tec
execute0_lowered:
.L_overlay_start_1:
0x0: {  	(tag) =	ssettag $0x1  }
0x1: {  	s5 =	rddreg [dreg:$0x0]  }
0x2: {  	s1 =	srdreg.scid;
	s0 =	stileid.u32  }
0x3: {  	s2 =	rddreg [dreg:$0x1];
	s3 =	simm.s32 $0x0;
	s9 =	smul.u32 $0x50000, s0  }
0x4: {  	s18 =	simm.s32 $0x80;
	s19 =	simm.s32 $0x2;
	s23 =	smul.u32 $0x13C00, s0  }
0x5: {  	s20 =	simm.s32 $0x1300;
	s7 =	sand.u32 $0x1, s1;
	s25 =	smul.u32 $0x4F000, s0  }
0x6: {  	s4 =	sshll.u32 s0, $0x1;
	s1 =	rddreg [dreg:$0x2];
	s17 =	smul.u32 $0x50, s0  }
0x7: {  	[smem:$0x7FF] =	sst s3;
	s11 =	sadd.s32 $0x3FC00, s5;
	s14 =	smul.u32 $0x138800, s7  }
0x8: {  	s13 =	sadd.s32 $0x2BFC00, s5;
	s6 =	sor.u32 s7, s4;
	s28 =	smul.u32 $0x28, s7  }
0x9: {  	s24 =	sshll.u32 s0, $0x6;
	p0 =	seq.s32 s0, $0xF;
	s4 =	smul.u32 $0x280, s6  }
0xa: {  	_ =	strace $0x80000050;
	s10 =	ssub.s32 $0x2, s7;
	s12 =	smul.u32 $0x14000, s6  }
0xb: {  	s21 =	sshrl.u32 s10, $0x1;
	s22 =	sshrl.u32 s9, $0x2;
	s9 =	sshrl.u32 s25, $0x2  }
0xc: {  	s10 =	ssub.s32 s10, s21;
	s15 =	sadd.s32 s22, s2;
	s16 =	sadd.s32 s23, s14  }
0xd: {  	s29 =	sshrl.u32 s14, $0x3;
	s30 =	sadd.s32 s28, s17;
	s23 =	sadd.s32 s9, s2  }
0xe: {  	s22 =	sadd.s32 $0x128400, s2;
	s14 =	simm.s32 $0x3;
	s17 =	simm.s32 $0x5400  }
0xf: {  	s21 =	simm.s32 $0x1380;
	s8 =	sadd.s32 s4, s5;
	s4 =	sadd.s32 $0x4A00, s5  }
0x10: {  	s5 =	sor.u32 $0x1C03, s24;
	s26 =	sshrl.u32 s16, $0x3;
	s7 =	sadd.s32 s11, s12  }
0x11: {  	s12 =	sadd.s32 s13, s29;
	s31 =	sshll.u32 s30, $0xB;
	s10 =	smax.u32 s10, $0x1  }
0x12: {  	s16 =	simm.s32 $0x1;
	s22 =	sshrl.u32 @p0 s22, $0x3;
	s23 =	sshrl.u32 @!p0 s23, $0x3  }
0x13: {  	s24 =	simm.s32 $0x0;
	s6 =	sadd.s32 $0x3AC00, s8;
	s8 =	sadd.s32 s13, s26  }
0x14: {  	s9 =	sadd.s32 $0x25080, s12;
	s12 =	sadd.s32 s31, s11;
	s11 =	sadd.s32 $0x13800, s7  }
0x15: {  	s13 =	sshrl.u32 s15, $0x3;
	s15 =	simm.s32 $0x1400;
	s12 =	sadd.s32 $0x1000, s12  }
.LBB2_1:
0x16: {  	[spmem:s13], [sflag:s5] =	dma.local [hbm:s4], $0x2800  }
0x17: {  	_ =	swait.ge [sflag:s14], $0x2800  }
0x18: {  	[sflag:s14] =	ssyncset.done $0x0  }
0x19: {  	[sflag:s14] =	ssyncadd.s32 $0xFFFFD800  }
0x1a: {  	[tilespmem:s3], [sflag:$0x3] =	stream.linear.gather [hbm4b:s6+s3], $0x1400, $0x38;
	[tilespmem:$0x1D400] =	vst v63  }
0x1b: {  	_ =	swait.ge [sflag:s14], $0x1400  }
0x1c: {  	[sflag:s14] =	ssyncset.done $0x0  }
0x1d: {  	[sflag:s14] =	ssyncadd.s32 $0xFFFFEC00  }
0x1e: {  	[bflag:$0x0] =	sbarrier.arrive $0xFFFF  }
0x1f: {  	[tilespmem:s15], [sflag:$0x1] =	stream.linear.gather [hbm4b:s7+s3], $0x4000, $0x38;
	[tilespmem:$0x1D400] =	vst v63  }
0x20: {  	_ =	swait.ge [sflag:s16], $0x4000  }
0x21: {  	[sflag:s16] =	ssyncset.done $0x0  }
0x22: {  	s25 =	sadd.s32 $0xFFFFF800, s12;
	[sflag:s16] =	ssyncadd.s32 $0xFFFFC000  }
0x23: {  	[tilespmem:s17], [sflag:$0x2] =	stream.linear.gather [hbm4b:s25+s3], $0x4000, $0x38;
	[tilespmem:$0x1D400] =	vst v63  }
0x24: {  	s30 =	simm.s32 $0x0  }
0x25: {  	[spmem:s2] =	stream.indirect.scatter.add.f32 [tilespmem:s15], [sflag:$0x3], $0x80, s30, s18, $0xb8;
	[tilespmem:$0x1D400] =	vst v63  }
0x26: {  	_ =	swait.ge [sflag:s14], $0x4000  }
0x27: {  	[sflag:s14] =	ssyncset.done $0x0  }
0x28: {  	[sflag:s14] =	ssyncadd.s32 $0xFFFFC000  }
0x29: {  	_ =	swait.ge [sflag:s19], $0x4000  }
0x2a: {  	[sflag:s19] =	ssyncset.done $0x0  }
0x2b: {  	[sflag:s19] =	ssyncadd.s32 $0xFFFFC000  }
0x2c: {  	[tilespmem:s15], [sflag:$0x1] =	stream.linear.gather [hbm4b:s12+s3], $0x4000, $0x38;
	[tilespmem:$0x1D400] =	vst v63  }
0x2d: {  	s31 =	simm.s32 $0x80  }
0x2e: {  	[spmem:s2] =	stream.indirect.scatter.add.f32 [tilespmem:s17], [sflag:$0x3], $0x80, s31, s18, $0xb8;
	[tilespmem:$0x1D400] =	vst v63  }
0x2f: {  	_ =	swait.ge [sflag:s14], $0x4000  }
0x30: {  	s26 =	smov.u32 s12;
	s25 =	simm.s32 $0x400;
	[sflag:s14] =	ssyncset.done $0x0  }
.LBB2_2:
0x31: {  	p1 =	sne.s32 s25, $0x4800;
	[sflag:s14] =	ssyncadd.s32 $0xFFFFC000;
	s26 =	sadd.s32 $0x1000, s26  }
0x32: {  	s28 =	smov.u32 s25;
	s25 =	sadd.s32 $0x400, s25  }
0x33: {  	_ =	swait.ge [sflag:s16], $0x4000  }
0x34: {  	[sflag:s16] =	ssyncset.done $0x0  }
0x35: {  	s29 =	sadd.s32 $0xFFFFF800, s26;
	[sflag:s16] =	ssyncadd.s32 $0xFFFFC000  }
0x36: {  	[tilespmem:s17], [sflag:$0x2] =	stream.linear.gather [hbm4b:s29+s3], $0x4000, $0x38;
	[tilespmem:$0x1D400] =	vst v63  }
0x37: {  	s28 =	sshra.s32 s28, $0x2  }
0x38: {  	[spmem:s2] =	stream.indirect.scatter.add.f32 [tilespmem:s15], [sflag:$0x3], $0x80, s28, s18, $0xb8;
	[tilespmem:$0x1D400] =	vst v63  }
0x39: {  	_ =	swait.ge [sflag:s14], $0x4000  }
0x3a: {  	[sflag:s14] =	ssyncset.done $0x0  }
0x3b: {  	[sflag:s14] =	ssyncadd.s32 $0xFFFFC000  }
0x3c: {  	_ =	swait.ge [sflag:s19], $0x4000  }
0x3d: {  	[sflag:s19] =	ssyncset.done $0x0  }
0x3e: {  	[sflag:s19] =	ssyncadd.s32 $0xFFFFC000  }
0x3f: {  	[tilespmem:s15], [sflag:$0x1] =	stream.linear.gather [hbm4b:s26+s3], $0x4000, $0x38;
	[tilespmem:$0x1D400] =	vst v63  }
.Ltmp0:
0x40: {  	_ = 	snop;
	(pc) =	sbr.rel @p1 .LBB2_2-.Ltmp0, $4  }
0x41: {  	s28 =	sadd.s32 $0x80, s28  }
0x42: {  	[spmem:s2] =	stream.indirect.scatter.add.f32 [tilespmem:s17], [sflag:$0x3], $0x80, s28, s18, $0xb8;
	[tilespmem:$0x1D400] =	vst v63  }
0x43: {  	_ =	swait.ge [sflag:s14], $0x4000  }
0x44: {  	[sflag:s14] =	ssyncset.done $0x0  }
0x45: {  	[sflag:s14] =	ssyncadd.s32 $0xFFFFC000  }
0x46: {  	_ =	swait.ge [sflag:s16], $0x4000  }
0x47: {  	[sflag:s16] =	ssyncset.done $0x0  }
0x48: {  	[sflag:s16] =	ssyncadd.s32 $0xFFFFC000  }
0x49: {  	[tilespmem:s17], [sflag:$0x2] =	stream.linear.gather [hbm4b:s11+s3], $0x4000, $0x38;
	[tilespmem:$0x1D400] =	vst v63  }
0x4a: {  	_ = 	snop  }
0x4b: {  	[spmem:s2] =	stream.indirect.scatter.add.f32 [tilespmem:s15], [sflag:$0x3], $0x80, s20, s18, $0xb8;
	[tilespmem:$0x1D400] =	vst v63  }
0x4c: {  	_ =	swait.ge [sflag:s14], $0x4000  }
0x4d: {  	[sflag:s14] =	ssyncset.done $0x0  }
0x4e: {  	[sflag:s14] =	ssyncadd.s32 $0xFFFFC000  }
0x4f: {  	_ =	swait.ge [sflag:s19], $0x4000  }
0x50: {  	[sflag:s19] =	ssyncset.done $0x0  }
0x51: {  	[sflag:s19] =	ssyncadd.s32 $0xFFFFC000  }
0x52: {  	[tilespmem:s15], [sflag:$0x1] =	stream.linear.gather [hbm4b:s11+s3], $0x4000, $0x38;
	[tilespmem:$0x1D400] =	vst v63  }
0x53: {  	_ = 	snop  }
0x54: {  	[spmem:s2] =	stream.indirect.scatter.add.f32 [tilespmem:s17], [sflag:$0x3], $0x80, s21, s18, $0xb8;
	[tilespmem:$0x1D400] =	vst v63  }
0x55: {  	_ =	swait.ge [sflag:s14], $0x4000  }
0x56: {  	[sflag:s14] =	ssyncset.done $0x0  }
0x57: {  	[sflag:s14] =	ssyncadd.s32 $0xFFFFC000  }
0x58: {  	_ =	swait.ge [sflag:s16], $0x4000  }
0x59: {  	[sflag:s16] =	ssyncset.done $0x0  }
0x5a: {  	[sflag:s16] =	ssyncadd.s32 $0xFFFFC000  }
0x5b: {  	s25 =	simm.s32 @p0 $0x3;
	[bflag:$0x0] =	sbarrier.arrive $0xFFFF  }
0x5c: {  	[hbm:s9], [sflag:s5] =	dma.local @p0 [spmem:s22], $0x2080  }
0x5d: {  	s24 =	sadd.s32 $0x1, s24;
	_ =	swait.ge @p0 [sflag:s25], $0x2080  }
0x5e: {  	p1 =	sne.s32 s24, s10;
	[sflag:s25] =	ssyncset.done @p0 $0x0  }
.Ltmp1:
0x5f: {  	[sflag:s25] =	ssyncadd.s32 @p0 $0xFFFFDF80;
	s25 =	simm.s32 @!p0 $0x3;
	(pc) =	sbr.rel @p1 .LBB2_1-.Ltmp1, $4  }
0x60: {  	[hbm:s8], [sflag:s5] =	dma.local @!p0 [spmem:s23], $0x2780  }
0x61: {  	_ =	swait.ge @!p0 [sflag:s25], $0x2780  }
0x62: {  	[sflag:s25] =	ssyncset.done @!p0 $0x0  }
0x63: {  	[sflag:s25] =	ssyncadd.s32 @!p0 $0xFFFFD880  }
0x64: {  	_ =	sfence.sel $0x180000  }
0x65: {  	[bflag:$0x0] =	sbarrier.arrive $0xFFFF  }
0x66: {  	p0 =	sne.s32 s0, $0x0;
	_ =	strace $0x90000050  }
0x67: {  	s0 =	sadd.s32 @!p0 $0x100000, s1;
	[bflag:$0x2] =	sbarrier.arrive $0xFFFF  }
0x68: {  	[sflag:s0] =	ssyncadd.tile.s32 @!p0 $0x1;
	_ =	shalt  }
.Lfunc_end2:
_tile_overlayer_lowered:
.L_overlay_start_2:
0x69: {  	(tag) =	ssettag $0x2  }
0x6a: {  	s0 =	rddreg [dreg:$0x0];
	s2 =	stileid.u32  }
0x6b: {  	s1 =	rddreg [dreg:$0x1];
	p0 =	sne.s32 s2, $0x0  }
0x6c: {  	s3 =	rddreg [dreg:$0x2];
	[bflag:$0x3] =	sbarrier.arrive $0xFFFF;
	s2 =	simm.s32 @!p0 $0x1C03  }
0x6d: {  	[timem:s3], [sflag:s2] =	dma.local @!p0 [hbm:s0], s1  }
0x6e: {  	s0 =	simm.s32 @!p0 $0x3  }
0x6f: {  	_ =	swait.ge @!p0 [sflag:s0], s1  }
0x70: {  	s1 =	ssub.s32 @!p0 $0x0, s1;
	[sflag:s0] =	ssyncset.done @!p0 $0x0  }
0x71: {  	[sflag:s0] =	ssyncadd.s32 @!p0 s1  }
0x72: {  	[bflag:$0x3] =	sbarrier.arrive $0xFFFF  }
0x73: {  	_ =	shalt  }

</sc_bundles>
